<compile_context>
chip_gen: v7x
topology: tpu7x:2x2x1
jax: 0.10.2.dev20260603
libtpu: 0.0.44.dev20260713+nightly
codegen_flags: <defaults>
</compile_context>

<pallas_src>
import functools

import jax
import jax.numpy as jnp
from jax import lax
from jax.experimental import pallas as pl
from jax.experimental.pallas import tpu as pltpu
from jax.experimental.pallas import tpu_sc as plsc

G = 100
V = 1000
H = 16
S = 128
BATCH = 16384

NW = 32
NB = 16

_mesh = plsc.VectorSubcoreMesh(core_axis_name="c", subcore_axis_name="s")


def _make_sc_gather(nrows):
    per_w = nrows // NW
    nstep = per_w // NB

    @functools.partial(
        pl.kernel,
        mesh=_mesh,
        compiler_params=pltpu.CompilerParams(use_tc_tiling_on_sc=False),
        out_type=jax.ShapeDtypeStruct((nrows * G, H), jnp.float32),
        scratch_types=[
            pltpu.VMEM((per_w, G), jnp.int32),
            pltpu.VMEM((NB * G, H), jnp.float32),
            pltpu.VMEM((NB * G, H), jnp.float32),
            pltpu.SemaphoreType.DMA,
            pltpu.SemaphoreType.DMA,
        ],
    )
    def _sc_gather(tab_hbm, idx_hbm, out_hbm, idx_v, rows_a, rows_b, sem_a, sem_b):
        wid = lax.axis_index("s") * 2 + lax.axis_index("c")
        b0 = wid * per_w

        pltpu.sync_copy(idx_hbm.at[pl.ds(b0, per_w)], idx_v)

        def fire(c, rows_v, sem):
            for j in range(NB):
                pltpu.async_copy(
                    tab_hbm.at[idx_v.at[c * NB + j]],
                    rows_v.at[pl.ds(j * G, G)],
                    sem)

        def drain_store(c, rows_v, sem):
            for j in range(NB):
                pltpu.make_async_copy(
                    tab_hbm.at[idx_v.at[c * NB + j]],
                    rows_v.at[pl.ds(j * G, G)],
                    sem).wait()
            pltpu.sync_copy(
                rows_v,
                out_hbm.at[pl.ds((b0 + c * NB) * G, NB * G)])

        fire(0, rows_a, sem_a)

        def step(c, carry):
            @pl.when(c % 2 == 0)
            def _():
                @pl.when(c + 1 < nstep)
                def _():
                    fire(c + 1, rows_b, sem_b)
                drain_store(c, rows_a, sem_a)

            @pl.when(c % 2 == 1)
            def _():
                @pl.when(c + 1 < nstep)
                def _():
                    fire(c + 1, rows_a, sem_a)
                drain_store(c, rows_b, sem_b)

            return carry

        lax.fori_loop(0, nstep, step, 0)

    return _sc_gather


BM = 512
NCHUNK = 2
CH = BATCH // NCHUNK


def _mm_body(a_ref, w_ref, bias_ref, o_ref):
    o_ref[...] = jnp.dot(a_ref[...].astype(jnp.bfloat16), w_ref[...],
                         preferred_element_type=jnp.float32) + bias_ref[...]


def _matmul(a, w, bias):
    rows = a.shape[0]
    return pl.pallas_call(
        _mm_body,
        grid=(rows // BM,),
        in_specs=[
            pl.BlockSpec((BM, G * H), lambda i: (i, 0)),
            pl.BlockSpec((G * H, S), lambda i: (0, 0)),
            pl.BlockSpec((1, S), lambda i: (0, 0)),
        ],
        out_specs=pl.BlockSpec((BM, S), lambda i: (i, 0)),
        out_shape=jax.ShapeDtypeStruct((rows, S), jnp.float32),
    )(a, w, bias)


_gather_chunk = _make_sc_gather(CH)


def kernel(x, tables, W, b):
    flat_tables = tables.reshape(G * V, H)
    gidx = x + (jnp.arange(G, dtype=jnp.int32) * V)[None, :]
    wb = W.astype(jnp.bfloat16)
    b2 = b.reshape(1, S)
    outs = []
    for ci in range(NCHUNK):
        a = _gather_chunk(flat_tables,
                          lax.slice(gidx, (ci * CH, 0), ((ci + 1) * CH, G)))
        outs.append(_matmul(a.reshape(CH, G * H), wb, b2))
    return jnp.concatenate(outs, axis=0)

# --- scband reference (transcript-rebuilt; emitter-appended) ---
"""Pipeline reference for scband-gene-graph-encoder-20744692039777 (READ-ONLY COPY).

The authoritative reference and input builder live on the scoring server;
editing this copy changes nothing except your own understanding.
"""

import jax, jax.numpy as jnp
import numpy as np

NB_GENES = 100
VOCAB = 1000
HID = 16
SIG = 128
B = 16384


def setup_inputs(seed: int = 0) -> dict:
    key = jax.random.key(seed)
    k1, k2, k3 = jax.random.split(key, 3)
    # categorical gene columns: int indices in [0, VOCAB)
    x = jax.random.randint(k1, (B, NB_GENES), 0, VOCAB, dtype=jnp.int32)
    # one embedding table per gene, all with the same cat size and emb size
    # stacked into a single [NB_GENES, VOCAB, HID] array
    tables = jax.random.normal(k2, (NB_GENES, VOCAB, HID), dtype=jnp.float32) * 0.05
    # final linear projection to the genomic signature size
    W = jax.random.normal(k3, (NB_GENES * HID, SIG), dtype=jnp.float32) * 0.02
    b = jnp.zeros((SIG,), dtype=jnp.float32)
    return {"x": x, "tables": tables, "W": W, "b": b}


def reference(x, tables, W, b):
    # EntityEmbeddingBlock: per-column embedding lookup then concatenation
    gene_ids = jnp.arange(NB_GENES)[None, :]  # [1, G]
    emb = tables[gene_ids, x]                 # gather -> [B, G, HID]
    flat = emb.reshape(x.shape[0], NB_GENES * HID)  # concat along feature dim
    # project concatenated entity embeddings to the signature size
    sig = flat @ W + b                        # [B, SIG]
    return sig

if __name__ == "__main__":
    import jax
    _d = setup_inputs()
    print(jax.jit(kernel)(*tuple(_d.values())))

</pallas_src>

<mosaic_0001>
#map = affine_map<(d0, d1) -> (0, 0)>
module attributes {stable_mosaic.version = 14 : i64} {
  func.func @_sc_gather(%arg0: i32, %arg1: i32, %arg2: memref<100000x16xf32, #tpu.memory_space<hbm>>, %arg3: memref<8192x100xi32, #tpu.memory_space<hbm>>, %arg4: memref<819200x16xf32, #tpu.memory_space<hbm>>, %arg5: memref<256x100xi32, #tpu.memory_space<vmem>>, %arg6: memref<1600x16xf32, #tpu.memory_space<vmem>>, %arg7: memref<1600x16xf32, #tpu.memory_space<vmem>>, %arg8: memref<!tpu.dma_semaphore, #tpu.memory_space<semaphore_mem>>, %arg9: memref<!tpu.dma_semaphore, #tpu.memory_space<semaphore_mem>>) attributes {dimension_semantics = [#tpu.dimension_semantics<core_parallel>, #tpu.dimension_semantics<subcore_parallel>], iteration_bounds = array<i64: 2, 16>, scalar_prefetch = 0 : i64, scratch_operands = 5 : i64, tpu.core_type = #tpu.core_type<sc_vector_subcore>, window_params = [{transform_indices = #map}, {transform_indices = #map}, {transform_indices = #map}]} {
    %mul3A = arith.constant 2 : i32
    %mul3A_0 = arith.muli %arg1, %mul3A : i32
    %add3A = arith.addi %mul3A_0, %arg0 : i32
    %mul3A_1 = arith.constant 256 : i32
    %mul3A_2 = arith.muli %add3A, %mul3A_1 : i32
    "tpu.region"() ({
      %run_scoped3A = tpu.sem_alloc : memref<!tpu.dma_semaphore, #tpu.memory_space<semaphore_mem>>
      %dma_start3A_167 = arith.constant 0 : i32
      %dma_start3A_168 = tpu.memref_slice %arg3[%mul3A_2, %dma_start3A_167] : memref<8192x100xi32, #tpu.memory_space<hbm>> -> memref<256x100xi32, #tpu.memory_space<hbm>>
      %dma_start3A_169 = arith.constant 0 : i32
      %dma_start3A_170 = tpu.memref_slice %arg3[%mul3A_2, %dma_start3A_169] : memref<8192x100xi32, #tpu.memory_space<hbm>> -> memref<256x100xi32, #tpu.memory_space<hbm>>
      tpu.enqueue_dma source(%dma_start3A_170 : memref<256x100xi32, #tpu.memory_space<hbm>>) target(%arg5 : memref<256x100xi32, #tpu.memory_space<vmem>>) target_semaphore(%run_scoped3A : memref<!tpu.dma_semaphore, #tpu.memory_space<semaphore_mem>>)
      %dma_wait3A = arith.constant 0 : i32
      %dma_wait3A_171 = tpu.memref_slice %arg3[%mul3A_2, %dma_wait3A] : memref<8192x100xi32, #tpu.memory_space<hbm>> -> memref<256x100xi32, #tpu.memory_space<hbm>>
      %dma_wait3A_172 = arith.constant 0 : i32
      %dma_wait3A_173 = tpu.memref_slice %arg3[%mul3A_2, %dma_wait3A_172] : memref<8192x100xi32, #tpu.memory_space<hbm>> -> memref<256x100xi32, #tpu.memory_space<hbm>>
      tpu.wait_dma2 semaphore(%run_scoped3A : memref<!tpu.dma_semaphore, #tpu.memory_space<semaphore_mem>>) src(%dma_wait3A_173 : memref<256x100xi32, #tpu.memory_space<hbm>>) dst(%arg5 : memref<256x100xi32, #tpu.memory_space<vmem>>)
      tpu.yield
    }) : () -> ()
    %dma_start3A = arith.constant 0 : i32
    %dma_start3A_3 = arith.constant 0 : i32
    %dma_start3A_4 = arith.constant 0 : i32
    %dma_start3A_5 = tpu.memref_slice %arg6[%dma_start3A_3, %dma_start3A_4] : memref<1600x16xf32, #tpu.memory_space<vmem>> -> memref<100x16xf32, #tpu.memory_space<vmem>>
    %dma_start3A_6 = arith.constant 0 : i32
    %dma_start3A_7 = tpu.memref_slice %arg5[%dma_start3A, %dma_start3A_6] : memref<256x100xi32, #tpu.memory_space<vmem>> -> memref<1x100xi32, #tpu.memory_space<vmem>>
    %dma_start3A_8 = tpu.memref_squeeze %dma_start3A_7 : memref<1x100xi32, #tpu.memory_space<vmem>> -> memref<100xi32, #tpu.memory_space<vmem>>
    %dma_start3A_9 = arith.constant 0 : i32
    %dma_start3A_10 = arith.constant 0 : i32
    %dma_start3A_11 = tpu.memref_slice %arg2[%dma_start3A_9, %dma_start3A_10] : memref<100000x16xf32, #tpu.memory_space<hbm>> -> memref<100000x16xf32, #tpu.memory_space<hbm>>
    tpu.enqueue_indirect_dma source(%dma_start3A_11 : memref<100000x16xf32, #tpu.memory_space<hbm>>) target(%dma_start3A_5 : memref<100x16xf32, #tpu.memory_space<vmem>>) offsets(%dma_start3A_8 : memref<100xi32, #tpu.memory_space<vmem>>) semaphore(%arg8 : memref<!tpu.dma_semaphore, #tpu.memory_space<semaphore_mem>>)
    %dma_start3A_12 = arith.constant 1 : i32
    %dma_start3A_13 = arith.constant 100 : i32
    %dma_start3A_14 = arith.constant 0 : i32
    %dma_start3A_15 = tpu.memref_slice %arg6[%dma_start3A_13, %dma_start3A_14] : memref<1600x16xf32, #tpu.memory_space<vmem>> -> memref<100x16xf32, #tpu.memory_space<vmem>>
    %dma_start3A_16 = arith.constant 0 : i32
    %dma_start3A_17 = tpu.memref_slice %arg5[%dma_start3A_12, %dma_start3A_16] : memref<256x100xi32, #tpu.memory_space<vmem>> -> memref<1x100xi32, #tpu.memory_space<vmem>>
    %dma_start3A_18 = tpu.memref_squeeze %dma_start3A_17 : memref<1x100xi32, #tpu.memory_space<vmem>> -> memref<100xi32, #tpu.memory_space<vmem>>
    %dma_start3A_19 = arith.constant 0 : i32
    %dma_start3A_20 = arith.constant 0 : i32
    %dma_start3A_21 = tpu.memref_slice %arg2[%dma_start3A_19, %dma_start3A_20] : memref<100000x16xf32, #tpu.memory_space<hbm>> -> memref<100000x16xf32, #tpu.memory_space<hbm>>
    tpu.enqueue_indirect_dma source(%dma_start3A_21 : memref<100000x16xf32, #tpu.memory_space<hbm>>) target(%dma_start3A_15 : memref<100x16xf32, #tpu.memory_space<vmem>>) offsets(%dma_start3A_18 : memref<100xi32, #tpu.memory_space<vmem>>) semaphore(%arg8 : memref<!tpu.dma_semaphore, #tpu.memory_space<semaphore_mem>>)
    %dma_start3A_22 = arith.constant 2 : i32
    %dma_start3A_23 = arith.constant 200 : i32
    %dma_start3A_24 = arith.constant 0 : i32
    %dma_start3A_25 = tpu.memref_slice %arg6[%dma_start3A_23, %dma_start3A_24] : memref<1600x16xf32, #tpu.memory_space<vmem>> -> memref<100x16xf32, #tpu.memory_space<vmem>>
    %dma_start3A_26 = arith.constant 0 : i32
    %dma_start3A_27 = tpu.memref_slice %arg5[%dma_start3A_22, %dma_start3A_26] : memref<256x100xi32, #tpu.memory_space<vmem>> -> memref<1x100xi32, #tpu.memory_space<vmem>>
    %dma_start3A_28 = tpu.memref_squeeze %dma_start3A_27 : memref<1x100xi32, #tpu.memory_space<vmem>> -> memref<100xi32, #tpu.memory_space<vmem>>
    %dma_start3A_29 = arith.constant 0 : i32
    %dma_start3A_30 = arith.constant 0 : i32
    %dma_start3A_31 = tpu.memref_slice %arg2[%dma_start3A_29, %dma_start3A_30] : memref<100000x16xf32, #tpu.memory_space<hbm>> -> memref<100000x16xf32, #tpu.memory_space<hbm>>
    tpu.enqueue_indirect_dma source(%dma_start3A_31 : memref<100000x16xf32, #tpu.memory_space<hbm>>) target(%dma_start3A_25 : memref<100x16xf32, #tpu.memory_space<vmem>>) offsets(%dma_start3A_28 : memref<100xi32, #tpu.memory_space<vmem>>) semaphore(%arg8 : memref<!tpu.dma_semaphore, #tpu.memory_space<semaphore_mem>>)
    %dma_start3A_32 = arith.constant 3 : i32
    %dma_start3A_33 = arith.constant 300 : i32
    %dma_start3A_34 = arith.constant 0 : i32
    %dma_start3A_35 = tpu.memref_slice %arg6[%dma_start3A_33, %dma_start3A_34] : memref<1600x16xf32, #tpu.memory_space<vmem>> -> memref<100x16xf32, #tpu.memory_space<vmem>>
    %dma_start3A_36 = arith.constant 0 : i32
    %dma_start3A_37 = tpu.memref_slice %arg5[%dma_start3A_32, %dma_start3A_36] : memref<256x100xi32, #tpu.memory_space<vmem>> -> memref<1x100xi32, #tpu.memory_space<vmem>>
    %dma_start3A_38 = tpu.memref_squeeze %dma_start3A_37 : memref<1x100xi32, #tpu.memory_space<vmem>> -> memref<100xi32, #tpu.memory_space<vmem>>
    %dma_start3A_39 = arith.constant 0 : i32
    %dma_start3A_40 = arith.constant 0 : i32
    %dma_start3A_41 = tpu.memref_slice %arg2[%dma_start3A_39, %dma_start3A_40] : memref<100000x16xf32, #tpu.memory_space<hbm>> -> memref<100000x16xf32, #tpu.memory_space<hbm>>
    tpu.enqueue_indirect_dma source(%dma_start3A_41 : memref<100000x16xf32, #tpu.memory_space<hbm>>) target(%dma_start3A_35 : memref<100x16xf32, #tpu.memory_space<vmem>>) offsets(%dma_start3A_38 : memref<100xi32, #tpu.memory_space<vmem>>) semaphore(%arg8 : memref<!tpu.dma_semaphore, #tpu.memory_space<semaphore_mem>>)
    %dma_start3A_42 = arith.constant 4 : i32
    %dma_start3A_43 = arith.constant 400 : i32
    %dma_start3A_44 = arith.constant 0 : i32
    %dma_start3A_45 = tpu.memref_slice %arg6[%dma_start3A_43, %dma_start3A_44] : memref<1600x16xf32, #tpu.memory_space<vmem>> -> memref<100x16xf32, #tpu.memory_space<vmem>>
    %dma_start3A_46 = arith.constant 0 : i32
    %dma_start3A_47 = tpu.memref_slice %arg5[%dma_start3A_42, %dma_start3A_46] : memref<256x100xi32, #tpu.memory_space<vmem>> -> memref<1x100xi32, #tpu.memory_space<vmem>>
    %dma_start3A_48 = tpu.memref_squeeze %dma_start3A_47 : memref<1x100xi32, #tpu.memory_space<vmem>> -> memref<100xi32, #tpu.memory_space<vmem>>
    %dma_start3A_49 = arith.constant 0 : i32
    %dma_start3A_50 = arith.constant 0 : i32
    %dma_start3A_51 = tpu.memref_slice %arg2[%dma_start3A_49, %dma_start3A_50] : memref<100000x16xf32, #tpu.memory_space<hbm>> -> memref<100000x16xf32, #tpu.memory_space<hbm>>
    tpu.enqueue_indirect_dma source(%dma_start3A_51 : memref<100000x16xf32, #tpu.memory_space<hbm>>) target(%dma_start3A_45 : memref<100x16xf32, #tpu.memory_space<vmem>>) offsets(%dma_start3A_48 : memref<100xi32, #tpu.memory_space<vmem>>) semaphore(%arg8 : memref<!tpu.dma_semaphore, #tpu.memory_space<semaphore_mem>>)
    %dma_start3A_52 = arith.constant 5 : i32
    %dma_start3A_53 = arith.constant 500 : i32
    %dma_start3A_54 = arith.constant 0 : i32
    %dma_start3A_55 = tpu.memref_slice %arg6[%dma_start3A_53, %dma_start3A_54] : memref<1600x16xf32, #tpu.memory_space<vmem>> -> memref<100x16xf32, #tpu.memory_space<vmem>>
    %dma_start3A_56 = arith.constant 0 : i32
    %dma_start3A_57 = tpu.memref_slice %arg5[%dma_start3A_52, %dma_start3A_56] : memref<256x100xi32, #tpu.memory_space<vmem>> -> memref<1x100xi32, #tpu.memory_space<vmem>>
    %dma_start3A_58 = tpu.memref_squeeze %dma_start3A_57 : memref<1x100xi32, #tpu.memory_space<vmem>> -> memref<100xi32, #tpu.memory_space<vmem>>
    %dma_start3A_59 = arith.constant 0 : i32
    %dma_start3A_60 = arith.constant 0 : i32
    %dma_start3A_61 = tpu.memref_slice %arg2[%dma_start3A_59, %dma_start3A_60] : memref<100000x16xf32, #tpu.memory_space<hbm>> -> memref<100000x16xf32, #tpu.memory_space<hbm>>
    tpu.enqueue_indirect_dma source(%dma_start3A_61 : memref<100000x16xf32, #tpu.memory_space<hbm>>) target(%dma_start3A_55 : memref<100x16xf32, #tpu.memory_space<vmem>>) offsets(%dma_start3A_58 : memref<100xi32, #tpu.memory_space<vmem>>) semaphore(%arg8 : memref<!tpu.dma_semaphore, #tpu.memory_space<semaphore_mem>>)
    %dma_start3A_62 = arith.constant 6 : i32
    %dma_start3A_63 = arith.constant 600 : i32
    %dma_start3A_64 = arith.constant 0 : i32
    %dma_start3A_65 = tpu.memref_slice %arg6[%dma_start3A_63, %dma_start3A_64] : memref<1600x16xf32, #tpu.memory_space<vmem>> -> memref<100x16xf32, #tpu.memory_space<vmem>>
    %dma_start3A_66 = arith.constant 0 : i32
    %dma_start3A_67 = tpu.memref_slice %arg5[%dma_start3A_62, %dma_start3A_66] : memref<256x100xi32, #tpu.memory_space<vmem>> -> memref<1x100xi32, #tpu.memory_space<vmem>>
    %dma_start3A_68 = tpu.memref_squeeze %dma_start3A_67 : memref<1x100xi32, #tpu.memory_space<vmem>> -> memref<100xi32, #tpu.memory_space<vmem>>
    %dma_start3A_69 = arith.constant 0 : i32
    %dma_start3A_70 = arith.constant 0 : i32
    %dma_start3A_71 = tpu.memref_slice %arg2[%dma_start3A_69, %dma_start3A_70] : memref<100000x16xf32, #tpu.memory_space<hbm>> -> memref<100000x16xf32, #tpu.memory_space<hbm>>
    tpu.enqueue_indirect_dma source(%dma_start3A_71 : memref<100000x16xf32, #tpu.memory_space<hbm>>) target(%dma_start3A_65 : memref<100x16xf32, #tpu.memory_space<vmem>>) offsets(%dma_start3A_68 : memref<100xi32, #tpu.memory_space<vmem>>) semaphore(%arg8 : memref<!tpu.dma_semaphore, #tpu.memory_space<semaphore_mem>>)
    %dma_start3A_72 = arith.constant 7 : i32
    %dma_start3A_73 = arith.constant 700 : i32
    %dma_start3A_74 = arith.constant 0 : i32
    %dma_start3A_75 = tpu.memref_slice %arg6[%dma_start3A_73, %dma_start3A_74] : memref<1600x16xf32, #tpu.memory_space<vmem>> -> memref<100x16xf32, #tpu.memory_space<vmem>>
    %dma_start3A_76 = arith.constant 0 : i32
    %dma_start3A_77 = tpu.memref_slice %arg5[%dma_start3A_72, %dma_start3A_76] : memref<256x100xi32, #tpu.memory_space<vmem>> -> memref<1x100xi32, #tpu.memory_space<vmem>>
    %dma_start3A_78 = tpu.memref_squeeze %dma_start3A_77 : memref<1x100xi32, #tpu.memory_space<vmem>> -> memref<100xi32, #tpu.memory_space<vmem>>
    %dma_start3A_79 = arith.constant 0 : i32
    %dma_start3A_80 = arith.constant 0 : i32
    %dma_start3A_81 = tpu.memref_slice %arg2[%dma_start3A_79, %dma_start3A_80] : memref<100000x16xf32, #tpu.memory_space<hbm>> -> memref<100000x16xf32, #tpu.memory_space<hbm>>
    tpu.enqueue_indirect_dma source(%dma_start3A_81 : memref<100000x16xf32, #tpu.memory_space<hbm>>) target(%dma_start3A_75 : memref<100x16xf32, #tpu.memory_space<vmem>>) offsets(%dma_start3A_78 : memref<100xi32, #tpu.memory_space<vmem>>) semaphore(%arg8 : memref<!tpu.dma_semaphore, #tpu.memory_space<semaphore_mem>>)
    %dma_start3A_82 = arith.constant 8 : i32
    %dma_start3A_83 = arith.constant 800 : i32
    %dma_start3A_84 = arith.constant 0 : i32
    %dma_start3A_85 = tpu.memref_slice %arg6[%dma_start3A_83, %dma_start3A_84] : memref<1600x16xf32, #tpu.memory_space<vmem>> -> memref<100x16xf32, #tpu.memory_space<vmem>>
    %dma_start3A_86 = arith.constant 0 : i32
    %dma_start3A_87 = tpu.memref_slice %arg5[%dma_start3A_82, %dma_start3A_86] : memref<256x100xi32, #tpu.memory_space<vmem>> -> memref<1x100xi32, #tpu.memory_space<vmem>>
    %dma_start3A_88 = tpu.memref_squeeze %dma_start3A_87 : memref<1x100xi32, #tpu.memory_space<vmem>> -> memref<100xi32, #tpu.memory_space<vmem>>
    %dma_start3A_89 = arith.constant 0 : i32
    %dma_start3A_90 = arith.constant 0 : i32
    %dma_start3A_91 = tpu.memref_slice %arg2[%dma_start3A_89, %dma_start3A_90] : memref<100000x16xf32, #tpu.memory_space<hbm>> -> memref<100000x16xf32, #tpu.memory_space<hbm>>
    tpu.enqueue_indirect_dma source(%dma_start3A_91 : memref<100000x16xf32, #tpu.memory_space<hbm>>) target(%dma_start3A_85 : memref<100x16xf32, #tpu.memory_space<vmem>>) offsets(%dma_start3A_88 : memref<100xi32, #tpu.memory_space<vmem>>) semaphore(%arg8 : memref<!tpu.dma_semaphore, #tpu.memory_space<semaphore_mem>>)
    %dma_start3A_92 = arith.constant 9 : i32
    %dma_start3A_93 = arith.constant 900 : i32
    %dma_start3A_94 = arith.constant 0 : i32
    %dma_start3A_95 = tpu.memref_slice %arg6[%dma_start3A_93, %dma_start3A_94] : memref<1600x16xf32, #tpu.memory_space<vmem>> -> memref<100x16xf32, #tpu.memory_space<vmem>>
    %dma_start3A_96 = arith.constant 0 : i32
    %dma_start3A_97 = tpu.memref_slice %arg5[%dma_start3A_92, %dma_start3A_96] : memref<256x100xi32, #tpu.memory_space<vmem>> -> memref<1x100xi32, #tpu.memory_space<vmem>>
    %dma_start3A_98 = tpu.memref_squeeze %dma_start3A_97 : memref<1x100xi32, #tpu.memory_space<vmem>> -> memref<100xi32, #tpu.memory_space<vmem>>
    %dma_start3A_99 = arith.constant 0 : i32
    %dma_start3A_100 = arith.constant 0 : i32
    %dma_start3A_101 = tpu.memref_slice %arg2[%dma_start3A_99, %dma_start3A_100] : memref<100000x16xf32, #tpu.memory_space<hbm>> -> memref<100000x16xf32, #tpu.memory_space<hbm>>
    tpu.enqueue_indirect_dma source(%dma_start3A_101 : memref<100000x16xf32, #tpu.memory_space<hbm>>) target(%dma_start3A_95 : memref<100x16xf32, #tpu.memory_space<vmem>>) offsets(%dma_start3A_98 : memref<100xi32, #tpu.memory_space<vmem>>) semaphore(%arg8 : memref<!tpu.dma_semaphore, #tpu.memory_space<semaphore_mem>>)
    %dma_start3A_102 = arith.constant 10 : i32
    %dma_start3A_103 = arith.constant 1000 : i32
    %dma_start3A_104 = arith.constant 0 : i32
    %dma_start3A_105 = tpu.memref_slice %arg6[%dma_start3A_103, %dma_start3A_104] : memref<1600x16xf32, #tpu.memory_space<vmem>> -> memref<100x16xf32, #tpu.memory_space<vmem>>
    %dma_start3A_106 = arith.constant 0 : i32
    %dma_start3A_107 = tpu.memref_slice %arg5[%dma_start3A_102, %dma_start3A_106] : memref<256x100xi32, #tpu.memory_space<vmem>> -> memref<1x100xi32, #tpu.memory_space<vmem>>
    %dma_start3A_108 = tpu.memref_squeeze %dma_start3A_107 : memref<1x100xi32, #tpu.memory_space<vmem>> -> memref<100xi32, #tpu.memory_space<vmem>>
    %dma_start3A_109 = arith.constant 0 : i32
    %dma_start3A_110 = arith.constant 0 : i32
    %dma_start3A_111 = tpu.memref_slice %arg2[%dma_start3A_109, %dma_start3A_110] : memref<100000x16xf32, #tpu.memory_space<hbm>> -> memref<100000x16xf32, #tpu.memory_space<hbm>>
    tpu.enqueue_indirect_dma source(%dma_start3A_111 : memref<100000x16xf32, #tpu.memory_space<hbm>>) target(%dma_start3A_105 : memref<100x16xf32, #tpu.memory_space<vmem>>) offsets(%dma_start3A_108 : memref<100xi32, #tpu.memory_space<vmem>>) semaphore(%arg8 : memref<!tpu.dma_semaphore, #tpu.memory_space<semaphore_mem>>)
    %dma_start3A_112 = arith.constant 11 : i32
    %dma_start3A_113 = arith.constant 1100 : i32
    %dma_start3A_114 = arith.constant 0 : i32
    %dma_start3A_115 = tpu.memref_slice %arg6[%dma_start3A_113, %dma_start3A_114] : memref<1600x16xf32, #tpu.memory_space<vmem>> -> memref<100x16xf32, #tpu.memory_space<vmem>>
    %dma_start3A_116 = arith.constant 0 : i32
    %dma_start3A_117 = tpu.memref_slice %arg5[%dma_start3A_112, %dma_start3A_116] : memref<256x100xi32, #tpu.memory_space<vmem>> -> memref<1x100xi32, #tpu.memory_space<vmem>>
    %dma_start3A_118 = tpu.memref_squeeze %dma_start3A_117 : memref<1x100xi32, #tpu.memory_space<vmem>> -> memref<100xi32, #tpu.memory_space<vmem>>
    %dma_start3A_119 = arith.constant 0 : i32
    %dma_start3A_120 = arith.constant 0 : i32
    %dma_start3A_121 = tpu.memref_slice %arg2[%dma_start3A_119, %dma_start3A_120] : memref<100000x16xf32, #tpu.memory_space<hbm>> -> memref<100000x16xf32, #tpu.memory_space<hbm>>
    tpu.enqueue_indirect_dma source(%dma_start3A_121 : memref<100000x16xf32, #tpu.memory_space<hbm>>) target(%dma_start3A_115 : memref<100x16xf32, #tpu.memory_space<vmem>>) offsets(%dma_start3A_118 : memref<100xi32, #tpu.memory_space<vmem>>) semaphore(%arg8 : memref<!tpu.dma_semaphore, #tpu.memory_space<semaphore_mem>>)
    %dma_start3A_122 = arith.constant 12 : i32
    %dma_start3A_123 = arith.constant 1200 : i32
    %dma_start3A_124 = arith.constant 0 : i32
    %dma_start3A_125 = tpu.memref_slice %arg6[%dma_start3A_123, %dma_start3A_124] : memref<1600x16xf32, #tpu.memory_space<vmem>> -> memref<100x16xf32, #tpu.memory_space<vmem>>
    %dma_start3A_126 = arith.constant 0 : i32
    %dma_start3A_127 = tpu.memref_slice %arg5[%dma_start3A_122, %dma_start3A_126] : memref<256x100xi32, #tpu.memory_space<vmem>> -> memref<1x100xi32, #tpu.memory_space<vmem>>
    %dma_start3A_128 = tpu.memref_squeeze %dma_start3A_127 : memref<1x100xi32, #tpu.memory_space<vmem>> -> memref<100xi32, #tpu.memory_space<vmem>>
    %dma_start3A_129 = arith.constant 0 : i32
    %dma_start3A_130 = arith.constant 0 : i32
    %dma_start3A_131 = tpu.memref_slice %arg2[%dma_start3A_129, %dma_start3A_130] : memref<100000x16xf32, #tpu.memory_space<hbm>> -> memref<100000x16xf32, #tpu.memory_space<hbm>>
    tpu.enqueue_indirect_dma source(%dma_start3A_131 : memref<100000x16xf32, #tpu.memory_space<hbm>>) target(%dma_start3A_125 : memref<100x16xf32, #tpu.memory_space<vmem>>) offsets(%dma_start3A_128 : memref<100xi32, #tpu.memory_space<vmem>>) semaphore(%arg8 : memref<!tpu.dma_semaphore, #tpu.memory_space<semaphore_mem>>)
    %dma_start3A_132 = arith.constant 13 : i32
    %dma_start3A_133 = arith.constant 1300 : i32
    %dma_start3A_134 = arith.constant 0 : i32
    %dma_start3A_135 = tpu.memref_slice %arg6[%dma_start3A_133, %dma_start3A_134] : memref<1600x16xf32, #tpu.memory_space<vmem>> -> memref<100x16xf32, #tpu.memory_space<vmem>>
    %dma_start3A_136 = arith.constant 0 : i32
    %dma_start3A_137 = tpu.memref_slice %arg5[%dma_start3A_132, %dma_start3A_136] : memref<256x100xi32, #tpu.memory_space<vmem>> -> memref<1x100xi32, #tpu.memory_space<vmem>>
    %dma_start3A_138 = tpu.memref_squeeze %dma_start3A_137 : memref<1x100xi32, #tpu.memory_space<vmem>> -> memref<100xi32, #tpu.memory_space<vmem>>
    %dma_start3A_139 = arith.constant 0 : i32
    %dma_start3A_140 = arith.constant 0 : i32
    %dma_start3A_141 = tpu.memref_slice %arg2[%dma_start3A_139, %dma_start3A_140] : memref<100000x16xf32, #tpu.memory_space<hbm>> -> memref<100000x16xf32, #tpu.memory_space<hbm>>
    tpu.enqueue_indirect_dma source(%dma_start3A_141 : memref<100000x16xf32, #tpu.memory_space<hbm>>) target(%dma_start3A_135 : memref<100x16xf32, #tpu.memory_space<vmem>>) offsets(%dma_start3A_138 : memref<100xi32, #tpu.memory_space<vmem>>) semaphore(%arg8 : memref<!tpu.dma_semaphore, #tpu.memory_space<semaphore_mem>>)
    %dma_start3A_142 = arith.constant 14 : i32
    %dma_start3A_143 = arith.constant 1400 : i32
    %dma_start3A_144 = arith.constant 0 : i32
    %dma_start3A_145 = tpu.memref_slice %arg6[%dma_start3A_143, %dma_start3A_144] : memref<1600x16xf32, #tpu.memory_space<vmem>> -> memref<100x16xf32, #tpu.memory_space<vmem>>
    %dma_start3A_146 = arith.constant 0 : i32
    %dma_start3A_147 = tpu.memref_slice %arg5[%dma_start3A_142, %dma_start3A_146] : memref<256x100xi32, #tpu.memory_space<vmem>> -> memref<1x100xi32, #tpu.memory_space<vmem>>
    %dma_start3A_148 = tpu.memref_squeeze %dma_start3A_147 : memref<1x100xi32, #tpu.memory_space<vmem>> -> memref<100xi32, #tpu.memory_space<vmem>>
    %dma_start3A_149 = arith.constant 0 : i32
    %dma_start3A_150 = arith.constant 0 : i32
    %dma_start3A_151 = tpu.memref_slice %arg2[%dma_start3A_149, %dma_start3A_150] : memref<100000x16xf32, #tpu.memory_space<hbm>> -> memref<100000x16xf32, #tpu.memory_space<hbm>>
    tpu.enqueue_indirect_dma source(%dma_start3A_151 : memref<100000x16xf32, #tpu.memory_space<hbm>>) target(%dma_start3A_145 : memref<100x16xf32, #tpu.memory_space<vmem>>) offsets(%dma_start3A_148 : memref<100xi32, #tpu.memory_space<vmem>>) semaphore(%arg8 : memref<!tpu.dma_semaphore, #tpu.memory_space<semaphore_mem>>)
    %dma_start3A_152 = arith.constant 15 : i32
    %dma_start3A_153 = arith.constant 1500 : i32
    %dma_start3A_154 = arith.constant 0 : i32
    %dma_start3A_155 = tpu.memref_slice %arg6[%dma_start3A_153, %dma_start3A_154] : memref<1600x16xf32, #tpu.memory_space<vmem>> -> memref<100x16xf32, #tpu.memory_space<vmem>>
    %dma_start3A_156 = arith.constant 0 : i32
    %dma_start3A_157 = tpu.memref_slice %arg5[%dma_start3A_152, %dma_start3A_156] : memref<256x100xi32, #tpu.memory_space<vmem>> -> memref<1x100xi32, #tpu.memory_space<vmem>>
    %dma_start3A_158 = tpu.memref_squeeze %dma_start3A_157 : memref<1x100xi32, #tpu.memory_space<vmem>> -> memref<100xi32, #tpu.memory_space<vmem>>
    %dma_start3A_159 = arith.constant 0 : i32
    %dma_start3A_160 = arith.constant 0 : i32
    %dma_start3A_161 = tpu.memref_slice %arg2[%dma_start3A_159, %dma_start3A_160] : memref<100000x16xf32, #tpu.memory_space<hbm>> -> memref<100000x16xf32, #tpu.memory_space<hbm>>
    tpu.enqueue_indirect_dma source(%dma_start3A_161 : memref<100000x16xf32, #tpu.memory_space<hbm>>) target(%dma_start3A_155 : memref<100x16xf32, #tpu.memory_space<vmem>>) offsets(%dma_start3A_158 : memref<100xi32, #tpu.memory_space<vmem>>) semaphore(%arg8 : memref<!tpu.dma_semaphore, #tpu.memory_space<semaphore_mem>>)
    %scan3A = arith.constant 0 : i32
    %scan3A_162 = arith.constant 0 : i32
    %scan3A_163 = arith.constant 16 : i32
    %scan3A_164 = arith.addi %scan3A_162, %scan3A_163 : i32
    %scan3A_165 = arith.constant 1 : i32
    scf.for %scan3A_167 = %scan3A_162 to %scan3A_164 step %scan3A_165  : i32 {
      %jit3A = arith.constant 2 : i32
      %eq3A = arith.constant 0 : i32
      %eq3A_168 = arith.cmpi eq, %jit3A, %eq3A : i32
      %jit3A_169 = arith.constant 1 : i32
      %select_n3A = arith.select %eq3A_168, %jit3A_169, %jit3A : i32
      %rem3A = arith.remsi %scan3A_167, %select_n3A : i32
      %ne3A = arith.constant 0 : i32
      %ne3A_170 = arith.cmpi ne, %rem3A, %ne3A : i32
      %lt3A = arith.constant 0 : i32
      %lt3A_171 = arith.cmpi slt, %rem3A, %lt3A : i32
      %lt3A_172 = arith.constant 0 : i32
      %lt3A_173 = arith.cmpi slt, %select_n3A, %lt3A_172 : i32
      %ne3A_174 = arith.xori %lt3A_171, %lt3A_173 : i1
      %and3A = arith.andi %ne3A_174, %ne3A_170 : i1
      %add3A_175 = arith.addi %rem3A, %select_n3A : i32
      %select_n3A_176 = arith.select %and3A, %add3A_175, %rem3A : i32
      %eq3A_177 = arith.constant 0 : i32
      %eq3A_178 = arith.cmpi eq, %select_n3A_176, %eq3A_177 : i32
      %convert_element_type3A = arith.extui %eq3A_178 : i1 to i32
      %cond3A = arith.constant 0 : i32
      %cond3A_179 = arith.cmpi ne, %convert_element_type3A, %cond3A : i32
      scf.if %cond3A_179 {
        %add3A_201 = arith.constant 1 : i32
        %add3A_202 = arith.addi %scan3A_167, %add3A_201 : i32
        %lt3A_203 = arith.constant 16 : i32
        %lt3A_204 = arith.cmpi slt, %add3A_202, %lt3A_203 : i32
        %convert_element_type3A_205 = arith.extui %lt3A_204 : i1 to i32
        %cond3A_206 = arith.constant 0 : i32
        %cond3A_207 = arith.cmpi ne, %convert_element_type3A_205, %cond3A_206 : i32
        scf.if %cond3A_207 {
          %add3A_420 = arith.constant 1 : i32
          %add3A_421 = arith.addi %scan3A_167, %add3A_420 : i32
          %mul3A_422 = arith.constant 16 : i32
          %mul3A_423 = arith.muli %add3A_421, %mul3A_422 : i32
          %add3A_424 = arith.constant 0 : i32
          %add3A_425 = arith.addi %mul3A_423, %add3A_424 : i32
          %dma_start3A_426 = arith.constant 0 : i32
          %dma_start3A_427 = arith.constant 0 : i32
          %dma_start3A_428 = tpu.memref_slice %arg7[%dma_start3A_426, %dma_start3A_427] : memref<1600x16xf32, #tpu.memory_space<vmem>> -> memref<100x16xf32, #tpu.memory_space<vmem>>
          %dma_start3A_429 = arith.constant 0 : i32
          %dma_start3A_430 = tpu.memref_slice %arg5[%add3A_425, %dma_start3A_429] : memref<256x100xi32, #tpu.memory_space<vmem>> -> memref<1x100xi32, #tpu.memory_space<vmem>>
          %dma_start3A_431 = tpu.memref_squeeze %dma_start3A_430 : memref<1x100xi32, #tpu.memory_space<vmem>> -> memref<100xi32, #tpu.memory_space<vmem>>
          %dma_start3A_432 = arith.constant 0 : i32
          %dma_start3A_433 = arith.constant 0 : i32
          %dma_start3A_434 = tpu.memref_slice %arg2[%dma_start3A_432, %dma_start3A_433] : memref<100000x16xf32, #tpu.memory_space<hbm>> -> memref<100000x16xf32, #tpu.memory_space<hbm>>
          tpu.enqueue_indirect_dma source(%dma_start3A_434 : memref<100000x16xf32, #tpu.memory_space<hbm>>) target(%dma_start3A_428 : memref<100x16xf32, #tpu.memory_space<vmem>>) offsets(%dma_start3A_431 : memref<100xi32, #tpu.memory_space<vmem>>) semaphore(%arg9 : memref<!tpu.dma_semaphore, #tpu.memory_space<semaphore_mem>>)
          %mul3A_435 = arith.constant 16 : i32
          %mul3A_436 = arith.muli %add3A_421, %mul3A_435 : i32
          %add3A_437 = arith.constant 1 : i32
          %add3A_438 = arith.addi %mul3A_436, %add3A_437 : i32
          %dma_start3A_439 = arith.constant 100 : i32
          %dma_start3A_440 = arith.constant 0 : i32
          %dma_start3A_441 = tpu.memref_slice %arg7[%dma_start3A_439, %dma_start3A_440] : memref<1600x16xf32, #tpu.memory_space<vmem>> -> memref<100x16xf32, #tpu.memory_space<vmem>>
          %dma_start3A_442 = arith.constant 0 : i32
          %dma_start3A_443 = tpu.memref_slice %arg5[%add3A_438, %dma_start3A_442] : memref<256x100xi32, #tpu.memory_space<vmem>> -> memref<1x100xi32, #tpu.memory_space<vmem>>
          %dma_start3A_444 = tpu.memref_squeeze %dma_start3A_443 : memref<1x100xi32, #tpu.memory_space<vmem>> -> memref<100xi32, #tpu.memory_space<vmem>>
          %dma_start3A_445 = arith.constant 0 : i32
          %dma_start3A_446 = arith.constant 0 : i32
          %dma_start3A_447 = tpu.memref_slice %arg2[%dma_start3A_445, %dma_start3A_446] : memref<100000x16xf32, #tpu.memory_space<hbm>> -> memref<100000x16xf32, #tpu.memory_space<hbm>>
          tpu.enqueue_indirect_dma source(%dma_start3A_447 : memref<100000x16xf32, #tpu.memory_space<hbm>>) target(%dma_start3A_441 : memref<100x16xf32, #tpu.memory_space<vmem>>) offsets(%dma_start3A_444 : memref<100xi32, #tpu.memory_space<vmem>>) semaphore(%arg9 : memref<!tpu.dma_semaphore, #tpu.memory_space<semaphore_mem>>)
          %mul3A_448 = arith.constant 16 : i32
          %mul3A_449 = arith.muli %add3A_421, %mul3A_448 : i32
          %add3A_450 = arith.constant 2 : i32
          %add3A_451 = arith.addi %mul3A_449, %add3A_450 : i32
          %dma_start3A_452 = arith.constant 200 : i32
          %dma_start3A_453 = arith.constant 0 : i32
          %dma_start3A_454 = tpu.memref_slice %arg7[%dma_start3A_452, %dma_start3A_453] : memref<1600x16xf32, #tpu.memory_space<vmem>> -> memref<100x16xf32, #tpu.memory_space<vmem>>
          %dma_start3A_455 = arith.constant 0 : i32
          %dma_start3A_456 = tpu.memref_slice %arg5[%add3A_451, %dma_start3A_455] : memref<256x100xi32, #tpu.memory_space<vmem>> -> memref<1x100xi32, #tpu.memory_space<vmem>>
          %dma_start3A_457 = tpu.memref_squeeze %dma_start3A_456 : memref<1x100xi32, #tpu.memory_space<vmem>> -> memref<100xi32, #tpu.memory_space<vmem>>
          %dma_start3A_458 = arith.constant 0 : i32
          %dma_start3A_459 = arith.constant 0 : i32
          %dma_start3A_460 = tpu.memref_slice %arg2[%dma_start3A_458, %dma_start3A_459] : memref<100000x16xf32, #tpu.memory_space<hbm>> -> memref<100000x16xf32, #tpu.memory_space<hbm>>
          tpu.enqueue_indirect_dma source(%dma_start3A_460 : memref<100000x16xf32, #tpu.memory_space<hbm>>) target(%dma_start3A_454 : memref<100x16xf32, #tpu.memory_space<vmem>>) offsets(%dma_start3A_457 : memref<100xi32, #tpu.memory_space<vmem>>) semaphore(%arg9 : memref<!tpu.dma_semaphore, #tpu.memory_space<semaphore_mem>>)
          %mul3A_461 = arith.constant 16 : i32
          %mul3A_462 = arith.muli %add3A_421, %mul3A_461 : i32
          %add3A_463 = arith.constant 3 : i32
          %add3A_464 = arith.addi %mul3A_462, %add3A_463 : i32
          %dma_start3A_465 = arith.constant 300 : i32
          %dma_start3A_466 = arith.constant 0 : i32
          %dma_start3A_467 = tpu.memref_slice %arg7[%dma_start3A_465, %dma_start3A_466] : memref<1600x16xf32, #tpu.memory_space<vmem>> -> memref<100x16xf32, #tpu.memory_space<vmem>>
          %dma_start3A_468 = arith.constant 0 : i32
          %dma_start3A_469 = tpu.memref_slice %arg5[%add3A_464, %dma_start3A_468] : memref<256x100xi32, #tpu.memory_space<vmem>> -> memref<1x100xi32, #tpu.memory_space<vmem>>
          %dma_start3A_470 = tpu.memref_squeeze %dma_start3A_469 : memref<1x100xi32, #tpu.memory_space<vmem>> -> memref<100xi32, #tpu.memory_space<vmem>>
          %dma_start3A_471 = arith.constant 0 : i32
          %dma_start3A_472 = arith.constant 0 : i32
          %dma_start3A_473 = tpu.memref_slice %arg2[%dma_start3A_471, %dma_start3A_472] : memref<100000x16xf32, #tpu.memory_space<hbm>> -> memref<100000x16xf32, #tpu.memory_space<hbm>>
          tpu.enqueue_indirect_dma source(%dma_start3A_473 : memref<100000x16xf32, #tpu.memory_space<hbm>>) target(%dma_start3A_467 : memref<100x16xf32, #tpu.memory_space<vmem>>) offsets(%dma_start3A_470 : memref<100xi32, #tpu.memory_space<vmem>>) semaphore(%arg9 : memref<!tpu.dma_semaphore, #tpu.memory_space<semaphore_mem>>)
          %mul3A_474 = arith.constant 16 : i32
          %mul3A_475 = arith.muli %add3A_421, %mul3A_474 : i32
          %add3A_476 = arith.constant 4 : i32
          %add3A_477 = arith.addi %mul3A_475, %add3A_476 : i32
          %dma_start3A_478 = arith.constant 400 : i32
          %dma_start3A_479 = arith.constant 0 : i32
          %dma_start3A_480 = tpu.memref_slice %arg7[%dma_start3A_478, %dma_start3A_479] : memref<1600x16xf32, #tpu.memory_space<vmem>> -> memref<100x16xf32, #tpu.memory_space<vmem>>
          %dma_start3A_481 = arith.constant 0 : i32
          %dma_start3A_482 = tpu.memref_slice %arg5[%add3A_477, %dma_start3A_481] : memref<256x100xi32, #tpu.memory_space<vmem>> -> memref<1x100xi32, #tpu.memory_space<vmem>>
          %dma_start3A_483 = tpu.memref_squeeze %dma_start3A_482 : memref<1x100xi32, #tpu.memory_space<vmem>> -> memref<100xi32, #tpu.memory_space<vmem>>
          %dma_start3A_484 = arith.constant 0 : i32
          %dma_start3A_485 = arith.constant 0 : i32
          %dma_start3A_486 = tpu.memref_slice %arg2[%dma_start3A_484, %dma_start3A_485] : memref<100000x16xf32, #tpu.memory_space<hbm>> -> memref<100000x16xf32, #tpu.memory_space<hbm>>
          tpu.enqueue_indirect_dma source(%dma_start3A_486 : memref<100000x16xf32, #tpu.memory_space<hbm>>) target(%dma_start3A_480 : memref<100x16xf32, #tpu.memory_space<vmem>>) offsets(%dma_start3A_483 : memref<100xi32, #tpu.memory_space<vmem>>) semaphore(%arg9 : memref<!tpu.dma_semaphore, #tpu.memory_space<semaphore_mem>>)
          %mul3A_487 = arith.constant 16 : i32
          %mul3A_488 = arith.muli %add3A_421, %mul3A_487 : i32
          %add3A_489 = arith.constant 5 : i32
          %add3A_490 = arith.addi %mul3A_488, %add3A_489 : i32
          %dma_start3A_491 = arith.constant 500 : i32
          %dma_start3A_492 = arith.constant 0 : i32
          %dma_start3A_493 = tpu.memref_slice %arg7[%dma_start3A_491, %dma_start3A_492] : memref<1600x16xf32, #tpu.memory_space<vmem>> -> memref<100x16xf32, #tpu.memory_space<vmem>>
          %dma_start3A_494 = arith.constant 0 : i32
          %dma_start3A_495 = tpu.memref_slice %arg5[%add3A_490, %dma_start3A_494] : memref<256x100xi32, #tpu.memory_space<vmem>> -> memref<1x100xi32, #tpu.memory_space<vmem>>
          %dma_start3A_496 = tpu.memref_squeeze %dma_start3A_495 : memref<1x100xi32, #tpu.memory_space<vmem>> -> memref<100xi32, #tpu.memory_space<vmem>>
          %dma_start3A_497 = arith.constant 0 : i32
          %dma_start3A_498 = arith.constant 0 : i32
          %dma_start3A_499 = tpu.memref_slice %arg2[%dma_start3A_497, %dma_start3A_498] : memref<100000x16xf32, #tpu.memory_space<hbm>> -> memref<100000x16xf32, #tpu.memory_space<hbm>>
          tpu.enqueue_indirect_dma source(%dma_start3A_499 : memref<100000x16xf32, #tpu.memory_space<hbm>>) target(%dma_start3A_493 : memref<100x16xf32, #tpu.memory_space<vmem>>) offsets(%dma_start3A_496 : memref<100xi32, #tpu.memory_space<vmem>>) semaphore(%arg9 : memref<!tpu.dma_semaphore, #tpu.memory_space<semaphore_mem>>)
          %mul3A_500 = arith.constant 16 : i32
          %mul3A_501 = arith.muli %add3A_421, %mul3A_500 : i32
          %add3A_502 = arith.constant 6 : i32
          %add3A_503 = arith.addi %mul3A_501, %add3A_502 : i32
          %dma_start3A_504 = arith.constant 600 : i32
          %dma_start3A_505 = arith.constant 0 : i32
          %dma_start3A_506 = tpu.memref_slice %arg7[%dma_start3A_504, %dma_start3A_505] : memref<1600x16xf32, #tpu.memory_space<vmem>> -> memref<100x16xf32, #tpu.memory_space<vmem>>
          %dma_start3A_507 = arith.constant 0 : i32
          %dma_start3A_508 = tpu.memref_slice %arg5[%add3A_503, %dma_start3A_507] : memref<256x100xi32, #tpu.memory_space<vmem>> -> memref<1x100xi32, #tpu.memory_space<vmem>>
          %dma_start3A_509 = tpu.memref_squeeze %dma_start3A_508 : memref<1x100xi32, #tpu.memory_space<vmem>> -> memref<100xi32, #tpu.memory_space<vmem>>
          %dma_start3A_510 = arith.constant 0 : i32
          %dma_start3A_511 = arith.constant 0 : i32
          %dma_start3A_512 = tpu.memref_slice %arg2[%dma_start3A_510, %dma_start3A_511] : memref<100000x16xf32, #tpu.memory_space<hbm>> -> memref<100000x16xf32, #tpu.memory_space<hbm>>
          tpu.enqueue_indirect_dma source(%dma_start3A_512 : memref<100000x16xf32, #tpu.memory_space<hbm>>) target(%dma_start3A_506 : memref<100x16xf32, #tpu.memory_space<vmem>>) offsets(%dma_start3A_509 : memref<100xi32, #tpu.memory_space<vmem>>) semaphore(%arg9 : memref<!tpu.dma_semaphore, #tpu.memory_space<semaphore_mem>>)
          %mul3A_513 = arith.constant 16 : i32
          %mul3A_514 = arith.muli %add3A_421, %mul3A_513 : i32
          %add3A_515 = arith.constant 7 : i32
          %add3A_516 = arith.addi %mul3A_514, %add3A_515 : i32
          %dma_start3A_517 = arith.constant 700 : i32
          %dma_start3A_518 = arith.constant 0 : i32
          %dma_start3A_519 = tpu.memref_slice %arg7[%dma_start3A_517, %dma_start3A_518] : memref<1600x16xf32, #tpu.memory_space<vmem>> -> memref<100x16xf32, #tpu.memory_space<vmem>>
          %dma_start3A_520 = arith.constant 0 : i32
          %dma_start3A_521 = tpu.memref_slice %arg5[%add3A_516, %dma_start3A_520] : memref<256x100xi32, #tpu.memory_space<vmem>> -> memref<1x100xi32, #tpu.memory_space<vmem>>
          %dma_start3A_522 = tpu.memref_squeeze %dma_start3A_521 : memref<1x100xi32, #tpu.memory_space<vmem>> -> memref<100xi32, #tpu.memory_space<vmem>>
          %dma_start3A_523 = arith.constant 0 : i32
          %dma_start3A_524 = arith.constant 0 : i32
          %dma_start3A_525 = tpu.memref_slice %arg2[%dma_start3A_523, %dma_start3A_524] : memref<100000x16xf32, #tpu.memory_space<hbm>> -> memref<100000x16xf32, #tpu.memory_space<hbm>>
          tpu.enqueue_indirect_dma source(%dma_start3A_525 : memref<100000x16xf32, #tpu.memory_space<hbm>>) target(%dma_start3A_519 : memref<100x16xf32, #tpu.memory_space<vmem>>) offsets(%dma_start3A_522 : memref<100xi32, #tpu.memory_space<vmem>>) semaphore(%arg9 : memref<!tpu.dma_semaphore, #tpu.memory_space<semaphore_mem>>)
          %mul3A_526 = arith.constant 16 : i32
          %mul3A_527 = arith.muli %add3A_421, %mul3A_526 : i32
          %add3A_528 = arith.constant 8 : i32
          %add3A_529 = arith.addi %mul3A_527, %add3A_528 : i32
          %dma_start3A_530 = arith.constant 800 : i32
          %dma_start3A_531 = arith.constant 0 : i32
          %dma_start3A_532 = tpu.memref_slice %arg7[%dma_start3A_530, %dma_start3A_531] : memref<1600x16xf32, #tpu.memory_space<vmem>> -> memref<100x16xf32, #tpu.memory_space<vmem>>
          %dma_start3A_533 = arith.constant 0 : i32
          %dma_start3A_534 = tpu.memref_slice %arg5[%add3A_529, %dma_start3A_533] : memref<256x100xi32, #tpu.memory_space<vmem>> -> memref<1x100xi32, #tpu.memory_space<vmem>>
          %dma_start3A_535 = tpu.memref_squeeze %dma_start3A_534 : memref<1x100xi32, #tpu.memory_space<vmem>> -> memref<100xi32, #tpu.memory_space<vmem>>
          %dma_start3A_536 = arith.constant 0 : i32
          %dma_start3A_537 = arith.constant 0 : i32
          %dma_start3A_538 = tpu.memref_slice %arg2[%dma_start3A_536, %dma_start3A_537] : memref<100000x16xf32, #tpu.memory_space<hbm>> -> memref<100000x16xf32, #tpu.memory_space<hbm>>
          tpu.enqueue_indirect_dma source(%dma_start3A_538 : memref<100000x16xf32, #tpu.memory_space<hbm>>) target(%dma_start3A_532 : memref<100x16xf32, #tpu.memory_space<vmem>>) offsets(%dma_start3A_535 : memref<100xi32, #tpu.memory_space<vmem>>) semaphore(%arg9 : memref<!tpu.dma_semaphore, #tpu.memory_space<semaphore_mem>>)
          %mul3A_539 = arith.constant 16 : i32
          %mul3A_540 = arith.muli %add3A_421, %mul3A_539 : i32
          %add3A_541 = arith.constant 9 : i32
          %add3A_542 = arith.addi %mul3A_540, %add3A_541 : i32
          %dma_start3A_543 = arith.constant 900 : i32
          %dma_start3A_544 = arith.constant 0 : i32
          %dma_start3A_545 = tpu.memref_slice %arg7[%dma_start3A_543, %dma_start3A_544] : memref<1600x16xf32, #tpu.memory_space<vmem>> -> memref<100x16xf32, #tpu.memory_space<vmem>>
          %dma_start3A_546 = arith.constant 0 : i32
          %dma_start3A_547 = tpu.memref_slice %arg5[%add3A_542, %dma_start3A_546] : memref<256x100xi32, #tpu.memory_space<vmem>> -> memref<1x100xi32, #tpu.memory_space<vmem>>
          %dma_start3A_548 = tpu.memref_squeeze %dma_start3A_547 : memref<1x100xi32, #tpu.memory_space<vmem>> -> memref<100xi32, #tpu.memory_space<vmem>>
          %dma_start3A_549 = arith.constant 0 : i32
          %dma_start3A_550 = arith.constant 0 : i32
          %dma_start3A_551 = tpu.memref_slice %arg2[%dma_start3A_549, %dma_start3A_550] : memref<100000x16xf32, #tpu.memory_space<hbm>> -> memref<100000x16xf32, #tpu.memory_space<hbm>>
          tpu.enqueue_indirect_dma source(%dma_start3A_551 : memref<100000x16xf32, #tpu.memory_space<hbm>>) target(%dma_start3A_545 : memref<100x16xf32, #tpu.memory_space<vmem>>) offsets(%dma_start3A_548 : memref<100xi32, #tpu.memory_space<vmem>>) semaphore(%arg9 : memref<!tpu.dma_semaphore, #tpu.memory_space<semaphore_mem>>)
          %mul3A_552 = arith.constant 16 : i32
          %mul3A_553 = arith.muli %add3A_421, %mul3A_552 : i32
          %add3A_554 = arith.constant 10 : i32
          %add3A_555 = arith.addi %mul3A_553, %add3A_554 : i32
          %dma_start3A_556 = arith.constant 1000 : i32
          %dma_start3A_557 = arith.constant 0 : i32
          %dma_start3A_558 = tpu.memref_slice %arg7[%dma_start3A_556, %dma_start3A_557] : memref<1600x16xf32, #tpu.memory_space<vmem>> -> memref<100x16xf32, #tpu.memory_space<vmem>>
          %dma_start3A_559 = arith.constant 0 : i32
          %dma_start3A_560 = tpu.memref_slice %arg5[%add3A_555, %dma_start3A_559] : memref<256x100xi32, #tpu.memory_space<vmem>> -> memref<1x100xi32, #tpu.memory_space<vmem>>
          %dma_start3A_561 = tpu.memref_squeeze %dma_start3A_560 : memref<1x100xi32, #tpu.memory_space<vmem>> -> memref<100xi32, #tpu.memory_space<vmem>>
          %dma_start3A_562 = arith.constant 0 : i32
          %dma_start3A_563 = arith.constant 0 : i32
          %dma_start3A_564 = tpu.memref_slice %arg2[%dma_start3A_562, %dma_start3A_563] : memref<100000x16xf32, #tpu.memory_space<hbm>> -> memref<100000x16xf32, #tpu.memory_space<hbm>>
          tpu.enqueue_indirect_dma source(%dma_start3A_564 : memref<100000x16xf32, #tpu.memory_space<hbm>>) target(%dma_start3A_558 : memref<100x16xf32, #tpu.memory_space<vmem>>) offsets(%dma_start3A_561 : memref<100xi32, #tpu.memory_space<vmem>>) semaphore(%arg9 : memref<!tpu.dma_semaphore, #tpu.memory_space<semaphore_mem>>)
          %mul3A_565 = arith.constant 16 : i32
          %mul3A_566 = arith.muli %add3A_421, %mul3A_565 : i32
          %add3A_567 = arith.constant 11 : i32
          %add3A_568 = arith.addi %mul3A_566, %add3A_567 : i32
          %dma_start3A_569 = arith.constant 1100 : i32
          %dma_start3A_570 = arith.constant 0 : i32
          %dma_start3A_571 = tpu.memref_slice %arg7[%dma_start3A_569, %dma_start3A_570] : memref<1600x16xf32, #tpu.memory_space<vmem>> -> memref<100x16xf32, #tpu.memory_space<vmem>>
          %dma_start3A_572 = arith.constant 0 : i32
          %dma_start3A_573 = tpu.memref_slice %arg5[%add3A_568, %dma_start3A_572] : memref<256x100xi32, #tpu.memory_space<vmem>> -> memref<1x100xi32, #tpu.memory_space<vmem>>
          %dma_start3A_574 = tpu.memref_squeeze %dma_start3A_573 : memref<1x100xi32, #tpu.memory_space<vmem>> -> memref<100xi32, #tpu.memory_space<vmem>>
          %dma_start3A_575 = arith.constant 0 : i32
          %dma_start3A_576 = arith.constant 0 : i32
          %dma_start3A_577 = tpu.memref_slice %arg2[%dma_start3A_575, %dma_start3A_576] : memref<100000x16xf32, #tpu.memory_space<hbm>> -> memref<100000x16xf32, #tpu.memory_space<hbm>>
          tpu.enqueue_indirect_dma source(%dma_start3A_577 : memref<100000x16xf32, #tpu.memory_space<hbm>>) target(%dma_start3A_571 : memref<100x16xf32, #tpu.memory_space<vmem>>) offsets(%dma_start3A_574 : memref<100xi32, #tpu.memory_space<vmem>>) semaphore(%arg9 : memref<!tpu.dma_semaphore, #tpu.memory_space<semaphore_mem>>)
          %mul3A_578 = arith.constant 16 : i32
          %mul3A_579 = arith.muli %add3A_421, %mul3A_578 : i32
          %add3A_580 = arith.constant 12 : i32
          %add3A_581 = arith.addi %mul3A_579, %add3A_580 : i32
          %dma_start3A_582 = arith.constant 1200 : i32
          %dma_start3A_583 = arith.constant 0 : i32
          %dma_start3A_584 = tpu.memref_slice %arg7[%dma_start3A_582, %dma_start3A_583] : memref<1600x16xf32, #tpu.memory_space<vmem>> -> memref<100x16xf32, #tpu.memory_space<vmem>>
          %dma_start3A_585 = arith.constant 0 : i32
          %dma_start3A_586 = tpu.memref_slice %arg5[%add3A_581, %dma_start3A_585] : memref<256x100xi32, #tpu.memory_space<vmem>> -> memref<1x100xi32, #tpu.memory_space<vmem>>
          %dma_start3A_587 = tpu.memref_squeeze %dma_start3A_586 : memref<1x100xi32, #tpu.memory_space<vmem>> -> memref<100xi32, #tpu.memory_space<vmem>>
          %dma_start3A_588 = arith.constant 0 : i32
          %dma_start3A_589 = arith.constant 0 : i32
          %dma_start3A_590 = tpu.memref_slice %arg2[%dma_start3A_588, %dma_start3A_589] : memref<100000x16xf32, #tpu.memory_space<hbm>> -> memref<100000x16xf32, #tpu.memory_space<hbm>>
          tpu.enqueue_indirect_dma source(%dma_start3A_590 : memref<100000x16xf32, #tpu.memory_space<hbm>>) target(%dma_start3A_584 : memref<100x16xf32, #tpu.memory_space<vmem>>) offsets(%dma_start3A_587 : memref<100xi32, #tpu.memory_space<vmem>>) semaphore(%arg9 : memref<!tpu.dma_semaphore, #tpu.memory_space<semaphore_mem>>)
          %mul3A_591 = arith.constant 16 : i32
          %mul3A_592 = arith.muli %add3A_421, %mul3A_591 : i32
          %add3A_593 = arith.constant 13 : i32
          %add3A_594 = arith.addi %mul3A_592, %add3A_593 : i32
          %dma_start3A_595 = arith.constant 1300 : i32
          %dma_start3A_596 = arith.constant 0 : i32
          %dma_start3A_597 = tpu.memref_slice %arg7[%dma_start3A_595, %dma_start3A_596] : memref<1600x16xf32, #tpu.memory_space<vmem>> -> memref<100x16xf32, #tpu.memory_space<vmem>>
          %dma_start3A_598 = arith.constant 0 : i32
          %dma_start3A_599 = tpu.memref_slice %arg5[%add3A_594, %dma_start3A_598] : memref<256x100xi32, #tpu.memory_space<vmem>> -> memref<1x100xi32, #tpu.memory_space<vmem>>
          %dma_start3A_600 = tpu.memref_squeeze %dma_start3A_599 : memref<1x100xi32, #tpu.memory_space<vmem>> -> memref<100xi32, #tpu.memory_space<vmem>>
          %dma_start3A_601 = arith.constant 0 : i32
          %dma_start3A_602 = arith.constant 0 : i32
          %dma_start3A_603 = tpu.memref_slice %arg2[%dma_start3A_601, %dma_start3A_602] : memref<100000x16xf32, #tpu.memory_space<hbm>> -> memref<100000x16xf32, #tpu.memory_space<hbm>>
          tpu.enqueue_indirect_dma source(%dma_start3A_603 : memref<100000x16xf32, #tpu.memory_space<hbm>>) target(%dma_start3A_597 : memref<100x16xf32, #tpu.memory_space<vmem>>) offsets(%dma_start3A_600 : memref<100xi32, #tpu.memory_space<vmem>>) semaphore(%arg9 : memref<!tpu.dma_semaphore, #tpu.memory_space<semaphore_mem>>)
          %mul3A_604 = arith.constant 16 : i32
          %mul3A_605 = arith.muli %add3A_421, %mul3A_604 : i32
          %add3A_606 = arith.constant 14 : i32
          %add3A_607 = arith.addi %mul3A_605, %add3A_606 : i32
          %dma_start3A_608 = arith.constant 1400 : i32
          %dma_start3A_609 = arith.constant 0 : i32
          %dma_start3A_610 = tpu.memref_slice %arg7[%dma_start3A_608, %dma_start3A_609] : memref<1600x16xf32, #tpu.memory_space<vmem>> -> memref<100x16xf32, #tpu.memory_space<vmem>>
          %dma_start3A_611 = arith.constant 0 : i32
          %dma_start3A_612 = tpu.memref_slice %arg5[%add3A_607, %dma_start3A_611] : memref<256x100xi32, #tpu.memory_space<vmem>> -> memref<1x100xi32, #tpu.memory_space<vmem>>
          %dma_start3A_613 = tpu.memref_squeeze %dma_start3A_612 : memref<1x100xi32, #tpu.memory_space<vmem>> -> memref<100xi32, #tpu.memory_space<vmem>>
          %dma_start3A_614 = arith.constant 0 : i32
          %dma_start3A_615 = arith.constant 0 : i32
          %dma_start3A_616 = tpu.memref_slice %arg2[%dma_start3A_614, %dma_start3A_615] : memref<100000x16xf32, #tpu.memory_space<hbm>> -> memref<100000x16xf32, #tpu.memory_space<hbm>>
          tpu.enqueue_indirect_dma source(%dma_start3A_616 : memref<100000x16xf32, #tpu.memory_space<hbm>>) target(%dma_start3A_610 : memref<100x16xf32, #tpu.memory_space<vmem>>) offsets(%dma_start3A_613 : memref<100xi32, #tpu.memory_space<vmem>>) semaphore(%arg9 : memref<!tpu.dma_semaphore, #tpu.memory_space<semaphore_mem>>)
          %mul3A_617 = arith.constant 16 : i32
          %mul3A_618 = arith.muli %add3A_421, %mul3A_617 : i32
          %add3A_619 = arith.constant 15 : i32
          %add3A_620 = arith.addi %mul3A_618, %add3A_619 : i32
          %dma_start3A_621 = arith.constant 1500 : i32
          %dma_start3A_622 = arith.constant 0 : i32
          %dma_start3A_623 = tpu.memref_slice %arg7[%dma_start3A_621, %dma_start3A_622] : memref<1600x16xf32, #tpu.memory_space<vmem>> -> memref<100x16xf32, #tpu.memory_space<vmem>>
          %dma_start3A_624 = arith.constant 0 : i32
          %dma_start3A_625 = tpu.memref_slice %arg5[%add3A_620, %dma_start3A_624] : memref<256x100xi32, #tpu.memory_space<vmem>> -> memref<1x100xi32, #tpu.memory_space<vmem>>
          %dma_start3A_626 = tpu.memref_squeeze %dma_start3A_625 : memref<1x100xi32, #tpu.memory_space<vmem>> -> memref<100xi32, #tpu.memory_space<vmem>>
          %dma_start3A_627 = arith.constant 0 : i32
          %dma_start3A_628 = arith.constant 0 : i32
          %dma_start3A_629 = tpu.memref_slice %arg2[%dma_start3A_627, %dma_start3A_628] : memref<100000x16xf32, #tpu.memory_space<hbm>> -> memref<100000x16xf32, #tpu.memory_space<hbm>>
          tpu.enqueue_indirect_dma source(%dma_start3A_629 : memref<100000x16xf32, #tpu.memory_space<hbm>>) target(%dma_start3A_623 : memref<100x16xf32, #tpu.memory_space<vmem>>) offsets(%dma_start3A_626 : memref<100xi32, #tpu.memory_space<vmem>>) semaphore(%arg9 : memref<!tpu.dma_semaphore, #tpu.memory_space<semaphore_mem>>)
        } else {
        }
        %mul3A_208 = arith.constant 16 : i32
        %mul3A_209 = arith.muli %scan3A_167, %mul3A_208 : i32
        %add3A_210 = arith.constant 0 : i32
        %add3A_211 = arith.addi %mul3A_209, %add3A_210 : i32
        %dma_wait3A = arith.constant 0 : i32
        %dma_wait3A_212 = arith.constant 0 : i32
        %dma_wait3A_213 = tpu.memref_slice %arg6[%dma_wait3A, %dma_wait3A_212] : memref<1600x16xf32, #tpu.memory_space<vmem>> -> memref<100x16xf32, #tpu.memory_space<vmem>>
        %dma_wait3A_214 = arith.constant 0 : i32
        %dma_wait3A_215 = tpu.memref_slice %arg5[%add3A_211, %dma_wait3A_214] : memref<256x100xi32, #tpu.memory_space<vmem>> -> memref<1x100xi32, #tpu.memory_space<vmem>>
        %dma_wait3A_216 = tpu.memref_squeeze %dma_wait3A_215 : memref<1x100xi32, #tpu.memory_space<vmem>> -> memref<100xi32, #tpu.memory_space<vmem>>
        %dma_wait3A_217 = arith.constant 0 : i32
        %dma_wait3A_218 = arith.constant 0 : i32
        %dma_wait3A_219 = tpu.memref_slice %arg2[%dma_wait3A_217, %dma_wait3A_218] : memref<100000x16xf32, #tpu.memory_space<hbm>> -> memref<100000x16xf32, #tpu.memory_space<hbm>>
        tpu.wait_indirect_dma semaphore(%arg8 : memref<!tpu.dma_semaphore, #tpu.memory_space<semaphore_mem>>) src(%dma_wait3A_219 : memref<100000x16xf32, #tpu.memory_space<hbm>>) dst(%dma_wait3A_213 : memref<100x16xf32, #tpu.memory_space<vmem>>)
        %mul3A_220 = arith.constant 16 : i32
        %mul3A_221 = arith.muli %scan3A_167, %mul3A_220 : i32
        %add3A_222 = arith.constant 1 : i32
        %add3A_223 = arith.addi %mul3A_221, %add3A_222 : i32
        %dma_wait3A_224 = arith.constant 100 : i32
        %dma_wait3A_225 = arith.constant 0 : i32
        %dma_wait3A_226 = tpu.memref_slice %arg6[%dma_wait3A_224, %dma_wait3A_225] : memref<1600x16xf32, #tpu.memory_space<vmem>> -> memref<100x16xf32, #tpu.memory_space<vmem>>
        %dma_wait3A_227 = arith.constant 0 : i32
        %dma_wait3A_228 = tpu.memref_slice %arg5[%add3A_223, %dma_wait3A_227] : memref<256x100xi32, #tpu.memory_space<vmem>> -> memref<1x100xi32, #tpu.memory_space<vmem>>
        %dma_wait3A_229 = tpu.memref_squeeze %dma_wait3A_228 : memref<1x100xi32, #tpu.memory_space<vmem>> -> memref<100xi32, #tpu.memory_space<vmem>>
        %dma_wait3A_230 = arith.constant 0 : i32
        %dma_wait3A_231 = arith.constant 0 : i32
        %dma_wait3A_232 = tpu.memref_slice %arg2[%dma_wait3A_230, %dma_wait3A_231] : memref<100000x16xf32, #tpu.memory_space<hbm>> -> memref<100000x16xf32, #tpu.memory_space<hbm>>
        tpu.wait_indirect_dma semaphore(%arg8 : memref<!tpu.dma_semaphore, #tpu.memory_space<semaphore_mem>>) src(%dma_wait3A_232 : memref<100000x16xf32, #tpu.memory_space<hbm>>) dst(%dma_wait3A_226 : memref<100x16xf32, #tpu.memory_space<vmem>>)
        %mul3A_233 = arith.constant 16 : i32
        %mul3A_234 = arith.muli %scan3A_167, %mul3A_233 : i32
        %add3A_235 = arith.constant 2 : i32
        %add3A_236 = arith.addi %mul3A_234, %add3A_235 : i32
        %dma_wait3A_237 = arith.constant 200 : i32
        %dma_wait3A_238 = arith.constant 0 : i32
        %dma_wait3A_239 = tpu.memref_slice %arg6[%dma_wait3A_237, %dma_wait3A_238] : memref<1600x16xf32, #tpu.memory_space<vmem>> -> memref<100x16xf32, #tpu.memory_space<vmem>>
        %dma_wait3A_240 = arith.constant 0 : i32
        %dma_wait3A_241 = tpu.memref_slice %arg5[%add3A_236, %dma_wait3A_240] : memref<256x100xi32, #tpu.memory_space<vmem>> -> memref<1x100xi32, #tpu.memory_space<vmem>>
        %dma_wait3A_242 = tpu.memref_squeeze %dma_wait3A_241 : memref<1x100xi32, #tpu.memory_space<vmem>> -> memref<100xi32, #tpu.memory_space<vmem>>
        %dma_wait3A_243 = arith.constant 0 : i32
        %dma_wait3A_244 = arith.constant 0 : i32
        %dma_wait3A_245 = tpu.memref_slice %arg2[%dma_wait3A_243, %dma_wait3A_244] : memref<100000x16xf32, #tpu.memory_space<hbm>> -> memref<100000x16xf32, #tpu.memory_space<hbm>>
        tpu.wait_indirect_dma semaphore(%arg8 : memref<!tpu.dma_semaphore, #tpu.memory_space<semaphore_mem>>) src(%dma_wait3A_245 : memref<100000x16xf32, #tpu.memory_space<hbm>>) dst(%dma_wait3A_239 : memref<100x16xf32, #tpu.memory_space<vmem>>)
        %mul3A_246 = arith.constant 16 : i32
        %mul3A_247 = arith.muli %scan3A_167, %mul3A_246 : i32
        %add3A_248 = arith.constant 3 : i32
        %add3A_249 = arith.addi %mul3A_247, %add3A_248 : i32
        %dma_wait3A_250 = arith.constant 300 : i32
        %dma_wait3A_251 = arith.constant 0 : i32
        %dma_wait3A_252 = tpu.memref_slice %arg6[%dma_wait3A_250, %dma_wait3A_251] : memref<1600x16xf32, #tpu.memory_space<vmem>> -> memref<100x16xf32, #tpu.memory_space<vmem>>
        %dma_wait3A_253 = arith.constant 0 : i32
        %dma_wait3A_254 = tpu.memref_slice %arg5[%add3A_249, %dma_wait3A_253] : memref<256x100xi32, #tpu.memory_space<vmem>> -> memref<1x100xi32, #tpu.memory_space<vmem>>
        %dma_wait3A_255 = tpu.memref_squeeze %dma_wait3A_254 : memref<1x100xi32, #tpu.memory_space<vmem>> -> memref<100xi32, #tpu.memory_space<vmem>>
        %dma_wait3A_256 = arith.constant 0 : i32
        %dma_wait3A_257 = arith.constant 0 : i32
        %dma_wait3A_258 = tpu.memref_slice %arg2[%dma_wait3A_256, %dma_wait3A_257] : memref<100000x16xf32, #tpu.memory_space<hbm>> -> memref<100000x16xf32, #tpu.memory_space<hbm>>
        tpu.wait_indirect_dma semaphore(%arg8 : memref<!tpu.dma_semaphore, #tpu.memory_space<semaphore_mem>>) src(%dma_wait3A_258 : memref<100000x16xf32, #tpu.memory_space<hbm>>) dst(%dma_wait3A_252 : memref<100x16xf32, #tpu.memory_space<vmem>>)
        %mul3A_259 = arith.constant 16 : i32
        %mul3A_260 = arith.muli %scan3A_167, %mul3A_259 : i32
        %add3A_261 = arith.constant 4 : i32
        %add3A_262 = arith.addi %mul3A_260, %add3A_261 : i32
        %dma_wait3A_263 = arith.constant 400 : i32
        %dma_wait3A_264 = arith.constant 0 : i32
        %dma_wait3A_265 = tpu.memref_slice %arg6[%dma_wait3A_263, %dma_wait3A_264] : memref<1600x16xf32, #tpu.memory_space<vmem>> -> memref<100x16xf32, #tpu.memory_space<vmem>>
        %dma_wait3A_266 = arith.constant 0 : i32
        %dma_wait3A_267 = tpu.memref_slice %arg5[%add3A_262, %dma_wait3A_266] : memref<256x100xi32, #tpu.memory_space<vmem>> -> memref<1x100xi32, #tpu.memory_space<vmem>>
        %dma_wait3A_268 = tpu.memref_squeeze %dma_wait3A_267 : memref<1x100xi32, #tpu.memory_space<vmem>> -> memref<100xi32, #tpu.memory_space<vmem>>
        %dma_wait3A_269 = arith.constant 0 : i32
        %dma_wait3A_270 = arith.constant 0 : i32
        %dma_wait3A_271 = tpu.memref_slice %arg2[%dma_wait3A_269, %dma_wait3A_270] : memref<100000x16xf32, #tpu.memory_space<hbm>> -> memref<100000x16xf32, #tpu.memory_space<hbm>>
        tpu.wait_indirect_dma semaphore(%arg8 : memref<!tpu.dma_semaphore, #tpu.memory_space<semaphore_mem>>) src(%dma_wait3A_271 : memref<100000x16xf32, #tpu.memory_space<hbm>>) dst(%dma_wait3A_265 : memref<100x16xf32, #tpu.memory_space<vmem>>)
        %mul3A_272 = arith.constant 16 : i32
        %mul3A_273 = arith.muli %scan3A_167, %mul3A_272 : i32
        %add3A_274 = arith.constant 5 : i32
        %add3A_275 = arith.addi %mul3A_273, %add3A_274 : i32
        %dma_wait3A_276 = arith.constant 500 : i32
        %dma_wait3A_277 = arith.constant 0 : i32
        %dma_wait3A_278 = tpu.memref_slice %arg6[%dma_wait3A_276, %dma_wait3A_277] : memref<1600x16xf32, #tpu.memory_space<vmem>> -> memref<100x16xf32, #tpu.memory_space<vmem>>
        %dma_wait3A_279 = arith.constant 0 : i32
        %dma_wait3A_280 = tpu.memref_slice %arg5[%add3A_275, %dma_wait3A_279] : memref<256x100xi32, #tpu.memory_space<vmem>> -> memref<1x100xi32, #tpu.memory_space<vmem>>
        %dma_wait3A_281 = tpu.memref_squeeze %dma_wait3A_280 : memref<1x100xi32, #tpu.memory_space<vmem>> -> memref<100xi32, #tpu.memory_space<vmem>>
        %dma_wait3A_282 = arith.constant 0 : i32
        %dma_wait3A_283 = arith.constant 0 : i32
        %dma_wait3A_284 = tpu.memref_slice %arg2[%dma_wait3A_282, %dma_wait3A_283] : memref<100000x16xf32, #tpu.memory_space<hbm>> -> memref<100000x16xf32, #tpu.memory_space<hbm>>
        tpu.wait_indirect_dma semaphore(%arg8 : memref<!tpu.dma_semaphore, #tpu.memory_space<semaphore_mem>>) src(%dma_wait3A_284 : memref<100000x16xf32, #tpu.memory_space<hbm>>) dst(%dma_wait3A_278 : memref<100x16xf32, #tpu.memory_space<vmem>>)
        %mul3A_285 = arith.constant 16 : i32
        %mul3A_286 = arith.muli %scan3A_167, %mul3A_285 : i32
        %add3A_287 = arith.constant 6 : i32
        %add3A_288 = arith.addi %mul3A_286, %add3A_287 : i32
        %dma_wait3A_289 = arith.constant 600 : i32
        %dma_wait3A_290 = arith.constant 0 : i32
        %dma_wait3A_291 = tpu.memref_slice %arg6[%dma_wait3A_289, %dma_wait3A_290] : memref<1600x16xf32, #tpu.memory_space<vmem>> -> memref<100x16xf32, #tpu.memory_space<vmem>>
        %dma_wait3A_292 = arith.constant 0 : i32
        %dma_wait3A_293 = tpu.memref_slice %arg5[%add3A_288, %dma_wait3A_292] : memref<256x100xi32, #tpu.memory_space<vmem>> -> memref<1x100xi32, #tpu.memory_space<vmem>>
        %dma_wait3A_294 = tpu.memref_squeeze %dma_wait3A_293 : memref<1x100xi32, #tpu.memory_space<vmem>> -> memref<100xi32, #tpu.memory_space<vmem>>
        %dma_wait3A_295 = arith.constant 0 : i32
        %dma_wait3A_296 = arith.constant 0 : i32
        %dma_wait3A_297 = tpu.memref_slice %arg2[%dma_wait3A_295, %dma_wait3A_296] : memref<100000x16xf32, #tpu.memory_space<hbm>> -> memref<100000x16xf32, #tpu.memory_space<hbm>>
        tpu.wait_indirect_dma semaphore(%arg8 : memref<!tpu.dma_semaphore, #tpu.memory_space<semaphore_mem>>) src(%dma_wait3A_297 : memref<100000x16xf32, #tpu.memory_space<hbm>>) dst(%dma_wait3A_291 : memref<100x16xf32, #tpu.memory_space<vmem>>)
        %mul3A_298 = arith.constant 16 : i32
        %mul3A_299 = arith.muli %scan3A_167, %mul3A_298 : i32
        %add3A_300 = arith.constant 7 : i32
        %add3A_301 = arith.addi %mul3A_299, %add3A_300 : i32
        %dma_wait3A_302 = arith.constant 700 : i32
        %dma_wait3A_303 = arith.constant 0 : i32
        %dma_wait3A_304 = tpu.memref_slice %arg6[%dma_wait3A_302, %dma_wait3A_303] : memref<1600x16xf32, #tpu.memory_space<vmem>> -> memref<100x16xf32, #tpu.memory_space<vmem>>
        %dma_wait3A_305 = arith.constant 0 : i32
        %dma_wait3A_306 = tpu.memref_slice %arg5[%add3A_301, %dma_wait3A_305] : memref<256x100xi32, #tpu.memory_space<vmem>> -> memref<1x100xi32, #tpu.memory_space<vmem>>
        %dma_wait3A_307 = tpu.memref_squeeze %dma_wait3A_306 : memref<1x100xi32, #tpu.memory_space<vmem>> -> memref<100xi32, #tpu.memory_space<vmem>>
        %dma_wait3A_308 = arith.constant 0 : i32
        %dma_wait3A_309 = arith.constant 0 : i32
        %dma_wait3A_310 = tpu.memref_slice %arg2[%dma_wait3A_308, %dma_wait3A_309] : memref<100000x16xf32, #tpu.memory_space<hbm>> -> memref<100000x16xf32, #tpu.memory_space<hbm>>
        tpu.wait_indirect_dma semaphore(%arg8 : memref<!tpu.dma_semaphore, #tpu.memory_space<semaphore_mem>>) src(%dma_wait3A_310 : memref<100000x16xf32, #tpu.memory_space<hbm>>) dst(%dma_wait3A_304 : memref<100x16xf32, #tpu.memory_space<vmem>>)
        %mul3A_311 = arith.constant 16 : i32
        %mul3A_312 = arith.muli %scan3A_167, %mul3A_311 : i32
        %add3A_313 = arith.constant 8 : i32
        %add3A_314 = arith.addi %mul3A_312, %add3A_313 : i32
        %dma_wait3A_315 = arith.constant 800 : i32
        %dma_wait3A_316 = arith.constant 0 : i32
        %dma_wait3A_317 = tpu.memref_slice %arg6[%dma_wait3A_315, %dma_wait3A_316] : memref<1600x16xf32, #tpu.memory_space<vmem>> -> memref<100x16xf32, #tpu.memory_space<vmem>>
        %dma_wait3A_318 = arith.constant 0 : i32
        %dma_wait3A_319 = tpu.memref_slice %arg5[%add3A_314, %dma_wait3A_318] : memref<256x100xi32, #tpu.memory_space<vmem>> -> memref<1x100xi32, #tpu.memory_space<vmem>>
        %dma_wait3A_320 = tpu.memref_squeeze %dma_wait3A_319 : memref<1x100xi32, #tpu.memory_space<vmem>> -> memref<100xi32, #tpu.memory_space<vmem>>
        %dma_wait3A_321 = arith.constant 0 : i32
        %dma_wait3A_322 = arith.constant 0 : i32
        %dma_wait3A_323 = tpu.memref_slice %arg2[%dma_wait3A_321, %dma_wait3A_322] : memref<100000x16xf32, #tpu.memory_space<hbm>> -> memref<100000x16xf32, #tpu.memory_space<hbm>>
        tpu.wait_indirect_dma semaphore(%arg8 : memref<!tpu.dma_semaphore, #tpu.memory_space<semaphore_mem>>) src(%dma_wait3A_323 : memref<100000x16xf32, #tpu.memory_space<hbm>>) dst(%dma_wait3A_317 : memref<100x16xf32, #tpu.memory_space<vmem>>)
        %mul3A_324 = arith.constant 16 : i32
        %mul3A_325 = arith.muli %scan3A_167, %mul3A_324 : i32
        %add3A_326 = arith.constant 9 : i32
        %add3A_327 = arith.addi %mul3A_325, %add3A_326 : i32
        %dma_wait3A_328 = arith.constant 900 : i32
        %dma_wait3A_329 = arith.constant 0 : i32
        %dma_wait3A_330 = tpu.memref_slice %arg6[%dma_wait3A_328, %dma_wait3A_329] : memref<1600x16xf32, #tpu.memory_space<vmem>> -> memref<100x16xf32, #tpu.memory_space<vmem>>
        %dma_wait3A_331 = arith.constant 0 : i32
        %dma_wait3A_332 = tpu.memref_slice %arg5[%add3A_327, %dma_wait3A_331] : memref<256x100xi32, #tpu.memory_space<vmem>> -> memref<1x100xi32, #tpu.memory_space<vmem>>
        %dma_wait3A_333 = tpu.memref_squeeze %dma_wait3A_332 : memref<1x100xi32, #tpu.memory_space<vmem>> -> memref<100xi32, #tpu.memory_space<vmem>>
        %dma_wait3A_334 = arith.constant 0 : i32
        %dma_wait3A_335 = arith.constant 0 : i32
        %dma_wait3A_336 = tpu.memref_slice %arg2[%dma_wait3A_334, %dma_wait3A_335] : memref<100000x16xf32, #tpu.memory_space<hbm>> -> memref<100000x16xf32, #tpu.memory_space<hbm>>
        tpu.wait_indirect_dma semaphore(%arg8 : memref<!tpu.dma_semaphore, #tpu.memory_space<semaphore_mem>>) src(%dma_wait3A_336 : memref<100000x16xf32, #tpu.memory_space<hbm>>) dst(%dma_wait3A_330 : memref<100x16xf32, #tpu.memory_space<vmem>>)
        %mul3A_337 = arith.constant 16 : i32
        %mul3A_338 = arith.muli %scan3A_167, %mul3A_337 : i32
        %add3A_339 = arith.constant 10 : i32
        %add3A_340 = arith.addi %mul3A_338, %add3A_339 : i32
        %dma_wait3A_341 = arith.constant 1000 : i32
        %dma_wait3A_342 = arith.constant 0 : i32
        %dma_wait3A_343 = tpu.memref_slice %arg6[%dma_wait3A_341, %dma_wait3A_342] : memref<1600x16xf32, #tpu.memory_space<vmem>> -> memref<100x16xf32, #tpu.memory_space<vmem>>
        %dma_wait3A_344 = arith.constant 0 : i32
        %dma_wait3A_345 = tpu.memref_slice %arg5[%add3A_340, %dma_wait3A_344] : memref<256x100xi32, #tpu.memory_space<vmem>> -> memref<1x100xi32, #tpu.memory_space<vmem>>
        %dma_wait3A_346 = tpu.memref_squeeze %dma_wait3A_345 : memref<1x100xi32, #tpu.memory_space<vmem>> -> memref<100xi32, #tpu.memory_space<vmem>>
        %dma_wait3A_347 = arith.constant 0 : i32
        %dma_wait3A_348 = arith.constant 0 : i32
        %dma_wait3A_349 = tpu.memref_slice %arg2[%dma_wait3A_347, %dma_wait3A_348] : memref<100000x16xf32, #tpu.memory_space<hbm>> -> memref<100000x16xf32, #tpu.memory_space<hbm>>
        tpu.wait_indirect_dma semaphore(%arg8 : memref<!tpu.dma_semaphore, #tpu.memory_space<semaphore_mem>>) src(%dma_wait3A_349 : memref<100000x16xf32, #tpu.memory_space<hbm>>) dst(%dma_wait3A_343 : memref<100x16xf32, #tpu.memory_space<vmem>>)
        %mul3A_350 = arith.constant 16 : i32
        %mul3A_351 = arith.muli %scan3A_167, %mul3A_350 : i32
        %add3A_352 = arith.constant 11 : i32
        %add3A_353 = arith.addi %mul3A_351, %add3A_352 : i32
        %dma_wait3A_354 = arith.constant 1100 : i32
        %dma_wait3A_355 = arith.constant 0 : i32
        %dma_wait3A_356 = tpu.memref_slice %arg6[%dma_wait3A_354, %dma_wait3A_355] : memref<1600x16xf32, #tpu.memory_space<vmem>> -> memref<100x16xf32, #tpu.memory_space<vmem>>
        %dma_wait3A_357 = arith.constant 0 : i32
        %dma_wait3A_358 = tpu.memref_slice %arg5[%add3A_353, %dma_wait3A_357] : memref<256x100xi32, #tpu.memory_space<vmem>> -> memref<1x100xi32, #tpu.memory_space<vmem>>
        %dma_wait3A_359 = tpu.memref_squeeze %dma_wait3A_358 : memref<1x100xi32, #tpu.memory_space<vmem>> -> memref<100xi32, #tpu.memory_space<vmem>>
        %dma_wait3A_360 = arith.constant 0 : i32
        %dma_wait3A_361 = arith.constant 0 : i32
        %dma_wait3A_362 = tpu.memref_slice %arg2[%dma_wait3A_360, %dma_wait3A_361] : memref<100000x16xf32, #tpu.memory_space<hbm>> -> memref<100000x16xf32, #tpu.memory_space<hbm>>
        tpu.wait_indirect_dma semaphore(%arg8 : memref<!tpu.dma_semaphore, #tpu.memory_space<semaphore_mem>>) src(%dma_wait3A_362 : memref<100000x16xf32, #tpu.memory_space<hbm>>) dst(%dma_wait3A_356 : memref<100x16xf32, #tpu.memory_space<vmem>>)
        %mul3A_363 = arith.constant 16 : i32
        %mul3A_364 = arith.muli %scan3A_167, %mul3A_363 : i32
        %add3A_365 = arith.constant 12 : i32
        %add3A_366 = arith.addi %mul3A_364, %add3A_365 : i32
        %dma_wait3A_367 = arith.constant 1200 : i32
        %dma_wait3A_368 = arith.constant 0 : i32
        %dma_wait3A_369 = tpu.memref_slice %arg6[%dma_wait3A_367, %dma_wait3A_368] : memref<1600x16xf32, #tpu.memory_space<vmem>> -> memref<100x16xf32, #tpu.memory_space<vmem>>
        %dma_wait3A_370 = arith.constant 0 : i32
        %dma_wait3A_371 = tpu.memref_slice %arg5[%add3A_366, %dma_wait3A_370] : memref<256x100xi32, #tpu.memory_space<vmem>> -> memref<1x100xi32, #tpu.memory_space<vmem>>
        %dma_wait3A_372 = tpu.memref_squeeze %dma_wait3A_371 : memref<1x100xi32, #tpu.memory_space<vmem>> -> memref<100xi32, #tpu.memory_space<vmem>>
        %dma_wait3A_373 = arith.constant 0 : i32
        %dma_wait3A_374 = arith.constant 0 : i32
        %dma_wait3A_375 = tpu.memref_slice %arg2[%dma_wait3A_373, %dma_wait3A_374] : memref<100000x16xf32, #tpu.memory_space<hbm>> -> memref<100000x16xf32, #tpu.memory_space<hbm>>
        tpu.wait_indirect_dma semaphore(%arg8 : memref<!tpu.dma_semaphore, #tpu.memory_space<semaphore_mem>>) src(%dma_wait3A_375 : memref<100000x16xf32, #tpu.memory_space<hbm>>) dst(%dma_wait3A_369 : memref<100x16xf32, #tpu.memory_space<vmem>>)
        %mul3A_376 = arith.constant 16 : i32
        %mul3A_377 = arith.muli %scan3A_167, %mul3A_376 : i32
        %add3A_378 = arith.constant 13 : i32
        %add3A_379 = arith.addi %mul3A_377, %add3A_378 : i32
        %dma_wait3A_380 = arith.constant 1300 : i32
        %dma_wait3A_381 = arith.constant 0 : i32
        %dma_wait3A_382 = tpu.memref_slice %arg6[%dma_wait3A_380, %dma_wait3A_381] : memref<1600x16xf32, #tpu.memory_space<vmem>> -> memref<100x16xf32, #tpu.memory_space<vmem>>
        %dma_wait3A_383 = arith.constant 0 : i32
        %dma_wait3A_384 = tpu.memref_slice %arg5[%add3A_379, %dma_wait3A_383] : memref<256x100xi32, #tpu.memory_space<vmem>> -> memref<1x100xi32, #tpu.memory_space<vmem>>
        %dma_wait3A_385 = tpu.memref_squeeze %dma_wait3A_384 : memref<1x100xi32, #tpu.memory_space<vmem>> -> memref<100xi32, #tpu.memory_space<vmem>>
        %dma_wait3A_386 = arith.constant 0 : i32
        %dma_wait3A_387 = arith.constant 0 : i32
        %dma_wait3A_388 = tpu.memref_slice %arg2[%dma_wait3A_386, %dma_wait3A_387] : memref<100000x16xf32, #tpu.memory_space<hbm>> -> memref<100000x16xf32, #tpu.memory_space<hbm>>
        tpu.wait_indirect_dma semaphore(%arg8 : memref<!tpu.dma_semaphore, #tpu.memory_space<semaphore_mem>>) src(%dma_wait3A_388 : memref<100000x16xf32, #tpu.memory_space<hbm>>) dst(%dma_wait3A_382 : memref<100x16xf32, #tpu.memory_space<vmem>>)
        %mul3A_389 = arith.constant 16 : i32
        %mul3A_390 = arith.muli %scan3A_167, %mul3A_389 : i32
        %add3A_391 = arith.constant 14 : i32
        %add3A_392 = arith.addi %mul3A_390, %add3A_391 : i32
        %dma_wait3A_393 = arith.constant 1400 : i32
        %dma_wait3A_394 = arith.constant 0 : i32
        %dma_wait3A_395 = tpu.memref_slice %arg6[%dma_wait3A_393, %dma_wait3A_394] : memref<1600x16xf32, #tpu.memory_space<vmem>> -> memref<100x16xf32, #tpu.memory_space<vmem>>
        %dma_wait3A_396 = arith.constant 0 : i32
        %dma_wait3A_397 = tpu.memref_slice %arg5[%add3A_392, %dma_wait3A_396] : memref<256x100xi32, #tpu.memory_space<vmem>> -> memref<1x100xi32, #tpu.memory_space<vmem>>
        %dma_wait3A_398 = tpu.memref_squeeze %dma_wait3A_397 : memref<1x100xi32, #tpu.memory_space<vmem>> -> memref<100xi32, #tpu.memory_space<vmem>>
        %dma_wait3A_399 = arith.constant 0 : i32
        %dma_wait3A_400 = arith.constant 0 : i32
        %dma_wait3A_401 = tpu.memref_slice %arg2[%dma_wait3A_399, %dma_wait3A_400] : memref<100000x16xf32, #tpu.memory_space<hbm>> -> memref<100000x16xf32, #tpu.memory_space<hbm>>
        tpu.wait_indirect_dma semaphore(%arg8 : memref<!tpu.dma_semaphore, #tpu.memory_space<semaphore_mem>>) src(%dma_wait3A_401 : memref<100000x16xf32, #tpu.memory_space<hbm>>) dst(%dma_wait3A_395 : memref<100x16xf32, #tpu.memory_space<vmem>>)
        %mul3A_402 = arith.constant 16 : i32
        %mul3A_403 = arith.muli %scan3A_167, %mul3A_402 : i32
        %add3A_404 = arith.constant 15 : i32
        %add3A_405 = arith.addi %mul3A_403, %add3A_404 : i32
        %dma_wait3A_406 = arith.constant 1500 : i32
        %dma_wait3A_407 = arith.constant 0 : i32
        %dma_wait3A_408 = tpu.memref_slice %arg6[%dma_wait3A_406, %dma_wait3A_407] : memref<1600x16xf32, #tpu.memory_space<vmem>> -> memref<100x16xf32, #tpu.memory_space<vmem>>
        %dma_wait3A_409 = arith.constant 0 : i32
        %dma_wait3A_410 = tpu.memref_slice %arg5[%add3A_405, %dma_wait3A_409] : memref<256x100xi32, #tpu.memory_space<vmem>> -> memref<1x100xi32, #tpu.memory_space<vmem>>
        %dma_wait3A_411 = tpu.memref_squeeze %dma_wait3A_410 : memref<1x100xi32, #tpu.memory_space<vmem>> -> memref<100xi32, #tpu.memory_space<vmem>>
        %dma_wait3A_412 = arith.constant 0 : i32
        %dma_wait3A_413 = arith.constant 0 : i32
        %dma_wait3A_414 = tpu.memref_slice %arg2[%dma_wait3A_412, %dma_wait3A_413] : memref<100000x16xf32, #tpu.memory_space<hbm>> -> memref<100000x16xf32, #tpu.memory_space<hbm>>
        tpu.wait_indirect_dma semaphore(%arg8 : memref<!tpu.dma_semaphore, #tpu.memory_space<semaphore_mem>>) src(%dma_wait3A_414 : memref<100000x16xf32, #tpu.memory_space<hbm>>) dst(%dma_wait3A_408 : memref<100x16xf32, #tpu.memory_space<vmem>>)
        %mul3A_415 = arith.constant 16 : i32
        %mul3A_416 = arith.muli %scan3A_167, %mul3A_415 : i32
        %add3A_417 = arith.addi %mul3A_2, %mul3A_416 : i32
        %mul3A_418 = arith.constant 100 : i32
        %mul3A_419 = arith.muli %add3A_417, %mul3A_418 : i32
        "tpu.region"() ({
          %run_scoped3A = tpu.sem_alloc : memref<!tpu.dma_semaphore, #tpu.memory_space<semaphore_mem>>
          %dma_start3A_420 = arith.constant 0 : i32
          %dma_start3A_421 = tpu.memref_slice %arg4[%mul3A_419, %dma_start3A_420] : memref<819200x16xf32, #tpu.memory_space<hbm>> -> memref<1600x16xf32, #tpu.memory_space<hbm>>
          %dma_start3A_422 = arith.constant 0 : i32
          %dma_start3A_423 = tpu.memref_slice %arg4[%mul3A_419, %dma_start3A_422] : memref<819200x16xf32, #tpu.memory_space<hbm>> -> memref<1600x16xf32, #tpu.memory_space<hbm>>
          tpu.enqueue_dma source(%arg6 : memref<1600x16xf32, #tpu.memory_space<vmem>>) target(%dma_start3A_423 : memref<1600x16xf32, #tpu.memory_space<hbm>>) target_semaphore(%run_scoped3A : memref<!tpu.dma_semaphore, #tpu.memory_space<semaphore_mem>>)
          %dma_wait3A_424 = arith.constant 0 : i32
          %dma_wait3A_425 = tpu.memref_slice %arg4[%mul3A_419, %dma_wait3A_424] : memref<819200x16xf32, #tpu.memory_space<hbm>> -> memref<1600x16xf32, #tpu.memory_space<hbm>>
          %dma_wait3A_426 = arith.constant 0 : i32
          %dma_wait3A_427 = tpu.memref_slice %arg4[%mul3A_419, %dma_wait3A_426] : memref<819200x16xf32, #tpu.memory_space<hbm>> -> memref<1600x16xf32, #tpu.memory_space<hbm>>
          tpu.wait_dma2 semaphore(%run_scoped3A : memref<!tpu.dma_semaphore, #tpu.memory_space<semaphore_mem>>) src(%arg6 : memref<1600x16xf32, #tpu.memory_space<vmem>>) dst(%dma_wait3A_427 : memref<1600x16xf32, #tpu.memory_space<hbm>>)
          tpu.yield
        }) : () -> ()
      } else {
      }
      %jit3A_180 = arith.constant 2 : i32
      %eq3A_181 = arith.constant 0 : i32
      %eq3A_182 = arith.cmpi eq, %jit3A_180, %eq3A_181 : i32
      %jit3A_183 = arith.constant 1 : i32
      %select_n3A_184 = arith.select %eq3A_182, %jit3A_183, %jit3A_180 : i32
      %rem3A_185 = arith.remsi %scan3A_167, %select_n3A_184 : i32
      %ne3A_186 = arith.constant 0 : i32
      %ne3A_187 = arith.cmpi ne, %rem3A_185, %ne3A_186 : i32
      %lt3A_188 = arith.constant 0 : i32
      %lt3A_189 = arith.cmpi slt, %rem3A_185, %lt3A_188 : i32
      %lt3A_190 = arith.constant 0 : i32
      %lt3A_191 = arith.cmpi slt, %select_n3A_184, %lt3A_190 : i32
      %ne3A_192 = arith.xori %lt3A_189, %lt3A_191 : i1
      %and3A_193 = arith.andi %ne3A_192, %ne3A_187 : i1
      %add3A_194 = arith.addi %rem3A_185, %select_n3A_184 : i32
      %select_n3A_195 = arith.select %and3A_193, %add3A_194, %rem3A_185 : i32
      %eq3A_196 = arith.constant 1 : i32
      %eq3A_197 = arith.cmpi eq, %select_n3A_195, %eq3A_196 : i32
      %convert_element_type3A_198 = arith.extui %eq3A_197 : i1 to i32
      %cond3A_199 = arith.constant 0 : i32
      %cond3A_200 = arith.cmpi ne, %convert_element_type3A_198, %cond3A_199 : i32
      scf.if %cond3A_200 {
        %add3A_201 = arith.constant 1 : i32
        %add3A_202 = arith.addi %scan3A_167, %add3A_201 : i32
        %lt3A_203 = arith.constant 16 : i32
        %lt3A_204 = arith.cmpi slt, %add3A_202, %lt3A_203 : i32
        %convert_element_type3A_205 = arith.extui %lt3A_204 : i1 to i32
        %cond3A_206 = arith.constant 0 : i32
        %cond3A_207 = arith.cmpi ne, %convert_element_type3A_205, %cond3A_206 : i32
        scf.if %cond3A_207 {
          %add3A_420 = arith.constant 1 : i32
          %add3A_421 = arith.addi %scan3A_167, %add3A_420 : i32
          %mul3A_422 = arith.constant 16 : i32
          %mul3A_423 = arith.muli %add3A_421, %mul3A_422 : i32
          %add3A_424 = arith.constant 0 : i32
          %add3A_425 = arith.addi %mul3A_423, %add3A_424 : i32
          %dma_start3A_426 = arith.constant 0 : i32
          %dma_start3A_427 = arith.constant 0 : i32
          %dma_start3A_428 = tpu.memref_slice %arg6[%dma_start3A_426, %dma_start3A_427] : memref<1600x16xf32, #tpu.memory_space<vmem>> -> memref<100x16xf32, #tpu.memory_space<vmem>>
          %dma_start3A_429 = arith.constant 0 : i32
          %dma_start3A_430 = tpu.memref_slice %arg5[%add3A_425, %dma_start3A_429] : memref<256x100xi32, #tpu.memory_space<vmem>> -> memref<1x100xi32, #tpu.memory_space<vmem>>
          %dma_start3A_431 = tpu.memref_squeeze %dma_start3A_430 : memref<1x100xi32, #tpu.memory_space<vmem>> -> memref<100xi32, #tpu.memory_space<vmem>>
          %dma_start3A_432 = arith.constant 0 : i32
          %dma_start3A_433 = arith.constant 0 : i32
          %dma_start3A_434 = tpu.memref_slice %arg2[%dma_start3A_432, %dma_start3A_433] : memref<100000x16xf32, #tpu.memory_space<hbm>> -> memref<100000x16xf32, #tpu.memory_space<hbm>>
          tpu.enqueue_indirect_dma source(%dma_start3A_434 : memref<100000x16xf32, #tpu.memory_space<hbm>>) target(%dma_start3A_428 : memref<100x16xf32, #tpu.memory_space<vmem>>) offsets(%dma_start3A_431 : memref<100xi32, #tpu.memory_space<vmem>>) semaphore(%arg8 : memref<!tpu.dma_semaphore, #tpu.memory_space<semaphore_mem>>)
          %mul3A_435 = arith.constant 16 : i32
          %mul3A_436 = arith.muli %add3A_421, %mul3A_435 : i32
          %add3A_437 = arith.constant 1 : i32
          %add3A_438 = arith.addi %mul3A_436, %add3A_437 : i32
          %dma_start3A_439 = arith.constant 100 : i32
          %dma_start3A_440 = arith.constant 0 : i32
          %dma_start3A_441 = tpu.memref_slice %arg6[%dma_start3A_439, %dma_start3A_440] : memref<1600x16xf32, #tpu.memory_space<vmem>> -> memref<100x16xf32, #tpu.memory_space<vmem>>
          %dma_start3A_442 = arith.constant 0 : i32
          %dma_start3A_443 = tpu.memref_slice %arg5[%add3A_438, %dma_start3A_442] : memref<256x100xi32, #tpu.memory_space<vmem>> -> memref<1x100xi32, #tpu.memory_space<vmem>>
          %dma_start3A_444 = tpu.memref_squeeze %dma_start3A_443 : memref<1x100xi32, #tpu.memory_space<vmem>> -> memref<100xi32, #tpu.memory_space<vmem>>
          %dma_start3A_445 = arith.constant 0 : i32
          %dma_start3A_446 = arith.constant 0 : i32
          %dma_start3A_447 = tpu.memref_slice %arg2[%dma_start3A_445, %dma_start3A_446] : memref<100000x16xf32, #tpu.memory_space<hbm>> -> memref<100000x16xf32, #tpu.memory_space<hbm>>
          tpu.enqueue_indirect_dma source(%dma_start3A_447 : memref<100000x16xf32, #tpu.memory_space<hbm>>) target(%dma_start3A_441 : memref<100x16xf32, #tpu.memory_space<vmem>>) offsets(%dma_start3A_444 : memref<100xi32, #tpu.memory_space<vmem>>) semaphore(%arg8 : memref<!tpu.dma_semaphore, #tpu.memory_space<semaphore_mem>>)
          %mul3A_448 = arith.constant 16 : i32
          %mul3A_449 = arith.muli %add3A_421, %mul3A_448 : i32
          %add3A_450 = arith.constant 2 : i32
          %add3A_451 = arith.addi %mul3A_449, %add3A_450 : i32
          %dma_start3A_452 = arith.constant 200 : i32
          %dma_start3A_453 = arith.constant 0 : i32
          %dma_start3A_454 = tpu.memref_slice %arg6[%dma_start3A_452, %dma_start3A_453] : memref<1600x16xf32, #tpu.memory_space<vmem>> -> memref<100x16xf32, #tpu.memory_space<vmem>>
          %dma_start3A_455 = arith.constant 0 : i32
          %dma_start3A_456 = tpu.memref_slice %arg5[%add3A_451, %dma_start3A_455] : memref<256x100xi32, #tpu.memory_space<vmem>> -> memref<1x100xi32, #tpu.memory_space<vmem>>
          %dma_start3A_457 = tpu.memref_squeeze %dma_start3A_456 : memref<1x100xi32, #tpu.memory_space<vmem>> -> memref<100xi32, #tpu.memory_space<vmem>>
          %dma_start3A_458 = arith.constant 0 : i32
          %dma_start3A_459 = arith.constant 0 : i32
          %dma_start3A_460 = tpu.memref_slice %arg2[%dma_start3A_458, %dma_start3A_459] : memref<100000x16xf32, #tpu.memory_space<hbm>> -> memref<100000x16xf32, #tpu.memory_space<hbm>>
          tpu.enqueue_indirect_dma source(%dma_start3A_460 : memref<100000x16xf32, #tpu.memory_space<hbm>>) target(%dma_start3A_454 : memref<100x16xf32, #tpu.memory_space<vmem>>) offsets(%dma_start3A_457 : memref<100xi32, #tpu.memory_space<vmem>>) semaphore(%arg8 : memref<!tpu.dma_semaphore, #tpu.memory_space<semaphore_mem>>)
          %mul3A_461 = arith.constant 16 : i32
          %mul3A_462 = arith.muli %add3A_421, %mul3A_461 : i32
          %add3A_463 = arith.constant 3 : i32
          %add3A_464 = arith.addi %mul3A_462, %add3A_463 : i32
          %dma_start3A_465 = arith.constant 300 : i32
          %dma_start3A_466 = arith.constant 0 : i32
          %dma_start3A_467 = tpu.memref_slice %arg6[%dma_start3A_465, %dma_start3A_466] : memref<1600x16xf32, #tpu.memory_space<vmem>> -> memref<100x16xf32, #tpu.memory_space<vmem>>
          %dma_start3A_468 = arith.constant 0 : i32
          %dma_start3A_469 = tpu.memref_slice %arg5[%add3A_464, %dma_start3A_468] : memref<256x100xi32, #tpu.memory_space<vmem>> -> memref<1x100xi32, #tpu.memory_space<vmem>>
          %dma_start3A_470 = tpu.memref_squeeze %dma_start3A_469 : memref<1x100xi32, #tpu.memory_space<vmem>> -> memref<100xi32, #tpu.memory_space<vmem>>
          %dma_start3A_471 = arith.constant 0 : i32
          %dma_start3A_472 = arith.constant 0 : i32
          %dma_start3A_473 = tpu.memref_slice %arg2[%dma_start3A_471, %dma_start3A_472] : memref<100000x16xf32, #tpu.memory_space<hbm>> -> memref<100000x16xf32, #tpu.memory_space<hbm>>
          tpu.enqueue_indirect_dma source(%dma_start3A_473 : memref<100000x16xf32, #tpu.memory_space<hbm>>) target(%dma_start3A_467 : memref<100x16xf32, #tpu.memory_space<vmem>>) offsets(%dma_start3A_470 : memref<100xi32, #tpu.memory_space<vmem>>) semaphore(%arg8 : memref<!tpu.dma_semaphore, #tpu.memory_space<semaphore_mem>>)
          %mul3A_474 = arith.constant 16 : i32
          %mul3A_475 = arith.muli %add3A_421, %mul3A_474 : i32
          %add3A_476 = arith.constant 4 : i32
          %add3A_477 = arith.addi %mul3A_475, %add3A_476 : i32
          %dma_start3A_478 = arith.constant 400 : i32
          %dma_start3A_479 = arith.constant 0 : i32
          %dma_start3A_480 = tpu.memref_slice %arg6[%dma_start3A_478, %dma_start3A_479] : memref<1600x16xf32, #tpu.memory_space<vmem>> -> memref<100x16xf32, #tpu.memory_space<vmem>>
          %dma_start3A_481 = arith.constant 0 : i32
          %dma_start3A_482 = tpu.memref_slice %arg5[%add3A_477, %dma_start3A_481] : memref<256x100xi32, #tpu.memory_space<vmem>> -> memref<1x100xi32, #tpu.memory_space<vmem>>
          %dma_start3A_483 = tpu.memref_squeeze %dma_start3A_482 : memref<1x100xi32, #tpu.memory_space<vmem>> -> memref<100xi32, #tpu.memory_space<vmem>>
          %dma_start3A_484 = arith.constant 0 : i32
          %dma_start3A_485 = arith.constant 0 : i32
          %dma_start3A_486 = tpu.memref_slice %arg2[%dma_start3A_484, %dma_start3A_485] : memref<100000x16xf32, #tpu.memory_space<hbm>> -> memref<100000x16xf32, #tpu.memory_space<hbm>>
          tpu.enqueue_indirect_dma source(%dma_start3A_486 : memref<100000x16xf32, #tpu.memory_space<hbm>>) target(%dma_start3A_480 : memref<100x16xf32, #tpu.memory_space<vmem>>) offsets(%dma_start3A_483 : memref<100xi32, #tpu.memory_space<vmem>>) semaphore(%arg8 : memref<!tpu.dma_semaphore, #tpu.memory_space<semaphore_mem>>)
          %mul3A_487 = arith.constant 16 : i32
          %mul3A_488 = arith.muli %add3A_421, %mul3A_487 : i32
          %add3A_489 = arith.constant 5 : i32
          %add3A_490 = arith.addi %mul3A_488, %add3A_489 : i32
          %dma_start3A_491 = arith.constant 500 : i32
          %dma_start3A_492 = arith.constant 0 : i32
          %dma_start3A_493 = tpu.memref_slice %arg6[%dma_start3A_491, %dma_start3A_492] : memref<1600x16xf32, #tpu.memory_space<vmem>> -> memref<100x16xf32, #tpu.memory_space<vmem>>
          %dma_start3A_494 = arith.constant 0 : i32
          %dma_start3A_495 = tpu.memref_slice %arg5[%add3A_490, %dma_start3A_494] : memref<256x100xi32, #tpu.memory_space<vmem>> -> memref<1x100xi32, #tpu.memory_space<vmem>>
          %dma_start3A_496 = tpu.memref_squeeze %dma_start3A_495 : memref<1x100xi32, #tpu.memory_space<vmem>> -> memref<100xi32, #tpu.memory_space<vmem>>
          %dma_start3A_497 = arith.constant 0 : i32
          %dma_start3A_498 = arith.constant 0 : i32
          %dma_start3A_499 = tpu.memref_slice %arg2[%dma_start3A_497, %dma_start3A_498] : memref<100000x16xf32, #tpu.memory_space<hbm>> -> memref<100000x16xf32, #tpu.memory_space<hbm>>
          tpu.enqueue_indirect_dma source(%dma_start3A_499 : memref<100000x16xf32, #tpu.memory_space<hbm>>) target(%dma_start3A_493 : memref<100x16xf32, #tpu.memory_space<vmem>>) offsets(%dma_start3A_496 : memref<100xi32, #tpu.memory_space<vmem>>) semaphore(%arg8 : memref<!tpu.dma_semaphore, #tpu.memory_space<semaphore_mem>>)
          %mul3A_500 = arith.constant 16 : i32
          %mul3A_501 = arith.muli %add3A_421, %mul3A_500 : i32
          %add3A_502 = arith.constant 6 : i32
          %add3A_503 = arith.addi %mul3A_501, %add3A_502 : i32
          %dma_start3A_504 = arith.constant 600 : i32
          %dma_start3A_505 = arith.constant 0 : i32
          %dma_start3A_506 = tpu.memref_slice %arg6[%dma_start3A_504, %dma_start3A_505] : memref<1600x16xf32, #tpu.memory_space<vmem>> -> memref<100x16xf32, #tpu.memory_space<vmem>>
          %dma_start3A_507 = arith.constant 0 : i32
          %dma_start3A_508 = tpu.memref_slice %arg5[%add3A_503, %dma_start3A_507] : memref<256x100xi32, #tpu.memory_space<vmem>> -> memref<1x100xi32, #tpu.memory_space<vmem>>
          %dma_start3A_509 = tpu.memref_squeeze %dma_start3A_508 : memref<1x100xi32, #tpu.memory_space<vmem>> -> memref<100xi32, #tpu.memory_space<vmem>>
          %dma_start3A_510 = arith.constant 0 : i32
          %dma_start3A_511 = arith.constant 0 : i32
          %dma_start3A_512 = tpu.memref_slice %arg2[%dma_start3A_510, %dma_start3A_511] : memref<100000x16xf32, #tpu.memory_space<hbm>> -> memref<100000x16xf32, #tpu.memory_space<hbm>>
          tpu.enqueue_indirect_dma source(%dma_start3A_512 : memref<100000x16xf32, #tpu.memory_space<hbm>>) target(%dma_start3A_506 : memref<100x16xf32, #tpu.memory_space<vmem>>) offsets(%dma_start3A_509 : memref<100xi32, #tpu.memory_space<vmem>>) semaphore(%arg8 : memref<!tpu.dma_semaphore, #tpu.memory_space<semaphore_mem>>)
          %mul3A_513 = arith.constant 16 : i32
          %mul3A_514 = arith.muli %add3A_421, %mul3A_513 : i32
          %add3A_515 = arith.constant 7 : i32
          %add3A_516 = arith.addi %mul3A_514, %add3A_515 : i32
          %dma_start3A_517 = arith.constant 700 : i32
          %dma_start3A_518 = arith.constant 0 : i32
          %dma_start3A_519 = tpu.memref_slice %arg6[%dma_start3A_517, %dma_start3A_518] : memref<1600x16xf32, #tpu.memory_space<vmem>> -> memref<100x16xf32, #tpu.memory_space<vmem>>
          %dma_start3A_520 = arith.constant 0 : i32
          %dma_start3A_521 = tpu.memref_slice %arg5[%add3A_516, %dma_start3A_520] : memref<256x100xi32, #tpu.memory_space<vmem>> -> memref<1x100xi32, #tpu.memory_space<vmem>>
          %dma_start3A_522 = tpu.memref_squeeze %dma_start3A_521 : memref<1x100xi32, #tpu.memory_space<vmem>> -> memref<100xi32, #tpu.memory_space<vmem>>
          %dma_start3A_523 = arith.constant 0 : i32
          %dma_start3A_524 = arith.constant 0 : i32
          %dma_start3A_525 = tpu.memref_slice %arg2[%dma_start3A_523, %dma_start3A_524] : memref<100000x16xf32, #tpu.memory_space<hbm>> -> memref<100000x16xf32, #tpu.memory_space<hbm>>
          tpu.enqueue_indirect_dma source(%dma_start3A_525 : memref<100000x16xf32, #tpu.memory_space<hbm>>) target(%dma_start3A_519 : memref<100x16xf32, #tpu.memory_space<vmem>>) offsets(%dma_start3A_522 : memref<100xi32, #tpu.memory_space<vmem>>) semaphore(%arg8 : memref<!tpu.dma_semaphore, #tpu.memory_space<semaphore_mem>>)
          %mul3A_526 = arith.constant 16 : i32
          %mul3A_527 = arith.muli %add3A_421, %mul3A_526 : i32
          %add3A_528 = arith.constant 8 : i32
          %add3A_529 = arith.addi %mul3A_527, %add3A_528 : i32
          %dma_start3A_530 = arith.constant 800 : i32
          %dma_start3A_531 = arith.constant 0 : i32
          %dma_start3A_532 = tpu.memref_slice %arg6[%dma_start3A_530, %dma_start3A_531] : memref<1600x16xf32, #tpu.memory_space<vmem>> -> memref<100x16xf32, #tpu.memory_space<vmem>>
          %dma_start3A_533 = arith.constant 0 : i32
          %dma_start3A_534 = tpu.memref_slice %arg5[%add3A_529, %dma_start3A_533] : memref<256x100xi32, #tpu.memory_space<vmem>> -> memref<1x100xi32, #tpu.memory_space<vmem>>
          %dma_start3A_535 = tpu.memref_squeeze %dma_start3A_534 : memref<1x100xi32, #tpu.memory_space<vmem>> -> memref<100xi32, #tpu.memory_space<vmem>>
          %dma_start3A_536 = arith.constant 0 : i32
          %dma_start3A_537 = arith.constant 0 : i32
          %dma_start3A_538 = tpu.memref_slice %arg2[%dma_start3A_536, %dma_start3A_537] : memref<100000x16xf32, #tpu.memory_space<hbm>> -> memref<100000x16xf32, #tpu.memory_space<hbm>>
          tpu.enqueue_indirect_dma source(%dma_start3A_538 : memref<100000x16xf32, #tpu.memory_space<hbm>>) target(%dma_start3A_532 : memref<100x16xf32, #tpu.memory_space<vmem>>) offsets(%dma_start3A_535 : memref<100xi32, #tpu.memory_space<vmem>>) semaphore(%arg8 : memref<!tpu.dma_semaphore, #tpu.memory_space<semaphore_mem>>)
          %mul3A_539 = arith.constant 16 : i32
          %mul3A_540 = arith.muli %add3A_421, %mul3A_539 : i32
          %add3A_541 = arith.constant 9 : i32
          %add3A_542 = arith.addi %mul3A_540, %add3A_541 : i32
          %dma_start3A_543 = arith.constant 900 : i32
          %dma_start3A_544 = arith.constant 0 : i32
          %dma_start3A_545 = tpu.memref_slice %arg6[%dma_start3A_543, %dma_start3A_544] : memref<1600x16xf32, #tpu.memory_space<vmem>> -> memref<100x16xf32, #tpu.memory_space<vmem>>
          %dma_start3A_546 = arith.constant 0 : i32
          %dma_start3A_547 = tpu.memref_slice %arg5[%add3A_542, %dma_start3A_546] : memref<256x100xi32, #tpu.memory_space<vmem>> -> memref<1x100xi32, #tpu.memory_space<vmem>>
          %dma_start3A_548 = tpu.memref_squeeze %dma_start3A_547 : memref<1x100xi32, #tpu.memory_space<vmem>> -> memref<100xi32, #tpu.memory_space<vmem>>
          %dma_start3A_549 = arith.constant 0 : i32
          %dma_start3A_550 = arith.constant 0 : i32
          %dma_start3A_551 = tpu.memref_slice %arg2[%dma_start3A_549, %dma_start3A_550] : memref<100000x16xf32, #tpu.memory_space<hbm>> -> memref<100000x16xf32, #tpu.memory_space<hbm>>
          tpu.enqueue_indirect_dma source(%dma_start3A_551 : memref<100000x16xf32, #tpu.memory_space<hbm>>) target(%dma_start3A_545 : memref<100x16xf32, #tpu.memory_space<vmem>>) offsets(%dma_start3A_548 : memref<100xi32, #tpu.memory_space<vmem>>) semaphore(%arg8 : memref<!tpu.dma_semaphore, #tpu.memory_space<semaphore_mem>>)
          %mul3A_552 = arith.constant 16 : i32
          %mul3A_553 = arith.muli %add3A_421, %mul3A_552 : i32
          %add3A_554 = arith.constant 10 : i32
          %add3A_555 = arith.addi %mul3A_553, %add3A_554 : i32
          %dma_start3A_556 = arith.constant 1000 : i32
          %dma_start3A_557 = arith.constant 0 : i32
          %dma_start3A_558 = tpu.memref_slice %arg6[%dma_start3A_556, %dma_start3A_557] : memref<1600x16xf32, #tpu.memory_space<vmem>> -> memref<100x16xf32, #tpu.memory_space<vmem>>
          %dma_start3A_559 = arith.constant 0 : i32
          %dma_start3A_560 = tpu.memref_slice %arg5[%add3A_555, %dma_start3A_559] : memref<256x100xi32, #tpu.memory_space<vmem>> -> memref<1x100xi32, #tpu.memory_space<vmem>>
          %dma_start3A_561 = tpu.memref_squeeze %dma_start3A_560 : memref<1x100xi32, #tpu.memory_space<vmem>> -> memref<100xi32, #tpu.memory_space<vmem>>
          %dma_start3A_562 = arith.constant 0 : i32
          %dma_start3A_563 = arith.constant 0 : i32
          %dma_start3A_564 = tpu.memref_slice %arg2[%dma_start3A_562, %dma_start3A_563] : memref<100000x16xf32, #tpu.memory_space<hbm>> -> memref<100000x16xf32, #tpu.memory_space<hbm>>
          tpu.enqueue_indirect_dma source(%dma_start3A_564 : memref<100000x16xf32, #tpu.memory_space<hbm>>) target(%dma_start3A_558 : memref<100x16xf32, #tpu.memory_space<vmem>>) offsets(%dma_start3A_561 : memref<100xi32, #tpu.memory_space<vmem>>) semaphore(%arg8 : memref<!tpu.dma_semaphore, #tpu.memory_space<semaphore_mem>>)
          %mul3A_565 = arith.constant 16 : i32
          %mul3A_566 = arith.muli %add3A_421, %mul3A_565 : i32
          %add3A_567 = arith.constant 11 : i32
          %add3A_568 = arith.addi %mul3A_566, %add3A_567 : i32
          %dma_start3A_569 = arith.constant 1100 : i32
          %dma_start3A_570 = arith.constant 0 : i32
          %dma_start3A_571 = tpu.memref_slice %arg6[%dma_start3A_569, %dma_start3A_570] : memref<1600x16xf32, #tpu.memory_space<vmem>> -> memref<100x16xf32, #tpu.memory_space<vmem>>
          %dma_start3A_572 = arith.constant 0 : i32
          %dma_start3A_573 = tpu.memref_slice %arg5[%add3A_568, %dma_start3A_572] : memref<256x100xi32, #tpu.memory_space<vmem>> -> memref<1x100xi32, #tpu.memory_space<vmem>>
          %dma_start3A_574 = tpu.memref_squeeze %dma_start3A_573 : memref<1x100xi32, #tpu.memory_space<vmem>> -> memref<100xi32, #tpu.memory_space<vmem>>
          %dma_start3A_575 = arith.constant 0 : i32
          %dma_start3A_576 = arith.constant 0 : i32
          %dma_start3A_577 = tpu.memref_slice %arg2[%dma_start3A_575, %dma_start3A_576] : memref<100000x16xf32, #tpu.memory_space<hbm>> -> memref<100000x16xf32, #tpu.memory_space<hbm>>
          tpu.enqueue_indirect_dma source(%dma_start3A_577 : memref<100000x16xf32, #tpu.memory_space<hbm>>) target(%dma_start3A_571 : memref<100x16xf32, #tpu.memory_space<vmem>>) offsets(%dma_start3A_574 : memref<100xi32, #tpu.memory_space<vmem>>) semaphore(%arg8 : memref<!tpu.dma_semaphore, #tpu.memory_space<semaphore_mem>>)
          %mul3A_578 = arith.constant 16 : i32
          %mul3A_579 = arith.muli %add3A_421, %mul3A_578 : i32
          %add3A_580 = arith.constant 12 : i32
          %add3A_581 = arith.addi %mul3A_579, %add3A_580 : i32
          %dma_start3A_582 = arith.constant 1200 : i32
          %dma_start3A_583 = arith.constant 0 : i32
          %dma_start3A_584 = tpu.memref_slice %arg6[%dma_start3A_582, %dma_start3A_583] : memref<1600x16xf32, #tpu.memory_space<vmem>> -> memref<100x16xf32, #tpu.memory_space<vmem>>
          %dma_start3A_585 = arith.constant 0 : i32
          %dma_start3A_586 = tpu.memref_slice %arg5[%add3A_581, %dma_start3A_585] : memref<256x100xi32, #tpu.memory_space<vmem>> -> memref<1x100xi32, #tpu.memory_space<vmem>>
          %dma_start3A_587 = tpu.memref_squeeze %dma_start3A_586 : memref<1x100xi32, #tpu.memory_space<vmem>> -> memref<100xi32, #tpu.memory_space<vmem>>
          %dma_start3A_588 = arith.constant 0 : i32
          %dma_start3A_589 = arith.constant 0 : i32
          %dma_start3A_590 = tpu.memref_slice %arg2[%dma_start3A_588, %dma_start3A_589] : memref<100000x16xf32, #tpu.memory_space<hbm>> -> memref<100000x16xf32, #tpu.memory_space<hbm>>
          tpu.enqueue_indirect_dma source(%dma_start3A_590 : memref<100000x16xf32, #tpu.memory_space<hbm>>) target(%dma_start3A_584 : memref<100x16xf32, #tpu.memory_space<vmem>>) offsets(%dma_start3A_587 : memref<100xi32, #tpu.memory_space<vmem>>) semaphore(%arg8 : memref<!tpu.dma_semaphore, #tpu.memory_space<semaphore_mem>>)
          %mul3A_591 = arith.constant 16 : i32
          %mul3A_592 = arith.muli %add3A_421, %mul3A_591 : i32
          %add3A_593 = arith.constant 13 : i32
          %add3A_594 = arith.addi %mul3A_592, %add3A_593 : i32
          %dma_start3A_595 = arith.constant 1300 : i32
          %dma_start3A_596 = arith.constant 0 : i32
          %dma_start3A_597 = tpu.memref_slice %arg6[%dma_start3A_595, %dma_start3A_596] : memref<1600x16xf32, #tpu.memory_space<vmem>> -> memref<100x16xf32, #tpu.memory_space<vmem>>
          %dma_start3A_598 = arith.constant 0 : i32
          %dma_start3A_599 = tpu.memref_slice %arg5[%add3A_594, %dma_start3A_598] : memref<256x100xi32, #tpu.memory_space<vmem>> -> memref<1x100xi32, #tpu.memory_space<vmem>>
          %dma_start3A_600 = tpu.memref_squeeze %dma_start3A_599 : memref<1x100xi32, #tpu.memory_space<vmem>> -> memref<100xi32, #tpu.memory_space<vmem>>
          %dma_start3A_601 = arith.constant 0 : i32
          %dma_start3A_602 = arith.constant 0 : i32
          %dma_start3A_603 = tpu.memref_slice %arg2[%dma_start3A_601, %dma_start3A_602] : memref<100000x16xf32, #tpu.memory_space<hbm>> -> memref<100000x16xf32, #tpu.memory_space<hbm>>
          tpu.enqueue_indirect_dma source(%dma_start3A_603 : memref<100000x16xf32, #tpu.memory_space<hbm>>) target(%dma_start3A_597 : memref<100x16xf32, #tpu.memory_space<vmem>>) offsets(%dma_start3A_600 : memref<100xi32, #tpu.memory_space<vmem>>) semaphore(%arg8 : memref<!tpu.dma_semaphore, #tpu.memory_space<semaphore_mem>>)
          %mul3A_604 = arith.constant 16 : i32
          %mul3A_605 = arith.muli %add3A_421, %mul3A_604 : i32
          %add3A_606 = arith.constant 14 : i32
          %add3A_607 = arith.addi %mul3A_605, %add3A_606 : i32
          %dma_start3A_608 = arith.constant 1400 : i32
          %dma_start3A_609 = arith.constant 0 : i32
          %dma_start3A_610 = tpu.memref_slice %arg6[%dma_start3A_608, %dma_start3A_609] : memref<1600x16xf32, #tpu.memory_space<vmem>> -> memref<100x16xf32, #tpu.memory_space<vmem>>
          %dma_start3A_611 = arith.constant 0 : i32
          %dma_start3A_612 = tpu.memref_slice %arg5[%add3A_607, %dma_start3A_611] : memref<256x100xi32, #tpu.memory_space<vmem>> -> memref<1x100xi32, #tpu.memory_space<vmem>>
          %dma_start3A_613 = tpu.memref_squeeze %dma_start3A_612 : memref<1x100xi32, #tpu.memory_space<vmem>> -> memref<100xi32, #tpu.memory_space<vmem>>
          %dma_start3A_614 = arith.constant 0 : i32
          %dma_start3A_615 = arith.constant 0 : i32
          %dma_start3A_616 = tpu.memref_slice %arg2[%dma_start3A_614, %dma_start3A_615] : memref<100000x16xf32, #tpu.memory_space<hbm>> -> memref<100000x16xf32, #tpu.memory_space<hbm>>
          tpu.enqueue_indirect_dma source(%dma_start3A_616 : memref<100000x16xf32, #tpu.memory_space<hbm>>) target(%dma_start3A_610 : memref<100x16xf32, #tpu.memory_space<vmem>>) offsets(%dma_start3A_613 : memref<100xi32, #tpu.memory_space<vmem>>) semaphore(%arg8 : memref<!tpu.dma_semaphore, #tpu.memory_space<semaphore_mem>>)
          %mul3A_617 = arith.constant 16 : i32
          %mul3A_618 = arith.muli %add3A_421, %mul3A_617 : i32
          %add3A_619 = arith.constant 15 : i32
          %add3A_620 = arith.addi %mul3A_618, %add3A_619 : i32
          %dma_start3A_621 = arith.constant 1500 : i32
          %dma_start3A_622 = arith.constant 0 : i32
          %dma_start3A_623 = tpu.memref_slice %arg6[%dma_start3A_621, %dma_start3A_622] : memref<1600x16xf32, #tpu.memory_space<vmem>> -> memref<100x16xf32, #tpu.memory_space<vmem>>
          %dma_start3A_624 = arith.constant 0 : i32
          %dma_start3A_625 = tpu.memref_slice %arg5[%add3A_620, %dma_start3A_624] : memref<256x100xi32, #tpu.memory_space<vmem>> -> memref<1x100xi32, #tpu.memory_space<vmem>>
          %dma_start3A_626 = tpu.memref_squeeze %dma_start3A_625 : memref<1x100xi32, #tpu.memory_space<vmem>> -> memref<100xi32, #tpu.memory_space<vmem>>
          %dma_start3A_627 = arith.constant 0 : i32
          %dma_start3A_628 = arith.constant 0 : i32
          %dma_start3A_629 = tpu.memref_slice %arg2[%dma_start3A_627, %dma_start3A_628] : memref<100000x16xf32, #tpu.memory_space<hbm>> -> memref<100000x16xf32, #tpu.memory_space<hbm>>
          tpu.enqueue_indirect_dma source(%dma_start3A_629 : memref<100000x16xf32, #tpu.memory_space<hbm>>) target(%dma_start3A_623 : memref<100x16xf32, #tpu.memory_space<vmem>>) offsets(%dma_start3A_626 : memref<100xi32, #tpu.memory_space<vmem>>) semaphore(%arg8 : memref<!tpu.dma_semaphore, #tpu.memory_space<semaphore_mem>>)
        } else {
        }
        %mul3A_208 = arith.constant 16 : i32
        %mul3A_209 = arith.muli %scan3A_167, %mul3A_208 : i32
        %add3A_210 = arith.constant 0 : i32
        %add3A_211 = arith.addi %mul3A_209, %add3A_210 : i32
        %dma_wait3A = arith.constant 0 : i32
        %dma_wait3A_212 = arith.constant 0 : i32
        %dma_wait3A_213 = tpu.memref_slice %arg7[%dma_wait3A, %dma_wait3A_212] : memref<1600x16xf32, #tpu.memory_space<vmem>> -> memref<100x16xf32, #tpu.memory_space<vmem>>
        %dma_wait3A_214 = arith.constant 0 : i32
        %dma_wait3A_215 = tpu.memref_slice %arg5[%add3A_211, %dma_wait3A_214] : memref<256x100xi32, #tpu.memory_space<vmem>> -> memref<1x100xi32, #tpu.memory_space<vmem>>
        %dma_wait3A_216 = tpu.memref_squeeze %dma_wait3A_215 : memref<1x100xi32, #tpu.memory_space<vmem>> -> memref<100xi32, #tpu.memory_space<vmem>>
        %dma_wait3A_217 = arith.constant 0 : i32
        %dma_wait3A_218 = arith.constant 0 : i32
        %dma_wait3A_219 = tpu.memref_slice %arg2[%dma_wait3A_217, %dma_wait3A_218] : memref<100000x16xf32, #tpu.memory_space<hbm>> -> memref<100000x16xf32, #tpu.memory_space<hbm>>
        tpu.wait_indirect_dma semaphore(%arg9 : memref<!tpu.dma_semaphore, #tpu.memory_space<semaphore_mem>>) src(%dma_wait3A_219 : memref<100000x16xf32, #tpu.memory_space<hbm>>) dst(%dma_wait3A_213 : memref<100x16xf32, #tpu.memory_space<vmem>>)
        %mul3A_220 = arith.constant 16 : i32
        %mul3A_221 = arith.muli %scan3A_167, %mul3A_220 : i32
        %add3A_222 = arith.constant 1 : i32
        %add3A_223 = arith.addi %mul3A_221, %add3A_222 : i32
        %dma_wait3A_224 = arith.constant 100 : i32
        %dma_wait3A_225 = arith.constant 0 : i32
        %dma_wait3A_226 = tpu.memref_slice %arg7[%dma_wait3A_224, %dma_wait3A_225] : memref<1600x16xf32, #tpu.memory_space<vmem>> -> memref<100x16xf32, #tpu.memory_space<vmem>>
        %dma_wait3A_227 = arith.constant 0 : i32
        %dma_wait3A_228 = tpu.memref_slice %arg5[%add3A_223, %dma_wait3A_227] : memref<256x100xi32, #tpu.memory_space<vmem>> -> memref<1x100xi32, #tpu.memory_space<vmem>>
        %dma_wait3A_229 = tpu.memref_squeeze %dma_wait3A_228 : memref<1x100xi32, #tpu.memory_space<vmem>> -> memref<100xi32, #tpu.memory_space<vmem>>
        %dma_wait3A_230 = arith.constant 0 : i32
        %dma_wait3A_231 = arith.constant 0 : i32
        %dma_wait3A_232 = tpu.memref_slice %arg2[%dma_wait3A_230, %dma_wait3A_231] : memref<100000x16xf32, #tpu.memory_space<hbm>> -> memref<100000x16xf32, #tpu.memory_space<hbm>>
        tpu.wait_indirect_dma semaphore(%arg9 : memref<!tpu.dma_semaphore, #tpu.memory_space<semaphore_mem>>) src(%dma_wait3A_232 : memref<100000x16xf32, #tpu.memory_space<hbm>>) dst(%dma_wait3A_226 : memref<100x16xf32, #tpu.memory_space<vmem>>)
        %mul3A_233 = arith.constant 16 : i32
        %mul3A_234 = arith.muli %scan3A_167, %mul3A_233 : i32
        %add3A_235 = arith.constant 2 : i32
        %add3A_236 = arith.addi %mul3A_234, %add3A_235 : i32
        %dma_wait3A_237 = arith.constant 200 : i32
        %dma_wait3A_238 = arith.constant 0 : i32
        %dma_wait3A_239 = tpu.memref_slice %arg7[%dma_wait3A_237, %dma_wait3A_238] : memref<1600x16xf32, #tpu.memory_space<vmem>> -> memref<100x16xf32, #tpu.memory_space<vmem>>
        %dma_wait3A_240 = arith.constant 0 : i32
        %dma_wait3A_241 = tpu.memref_slice %arg5[%add3A_236, %dma_wait3A_240] : memref<256x100xi32, #tpu.memory_space<vmem>> -> memref<1x100xi32, #tpu.memory_space<vmem>>
        %dma_wait3A_242 = tpu.memref_squeeze %dma_wait3A_241 : memref<1x100xi32, #tpu.memory_space<vmem>> -> memref<100xi32, #tpu.memory_space<vmem>>
        %dma_wait3A_243 = arith.constant 0 : i32
        %dma_wait3A_244 = arith.constant 0 : i32
        %dma_wait3A_245 = tpu.memref_slice %arg2[%dma_wait3A_243, %dma_wait3A_244] : memref<100000x16xf32, #tpu.memory_space<hbm>> -> memref<100000x16xf32, #tpu.memory_space<hbm>>
        tpu.wait_indirect_dma semaphore(%arg9 : memref<!tpu.dma_semaphore, #tpu.memory_space<semaphore_mem>>) src(%dma_wait3A_245 : memref<100000x16xf32, #tpu.memory_space<hbm>>) dst(%dma_wait3A_239 : memref<100x16xf32, #tpu.memory_space<vmem>>)
        %mul3A_246 = arith.constant 16 : i32
        %mul3A_247 = arith.muli %scan3A_167, %mul3A_246 : i32
        %add3A_248 = arith.constant 3 : i32
        %add3A_249 = arith.addi %mul3A_247, %add3A_248 : i32
        %dma_wait3A_250 = arith.constant 300 : i32
        %dma_wait3A_251 = arith.constant 0 : i32
        %dma_wait3A_252 = tpu.memref_slice %arg7[%dma_wait3A_250, %dma_wait3A_251] : memref<1600x16xf32, #tpu.memory_space<vmem>> -> memref<100x16xf32, #tpu.memory_space<vmem>>
        %dma_wait3A_253 = arith.constant 0 : i32
        %dma_wait3A_254 = tpu.memref_slice %arg5[%add3A_249, %dma_wait3A_253] : memref<256x100xi32, #tpu.memory_space<vmem>> -> memref<1x100xi32, #tpu.memory_space<vmem>>
        %dma_wait3A_255 = tpu.memref_squeeze %dma_wait3A_254 : memref<1x100xi32, #tpu.memory_space<vmem>> -> memref<100xi32, #tpu.memory_space<vmem>>
        %dma_wait3A_256 = arith.constant 0 : i32
        %dma_wait3A_257 = arith.constant 0 : i32
        %dma_wait3A_258 = tpu.memref_slice %arg2[%dma_wait3A_256, %dma_wait3A_257] : memref<100000x16xf32, #tpu.memory_space<hbm>> -> memref<100000x16xf32, #tpu.memory_space<hbm>>
        tpu.wait_indirect_dma semaphore(%arg9 : memref<!tpu.dma_semaphore, #tpu.memory_space<semaphore_mem>>) src(%dma_wait3A_258 : memref<100000x16xf32, #tpu.memory_space<hbm>>) dst(%dma_wait3A_252 : memref<100x16xf32, #tpu.memory_space<vmem>>)
        %mul3A_259 = arith.constant 16 : i32
        %mul3A_260 = arith.muli %scan3A_167, %mul3A_259 : i32
        %add3A_261 = arith.constant 4 : i32
        %add3A_262 = arith.addi %mul3A_260, %add3A_261 : i32
        %dma_wait3A_263 = arith.constant 400 : i32
        %dma_wait3A_264 = arith.constant 0 : i32
        %dma_wait3A_265 = tpu.memref_slice %arg7[%dma_wait3A_263, %dma_wait3A_264] : memref<1600x16xf32, #tpu.memory_space<vmem>> -> memref<100x16xf32, #tpu.memory_space<vmem>>
        %dma_wait3A_266 = arith.constant 0 : i32
        %dma_wait3A_267 = tpu.memref_slice %arg5[%add3A_262, %dma_wait3A_266] : memref<256x100xi32, #tpu.memory_space<vmem>> -> memref<1x100xi32, #tpu.memory_space<vmem>>
        %dma_wait3A_268 = tpu.memref_squeeze %dma_wait3A_267 : memref<1x100xi32, #tpu.memory_space<vmem>> -> memref<100xi32, #tpu.memory_space<vmem>>
        %dma_wait3A_269 = arith.constant 0 : i32
        %dma_wait3A_270 = arith.constant 0 : i32
        %dma_wait3A_271 = tpu.memref_slice %arg2[%dma_wait3A_269, %dma_wait3A_270] : memref<100000x16xf32, #tpu.memory_space<hbm>> -> memref<100000x16xf32, #tpu.memory_space<hbm>>
        tpu.wait_indirect_dma semaphore(%arg9 : memref<!tpu.dma_semaphore, #tpu.memory_space<semaphore_mem>>) src(%dma_wait3A_271 : memref<100000x16xf32, #tpu.memory_space<hbm>>) dst(%dma_wait3A_265 : memref<100x16xf32, #tpu.memory_space<vmem>>)
        %mul3A_272 = arith.constant 16 : i32
        %mul3A_273 = arith.muli %scan3A_167, %mul3A_272 : i32
        %add3A_274 = arith.constant 5 : i32
        %add3A_275 = arith.addi %mul3A_273, %add3A_274 : i32
        %dma_wait3A_276 = arith.constant 500 : i32
        %dma_wait3A_277 = arith.constant 0 : i32
        %dma_wait3A_278 = tpu.memref_slice %arg7[%dma_wait3A_276, %dma_wait3A_277] : memref<1600x16xf32, #tpu.memory_space<vmem>> -> memref<100x16xf32, #tpu.memory_space<vmem>>
        %dma_wait3A_279 = arith.constant 0 : i32
        %dma_wait3A_280 = tpu.memref_slice %arg5[%add3A_275, %dma_wait3A_279] : memref<256x100xi32, #tpu.memory_space<vmem>> -> memref<1x100xi32, #tpu.memory_space<vmem>>
        %dma_wait3A_281 = tpu.memref_squeeze %dma_wait3A_280 : memref<1x100xi32, #tpu.memory_space<vmem>> -> memref<100xi32, #tpu.memory_space<vmem>>
        %dma_wait3A_282 = arith.constant 0 : i32
        %dma_wait3A_283 = arith.constant 0 : i32
        %dma_wait3A_284 = tpu.memref_slice %arg2[%dma_wait3A_282, %dma_wait3A_283] : memref<100000x16xf32, #tpu.memory_space<hbm>> -> memref<100000x16xf32, #tpu.memory_space<hbm>>
        tpu.wait_indirect_dma semaphore(%arg9 : memref<!tpu.dma_semaphore, #tpu.memory_space<semaphore_mem>>) src(%dma_wait3A_284 : memref<100000x16xf32, #tpu.memory_space<hbm>>) dst(%dma_wait3A_278 : memref<100x16xf32, #tpu.memory_space<vmem>>)
        %mul3A_285 = arith.constant 16 : i32
        %mul3A_286 = arith.muli %scan3A_167, %mul3A_285 : i32
        %add3A_287 = arith.constant 6 : i32
        %add3A_288 = arith.addi %mul3A_286, %add3A_287 : i32
        %dma_wait3A_289 = arith.constant 600 : i32
        %dma_wait3A_290 = arith.constant 0 : i32
        %dma_wait3A_291 = tpu.memref_slice %arg7[%dma_wait3A_289, %dma_wait3A_290] : memref<1600x16xf32, #tpu.memory_space<vmem>> -> memref<100x16xf32, #tpu.memory_space<vmem>>
        %dma_wait3A_292 = arith.constant 0 : i32
        %dma_wait3A_293 = tpu.memref_slice %arg5[%add3A_288, %dma_wait3A_292] : memref<256x100xi32, #tpu.memory_space<vmem>> -> memref<1x100xi32, #tpu.memory_space<vmem>>
        %dma_wait3A_294 = tpu.memref_squeeze %dma_wait3A_293 : memref<1x100xi32, #tpu.memory_space<vmem>> -> memref<100xi32, #tpu.memory_space<vmem>>
        %dma_wait3A_295 = arith.constant 0 : i32
        %dma_wait3A_296 = arith.constant 0 : i32
        %dma_wait3A_297 = tpu.memref_slice %arg2[%dma_wait3A_295, %dma_wait3A_296] : memref<100000x16xf32, #tpu.memory_space<hbm>> -> memref<100000x16xf32, #tpu.memory_space<hbm>>
        tpu.wait_indirect_dma semaphore(%arg9 : memref<!tpu.dma_semaphore, #tpu.memory_space<semaphore_mem>>) src(%dma_wait3A_297 : memref<100000x16xf32, #tpu.memory_space<hbm>>) dst(%dma_wait3A_291 : memref<100x16xf32, #tpu.memory_space<vmem>>)
        %mul3A_298 = arith.constant 16 : i32
        %mul3A_299 = arith.muli %scan3A_167, %mul3A_298 : i32
        %add3A_300 = arith.constant 7 : i32
        %add3A_301 = arith.addi %mul3A_299, %add3A_300 : i32
        %dma_wait3A_302 = arith.constant 700 : i32
        %dma_wait3A_303 = arith.constant 0 : i32
        %dma_wait3A_304 = tpu.memref_slice %arg7[%dma_wait3A_302, %dma_wait3A_303] : memref<1600x16xf32, #tpu.memory_space<vmem>> -> memref<100x16xf32, #tpu.memory_space<vmem>>
        %dma_wait3A_305 = arith.constant 0 : i32
        %dma_wait3A_306 = tpu.memref_slice %arg5[%add3A_301, %dma_wait3A_305] : memref<256x100xi32, #tpu.memory_space<vmem>> -> memref<1x100xi32, #tpu.memory_space<vmem>>
        %dma_wait3A_307 = tpu.memref_squeeze %dma_wait3A_306 : memref<1x100xi32, #tpu.memory_space<vmem>> -> memref<100xi32, #tpu.memory_space<vmem>>
        %dma_wait3A_308 = arith.constant 0 : i32
        %dma_wait3A_309 = arith.constant 0 : i32
        %dma_wait3A_310 = tpu.memref_slice %arg2[%dma_wait3A_308, %dma_wait3A_309] : memref<100000x16xf32, #tpu.memory_space<hbm>> -> memref<100000x16xf32, #tpu.memory_space<hbm>>
        tpu.wait_indirect_dma semaphore(%arg9 : memref<!tpu.dma_semaphore, #tpu.memory_space<semaphore_mem>>) src(%dma_wait3A_310 : memref<100000x16xf32, #tpu.memory_space<hbm>>) dst(%dma_wait3A_304 : memref<100x16xf32, #tpu.memory_space<vmem>>)
        %mul3A_311 = arith.constant 16 : i32
        %mul3A_312 = arith.muli %scan3A_167, %mul3A_311 : i32
        %add3A_313 = arith.constant 8 : i32
        %add3A_314 = arith.addi %mul3A_312, %add3A_313 : i32
        %dma_wait3A_315 = arith.constant 800 : i32
        %dma_wait3A_316 = arith.constant 0 : i32
        %dma_wait3A_317 = tpu.memref_slice %arg7[%dma_wait3A_315, %dma_wait3A_316] : memref<1600x16xf32, #tpu.memory_space<vmem>> -> memref<100x16xf32, #tpu.memory_space<vmem>>
        %dma_wait3A_318 = arith.constant 0 : i32
        %dma_wait3A_319 = tpu.memref_slice %arg5[%add3A_314, %dma_wait3A_318] : memref<256x100xi32, #tpu.memory_space<vmem>> -> memref<1x100xi32, #tpu.memory_space<vmem>>
        %dma_wait3A_320 = tpu.memref_squeeze %dma_wait3A_319 : memref<1x100xi32, #tpu.memory_space<vmem>> -> memref<100xi32, #tpu.memory_space<vmem>>
        %dma_wait3A_321 = arith.constant 0 : i32
        %dma_wait3A_322 = arith.constant 0 : i32
        %dma_wait3A_323 = tpu.memref_slice %arg2[%dma_wait3A_321, %dma_wait3A_322] : memref<100000x16xf32, #tpu.memory_space<hbm>> -> memref<100000x16xf32, #tpu.memory_space<hbm>>
        tpu.wait_indirect_dma semaphore(%arg9 : memref<!tpu.dma_semaphore, #tpu.memory_space<semaphore_mem>>) src(%dma_wait3A_323 : memref<100000x16xf32, #tpu.memory_space<hbm>>) dst(%dma_wait3A_317 : memref<100x16xf32, #tpu.memory_space<vmem>>)
        %mul3A_324 = arith.constant 16 : i32
        %mul3A_325 = arith.muli %scan3A_167, %mul3A_324 : i32
        %add3A_326 = arith.constant 9 : i32
        %add3A_327 = arith.addi %mul3A_325, %add3A_326 : i32
        %dma_wait3A_328 = arith.constant 900 : i32
        %dma_wait3A_329 = arith.constant 0 : i32
        %dma_wait3A_330 = tpu.memref_slice %arg7[%dma_wait3A_328, %dma_wait3A_329] : memref<1600x16xf32, #tpu.memory_space<vmem>> -> memref<100x16xf32, #tpu.memory_space<vmem>>
        %dma_wait3A_331 = arith.constant 0 : i32
        %dma_wait3A_332 = tpu.memref_slice %arg5[%add3A_327, %dma_wait3A_331] : memref<256x100xi32, #tpu.memory_space<vmem>> -> memref<1x100xi32, #tpu.memory_space<vmem>>
        %dma_wait3A_333 = tpu.memref_squeeze %dma_wait3A_332 : memref<1x100xi32, #tpu.memory_space<vmem>> -> memref<100xi32, #tpu.memory_space<vmem>>
        %dma_wait3A_334 = arith.constant 0 : i32
        %dma_wait3A_335 = arith.constant 0 : i32
        %dma_wait3A_336 = tpu.memref_slice %arg2[%dma_wait3A_334, %dma_wait3A_335] : memref<100000x16xf32, #tpu.memory_space<hbm>> -> memref<100000x16xf32, #tpu.memory_space<hbm>>
        tpu.wait_indirect_dma semaphore(%arg9 : memref<!tpu.dma_semaphore, #tpu.memory_space<semaphore_mem>>) src(%dma_wait3A_336 : memref<100000x16xf32, #tpu.memory_space<hbm>>) dst(%dma_wait3A_330 : memref<100x16xf32, #tpu.memory_space<vmem>>)
        %mul3A_337 = arith.constant 16 : i32
        %mul3A_338 = arith.muli %scan3A_167, %mul3A_337 : i32
        %add3A_339 = arith.constant 10 : i32
        %add3A_340 = arith.addi %mul3A_338, %add3A_339 : i32
        %dma_wait3A_341 = arith.constant 1000 : i32
        %dma_wait3A_342 = arith.constant 0 : i32
        %dma_wait3A_343 = tpu.memref_slice %arg7[%dma_wait3A_341, %dma_wait3A_342] : memref<1600x16xf32, #tpu.memory_space<vmem>> -> memref<100x16xf32, #tpu.memory_space<vmem>>
        %dma_wait3A_344 = arith.constant 0 : i32
        %dma_wait3A_345 = tpu.memref_slice %arg5[%add3A_340, %dma_wait3A_344] : memref<256x100xi32, #tpu.memory_space<vmem>> -> memref<1x100xi32, #tpu.memory_space<vmem>>
        %dma_wait3A_346 = tpu.memref_squeeze %dma_wait3A_345 : memref<1x100xi32, #tpu.memory_space<vmem>> -> memref<100xi32, #tpu.memory_space<vmem>>
        %dma_wait3A_347 = arith.constant 0 : i32
        %dma_wait3A_348 = arith.constant 0 : i32
        %dma_wait3A_349 = tpu.memref_slice %arg2[%dma_wait3A_347, %dma_wait3A_348] : memref<100000x16xf32, #tpu.memory_space<hbm>> -> memref<100000x16xf32, #tpu.memory_space<hbm>>
        tpu.wait_indirect_dma semaphore(%arg9 : memref<!tpu.dma_semaphore, #tpu.memory_space<semaphore_mem>>) src(%dma_wait3A_349 : memref<100000x16xf32, #tpu.memory_space<hbm>>) dst(%dma_wait3A_343 : memref<100x16xf32, #tpu.memory_space<vmem>>)
        %mul3A_350 = arith.constant 16 : i32
        %mul3A_351 = arith.muli %scan3A_167, %mul3A_350 : i32
        %add3A_352 = arith.constant 11 : i32
        %add3A_353 = arith.addi %mul3A_351, %add3A_352 : i32
        %dma_wait3A_354 = arith.constant 1100 : i32
        %dma_wait3A_355 = arith.constant 0 : i32
        %dma_wait3A_356 = tpu.memref_slice %arg7[%dma_wait3A_354, %dma_wait3A_355] : memref<1600x16xf32, #tpu.memory_space<vmem>> -> memref<100x16xf32, #tpu.memory_space<vmem>>
        %dma_wait3A_357 = arith.constant 0 : i32
        %dma_wait3A_358 = tpu.memref_slice %arg5[%add3A_353, %dma_wait3A_357] : memref<256x100xi32, #tpu.memory_space<vmem>> -> memref<1x100xi32, #tpu.memory_space<vmem>>
        %dma_wait3A_359 = tpu.memref_squeeze %dma_wait3A_358 : memref<1x100xi32, #tpu.memory_space<vmem>> -> memref<100xi32, #tpu.memory_space<vmem>>
        %dma_wait3A_360 = arith.constant 0 : i32
        %dma_wait3A_361 = arith.constant 0 : i32
        %dma_wait3A_362 = tpu.memref_slice %arg2[%dma_wait3A_360, %dma_wait3A_361] : memref<100000x16xf32, #tpu.memory_space<hbm>> -> memref<100000x16xf32, #tpu.memory_space<hbm>>
        tpu.wait_indirect_dma semaphore(%arg9 : memref<!tpu.dma_semaphore, #tpu.memory_space<semaphore_mem>>) src(%dma_wait3A_362 : memref<100000x16xf32, #tpu.memory_space<hbm>>) dst(%dma_wait3A_356 : memref<100x16xf32, #tpu.memory_space<vmem>>)
        %mul3A_363 = arith.constant 16 : i32
        %mul3A_364 = arith.muli %scan3A_167, %mul3A_363 : i32
        %add3A_365 = arith.constant 12 : i32
        %add3A_366 = arith.addi %mul3A_364, %add3A_365 : i32
        %dma_wait3A_367 = arith.constant 1200 : i32
        %dma_wait3A_368 = arith.constant 0 : i32
        %dma_wait3A_369 = tpu.memref_slice %arg7[%dma_wait3A_367, %dma_wait3A_368] : memref<1600x16xf32, #tpu.memory_space<vmem>> -> memref<100x16xf32, #tpu.memory_space<vmem>>
        %dma_wait3A_370 = arith.constant 0 : i32
        %dma_wait3A_371 = tpu.memref_slice %arg5[%add3A_366, %dma_wait3A_370] : memref<256x100xi32, #tpu.memory_space<vmem>> -> memref<1x100xi32, #tpu.memory_space<vmem>>
        %dma_wait3A_372 = tpu.memref_squeeze %dma_wait3A_371 : memref<1x100xi32, #tpu.memory_space<vmem>> -> memref<100xi32, #tpu.memory_space<vmem>>
        %dma_wait3A_373 = arith.constant 0 : i32
        %dma_wait3A_374 = arith.constant 0 : i32
        %dma_wait3A_375 = tpu.memref_slice %arg2[%dma_wait3A_373, %dma_wait3A_374] : memref<100000x16xf32, #tpu.memory_space<hbm>> -> memref<100000x16xf32, #tpu.memory_space<hbm>>
        tpu.wait_indirect_dma semaphore(%arg9 : memref<!tpu.dma_semaphore, #tpu.memory_space<semaphore_mem>>) src(%dma_wait3A_375 : memref<100000x16xf32, #tpu.memory_space<hbm>>) dst(%dma_wait3A_369 : memref<100x16xf32, #tpu.memory_space<vmem>>)
        %mul3A_376 = arith.constant 16 : i32
        %mul3A_377 = arith.muli %scan3A_167, %mul3A_376 : i32
        %add3A_378 = arith.constant 13 : i32
        %add3A_379 = arith.addi %mul3A_377, %add3A_378 : i32
        %dma_wait3A_380 = arith.constant 1300 : i32
        %dma_wait3A_381 = arith.constant 0 : i32
        %dma_wait3A_382 = tpu.memref_slice %arg7[%dma_wait3A_380, %dma_wait3A_381] : memref<1600x16xf32, #tpu.memory_space<vmem>> -> memref<100x16xf32, #tpu.memory_space<vmem>>
        %dma_wait3A_383 = arith.constant 0 : i32
        %dma_wait3A_384 = tpu.memref_slice %arg5[%add3A_379, %dma_wait3A_383] : memref<256x100xi32, #tpu.memory_space<vmem>> -> memref<1x100xi32, #tpu.memory_space<vmem>>
        %dma_wait3A_385 = tpu.memref_squeeze %dma_wait3A_384 : memref<1x100xi32, #tpu.memory_space<vmem>> -> memref<100xi32, #tpu.memory_space<vmem>>
        %dma_wait3A_386 = arith.constant 0 : i32
        %dma_wait3A_387 = arith.constant 0 : i32
        %dma_wait3A_388 = tpu.memref_slice %arg2[%dma_wait3A_386, %dma_wait3A_387] : memref<100000x16xf32, #tpu.memory_space<hbm>> -> memref<100000x16xf32, #tpu.memory_space<hbm>>
        tpu.wait_indirect_dma semaphore(%arg9 : memref<!tpu.dma_semaphore, #tpu.memory_space<semaphore_mem>>) src(%dma_wait3A_388 : memref<100000x16xf32, #tpu.memory_space<hbm>>) dst(%dma_wait3A_382 : memref<100x16xf32, #tpu.memory_space<vmem>>)
        %mul3A_389 = arith.constant 16 : i32
        %mul3A_390 = arith.muli %scan3A_167, %mul3A_389 : i32
        %add3A_391 = arith.constant 14 : i32
        %add3A_392 = arith.addi %mul3A_390, %add3A_391 : i32
        %dma_wait3A_393 = arith.constant 1400 : i32
        %dma_wait3A_394 = arith.constant 0 : i32
        %dma_wait3A_395 = tpu.memref_slice %arg7[%dma_wait3A_393, %dma_wait3A_394] : memref<1600x16xf32, #tpu.memory_space<vmem>> -> memref<100x16xf32, #tpu.memory_space<vmem>>
        %dma_wait3A_396 = arith.constant 0 : i32
        %dma_wait3A_397 = tpu.memref_slice %arg5[%add3A_392, %dma_wait3A_396] : memref<256x100xi32, #tpu.memory_space<vmem>> -> memref<1x100xi32, #tpu.memory_space<vmem>>
        %dma_wait3A_398 = tpu.memref_squeeze %dma_wait3A_397 : memref<1x100xi32, #tpu.memory_space<vmem>> -> memref<100xi32, #tpu.memory_space<vmem>>
        %dma_wait3A_399 = arith.constant 0 : i32
        %dma_wait3A_400 = arith.constant 0 : i32
        %dma_wait3A_401 = tpu.memref_slice %arg2[%dma_wait3A_399, %dma_wait3A_400] : memref<100000x16xf32, #tpu.memory_space<hbm>> -> memref<100000x16xf32, #tpu.memory_space<hbm>>
        tpu.wait_indirect_dma semaphore(%arg9 : memref<!tpu.dma_semaphore, #tpu.memory_space<semaphore_mem>>) src(%dma_wait3A_401 : memref<100000x16xf32, #tpu.memory_space<hbm>>) dst(%dma_wait3A_395 : memref<100x16xf32, #tpu.memory_space<vmem>>)
        %mul3A_402 = arith.constant 16 : i32
        %mul3A_403 = arith.muli %scan3A_167, %mul3A_402 : i32
        %add3A_404 = arith.constant 15 : i32
        %add3A_405 = arith.addi %mul3A_403, %add3A_404 : i32
        %dma_wait3A_406 = arith.constant 1500 : i32
        %dma_wait3A_407 = arith.constant 0 : i32
        %dma_wait3A_408 = tpu.memref_slice %arg7[%dma_wait3A_406, %dma_wait3A_407] : memref<1600x16xf32, #tpu.memory_space<vmem>> -> memref<100x16xf32, #tpu.memory_space<vmem>>
        %dma_wait3A_409 = arith.constant 0 : i32
        %dma_wait3A_410 = tpu.memref_slice %arg5[%add3A_405, %dma_wait3A_409] : memref<256x100xi32, #tpu.memory_space<vmem>> -> memref<1x100xi32, #tpu.memory_space<vmem>>
        %dma_wait3A_411 = tpu.memref_squeeze %dma_wait3A_410 : memref<1x100xi32, #tpu.memory_space<vmem>> -> memref<100xi32, #tpu.memory_space<vmem>>
        %dma_wait3A_412 = arith.constant 0 : i32
        %dma_wait3A_413 = arith.constant 0 : i32
        %dma_wait3A_414 = tpu.memref_slice %arg2[%dma_wait3A_412, %dma_wait3A_413] : memref<100000x16xf32, #tpu.memory_space<hbm>> -> memref<100000x16xf32, #tpu.memory_space<hbm>>
        tpu.wait_indirect_dma semaphore(%arg9 : memref<!tpu.dma_semaphore, #tpu.memory_space<semaphore_mem>>) src(%dma_wait3A_414 : memref<100000x16xf32, #tpu.memory_space<hbm>>) dst(%dma_wait3A_408 : memref<100x16xf32, #tpu.memory_space<vmem>>)
        %mul3A_415 = arith.constant 16 : i32
        %mul3A_416 = arith.muli %scan3A_167, %mul3A_415 : i32
        %add3A_417 = arith.addi %mul3A_2, %mul3A_416 : i32
        %mul3A_418 = arith.constant 100 : i32
        %mul3A_419 = arith.muli %add3A_417, %mul3A_418 : i32
        "tpu.region"() ({
          %run_scoped3A = tpu.sem_alloc : memref<!tpu.dma_semaphore, #tpu.memory_space<semaphore_mem>>
          %dma_start3A_420 = arith.constant 0 : i32
          %dma_start3A_421 = tpu.memref_slice %arg4[%mul3A_419, %dma_start3A_420] : memref<819200x16xf32, #tpu.memory_space<hbm>> -> memref<1600x16xf32, #tpu.memory_space<hbm>>
          %dma_start3A_422 = arith.constant 0 : i32
          %dma_start3A_423 = tpu.memref_slice %arg4[%mul3A_419, %dma_start3A_422] : memref<819200x16xf32, #tpu.memory_space<hbm>> -> memref<1600x16xf32, #tpu.memory_space<hbm>>
          tpu.enqueue_dma source(%arg7 : memref<1600x16xf32, #tpu.memory_space<vmem>>) target(%dma_start3A_423 : memref<1600x16xf32, #tpu.memory_space<hbm>>) target_semaphore(%run_scoped3A : memref<!tpu.dma_semaphore, #tpu.memory_space<semaphore_mem>>)
          %dma_wait3A_424 = arith.constant 0 : i32
          %dma_wait3A_425 = tpu.memref_slice %arg4[%mul3A_419, %dma_wait3A_424] : memref<819200x16xf32, #tpu.memory_space<hbm>> -> memref<1600x16xf32, #tpu.memory_space<hbm>>
          %dma_wait3A_426 = arith.constant 0 : i32
          %dma_wait3A_427 = tpu.memref_slice %arg4[%mul3A_419, %dma_wait3A_426] : memref<819200x16xf32, #tpu.memory_space<hbm>> -> memref<1600x16xf32, #tpu.memory_space<hbm>>
          tpu.wait_dma2 semaphore(%run_scoped3A : memref<!tpu.dma_semaphore, #tpu.memory_space<semaphore_mem>>) src(%arg7 : memref<1600x16xf32, #tpu.memory_space<vmem>>) dst(%dma_wait3A_427 : memref<1600x16xf32, #tpu.memory_space<hbm>>)
          tpu.yield
        }) : () -> ()
      } else {
      }
    }
    %scan3A_166 = arith.constant 16 : i32
    return
  }
}

#map = affine_map<(d0, d1) -> (0, 0)>
module attributes {stable_mosaic.version = 14 : i64} {
  func.func @_sc_gather(%arg0: i32, %arg1: i32, %arg2: memref<100000x16xf32, #tpu.memory_space<hbm>>, %arg3: memref<8192x100xi32, #tpu.memory_space<hbm>>, %arg4: memref<819200x16xf32, #tpu.memory_space<hbm>>, %arg5: memref<256x100xi32, #tpu.memory_space<vmem>>, %arg6: memref<1600x16xf32, #tpu.memory_space<vmem>>, %arg7: memref<1600x16xf32, #tpu.memory_space<vmem>>, %arg8: memref<!tpu.dma_semaphore, #tpu.memory_space<semaphore_mem>>, %arg9: memref<!tpu.dma_semaphore, #tpu.memory_space<semaphore_mem>>) attributes {dimension_semantics = [#tpu.dimension_semantics<core_parallel>, #tpu.dimension_semantics<subcore_parallel>], iteration_bounds = array<i64: 2, 16>, scalar_prefetch = 0 : i64, scratch_operands = 5 : i64, tpu.core_type = #tpu.core_type<sc_vector_subcore>, window_params = [{transform_indices = #map}, {transform_indices = #map}, {transform_indices = #map}]} {
    %mul3A = arith.constant 2 : i32
    %mul3A_0 = arith.muli %arg1, %mul3A : i32
    %add3A = arith.addi %mul3A_0, %arg0 : i32
    %mul3A_1 = arith.constant 256 : i32
    %mul3A_2 = arith.muli %add3A, %mul3A_1 : i32
    "tpu.region"() ({
      %run_scoped3A = tpu.sem_alloc : memref<!tpu.dma_semaphore, #tpu.memory_space<semaphore_mem>>
      %dma_start3A_167 = arith.constant 0 : i32
      %dma_start3A_168 = tpu.memref_slice %arg3[%mul3A_2, %dma_start3A_167] : memref<8192x100xi32, #tpu.memory_space<hbm>> -> memref<256x100xi32, #tpu.memory_space<hbm>>
      %dma_start3A_169 = arith.constant 0 : i32
      %dma_start3A_170 = tpu.memref_slice %arg3[%mul3A_2, %dma_start3A_169] : memref<8192x100xi32, #tpu.memory_space<hbm>> -> memref<256x100xi32, #tpu.memory_space<hbm>>
      tpu.enqueue_dma source(%dma_start3A_170 : memref<256x100xi32, #tpu.memory_space<hbm>>) target(%arg5 : memref<256x100xi32, #tpu.memory_space<vmem>>) target_semaphore(%run_scoped3A : memref<!tpu.dma_semaphore, #tpu.memory_space<semaphore_mem>>)
      %dma_wait3A = arith.constant 0 : i32
      %dma_wait3A_171 = tpu.memref_slice %arg3[%mul3A_2, %dma_wait3A] : memref<8192x100xi32, #tpu.memory_space<hbm>> -> memref<256x100xi32, #tpu.memory_space<hbm>>
      %dma_wait3A_172 = arith.constant 0 : i32
      %dma_wait3A_173 = tpu.memref_slice %arg3[%mul3A_2, %dma_wait3A_172] : memref<8192x100xi32, #tpu.memory_space<hbm>> -> memref<256x100xi32, #tpu.memory_space<hbm>>
      tpu.wait_dma2 semaphore(%run_scoped3A : memref<!tpu.dma_semaphore, #tpu.memory_space<semaphore_mem>>) src(%dma_wait3A_173 : memref<256x100xi32, #tpu.memory_space<hbm>>) dst(%arg5 : memref<256x100xi32, #tpu.memory_space<vmem>>)
      tpu.yield
    }) : () -> ()
    %dma_start3A = arith.constant 0 : i32
    %dma_start3A_3 = arith.constant 0 : i32
    %dma_start3A_4 = arith.constant 0 : i32
    %dma_start3A_5 = tpu.memref_slice %arg6[%dma_start3A_3, %dma_start3A_4] : memref<1600x16xf32, #tpu.memory_space<vmem>> -> memref<100x16xf32, #tpu.memory_space<vmem>>
    %dma_start3A_6 = arith.constant 0 : i32
    %dma_start3A_7 = tpu.memref_slice %arg5[%dma_start3A, %dma_start3A_6] : memref<256x100xi32, #tpu.memory_space<vmem>> -> memref<1x100xi32, #tpu.memory_space<vmem>>
    %dma_start3A_8 = tpu.memref_squeeze %dma_start3A_7 : memref<1x100xi32, #tpu.memory_space<vmem>> -> memref<100xi32, #tpu.memory_space<vmem>>
    %dma_start3A_9 = arith.constant 0 : i32
    %dma_start3A_10 = arith.constant 0 : i32
    %dma_start3A_11 = tpu.memref_slice %arg2[%dma_start3A_9, %dma_start3A_10] : memref<100000x16xf32, #tpu.memory_space<hbm>> -> memref<100000x16xf32, #tpu.memory_space<hbm>>
    tpu.enqueue_indirect_dma source(%dma_start3A_11 : memref<100000x16xf32, #tpu.memory_space<hbm>>) target(%dma_start3A_5 : memref<100x16xf32, #tpu.memory_space<vmem>>) offsets(%dma_start3A_8 : memref<100xi32, #tpu.memory_space<vmem>>) semaphore(%arg8 : memref<!tpu.dma_semaphore, #tpu.memory_space<semaphore_mem>>)
    %dma_start3A_12 = arith.constant 1 : i32
    %dma_start3A_13 = arith.constant 100 : i32
    %dma_start3A_14 = arith.constant 0 : i32
    %dma_start3A_15 = tpu.memref_slice %arg6[%dma_start3A_13, %dma_start3A_14] : memref<1600x16xf32, #tpu.memory_space<vmem>> -> memref<100x16xf32, #tpu.memory_space<vmem>>
    %dma_start3A_16 = arith.constant 0 : i32
    %dma_start3A_17 = tpu.memref_slice %arg5[%dma_start3A_12, %dma_start3A_16] : memref<256x100xi32, #tpu.memory_space<vmem>> -> memref<1x100xi32, #tpu.memory_space<vmem>>
    %dma_start3A_18 = tpu.memref_squeeze %dma_start3A_17 : memref<1x100xi32, #tpu.memory_space<vmem>> -> memref<100xi32, #tpu.memory_space<vmem>>
    %dma_start3A_19 = arith.constant 0 : i32
    %dma_start3A_20 = arith.constant 0 : i32
    %dma_start3A_21 = tpu.memref_slice %arg2[%dma_start3A_19, %dma_start3A_20] : memref<100000x16xf32, #tpu.memory_space<hbm>> -> memref<100000x16xf32, #tpu.memory_space<hbm>>
    tpu.enqueue_indirect_dma source(%dma_start3A_21 : memref<100000x16xf32, #tpu.memory_space<hbm>>) target(%dma_start3A_15 : memref<100x16xf32, #tpu.memory_space<vmem>>) offsets(%dma_start3A_18 : memref<100xi32, #tpu.memory_space<vmem>>) semaphore(%arg8 : memref<!tpu.dma_semaphore, #tpu.memory_space<semaphore_mem>>)
    %dma_start3A_22 = arith.constant 2 : i32
    %dma_start3A_23 = arith.constant 200 : i32
    %dma_start3A_24 = arith.constant 0 : i32
    %dma_start3A_25 = tpu.memref_slice %arg6[%dma_start3A_23, %dma_start3A_24] : memref<1600x16xf32, #tpu.memory_space<vmem>> -> memref<100x16xf32, #tpu.memory_space<vmem>>
    %dma_start3A_26 = arith.constant 0 : i32
    %dma_start3A_27 = tpu.memref_slice %arg5[%dma_start3A_22, %dma_start3A_26] : memref<256x100xi32, #tpu.memory_space<vmem>> -> memref<1x100xi32, #tpu.memory_space<vmem>>
    %dma_start3A_28 = tpu.memref_squeeze %dma_start3A_27 : memref<1x100xi32, #tpu.memory_space<vmem>> -> memref<100xi32, #tpu.memory_space<vmem>>
    %dma_start3A_29 = arith.constant 0 : i32
    %dma_start3A_30 = arith.constant 0 : i32
    %dma_start3A_31 = tpu.memref_slice %arg2[%dma_start3A_29, %dma_start3A_30] : memref<100000x16xf32, #tpu.memory_space<hbm>> -> memref<100000x16xf32, #tpu.memory_space<hbm>>
    tpu.enqueue_indirect_dma source(%dma_start3A_31 : memref<100000x16xf32, #tpu.memory_space<hbm>>) target(%dma_start3A_25 : memref<100x16xf32, #tpu.memory_space<vmem>>) offsets(%dma_start3A_28 : memref<100xi32, #tpu.memory_space<vmem>>) semaphore(%arg8 : memref<!tpu.dma_semaphore, #tpu.memory_space<semaphore_mem>>)
    %dma_start3A_32 = arith.constant 3 : i32
    %dma_start3A_33 = arith.constant 300 : i32
    %dma_start3A_34 = arith.constant 0 : i32
    %dma_start3A_35 = tpu.memref_slice %arg6[%dma_start3A_33, %dma_start3A_34] : memref<1600x16xf32, #tpu.memory_space<vmem>> -> memref<100x16xf32, #tpu.memory_space<vmem>>
    %dma_start3A_36 = arith.constant 0 : i32
    %dma_start3A_37 = tpu.memref_slice %arg5[%dma_start3A_32, %dma_start3A_36] : memref<256x100xi32, #tpu.memory_space<vmem>> -> memref<1x100xi32, #tpu.memory_space<vmem>>
    %dma_start3A_38 = tpu.memref_squeeze %dma_start3A_37 : memref<1x100xi32, #tpu.memory_space<vmem>> -> memref<100xi32, #tpu.memory_space<vmem>>
    %dma_start3A_39 = arith.constant 0 : i32
    %dma_start3A_40 = arith.constant 0 : i32
    %dma_start3A_41 = tpu.memref_slice %arg2[%dma_start3A_39, %dma_start3A_40] : memref<100000x16xf32, #tpu.memory_space<hbm>> -> memref<100000x16xf32, #tpu.memory_space<hbm>>
    tpu.enqueue_indirect_dma source(%dma_start3A_41 : memref<100000x16xf32, #tpu.memory_space<hbm>>) target(%dma_start3A_35 : memref<100x16xf32, #tpu.memory_space<vmem>>) offsets(%dma_start3A_38 : memref<100xi32, #tpu.memory_space<vmem>>) semaphore(%arg8 : memref<!tpu.dma_semaphore, #tpu.memory_space<semaphore_mem>>)
    %dma_start3A_42 = arith.constant 4 : i32
    %dma_start3A_43 = arith.constant 400 : i32
    %dma_start3A_44 = arith.constant 0 : i32
    %dma_start3A_45 = tpu.memref_slice %arg6[%dma_start3A_43, %dma_start3A_44] : memref<1600x16xf32, #tpu.memory_space<vmem>> -> memref<100x16xf32, #tpu.memory_space<vmem>>
    %dma_start3A_46 = arith.constant 0 : i32
    %dma_start3A_47 = tpu.memref_slice %arg5[%dma_start3A_42, %dma_start3A_46] : memref<256x100xi32, #tpu.memory_space<vmem>> -> memref<1x100xi32, #tpu.memory_space<vmem>>
    %dma_start3A_48 = tpu.memref_squeeze %dma_start3A_47 : memref<1x100xi32, #tpu.memory_space<vmem>> -> memref<100xi32, #tpu.memory_space<vmem>>
    %dma_start3A_49 = arith.constant 0 : i32
    %dma_start3A_50 = arith.constant 0 : i32
    %dma_start3A_51 = tpu.memref_slice %arg2[%dma_start3A_49, %dma_start3A_50] : memref<100000x16xf32, #tpu.memory_space<hbm>> -> memref<100000x16xf32, #tpu.memory_space<hbm>>
    tpu.enqueue_indirect_dma source(%dma_start3A_51 : memref<100000x16xf32, #tpu.memory_space<hbm>>) target(%dma_start3A_45 : memref<100x16xf32, #tpu.memory_space<vmem>>) offsets(%dma_start3A_48 : memref<100xi32, #tpu.memory_space<vmem>>) semaphore(%arg8 : memref<!tpu.dma_semaphore, #tpu.memory_space<semaphore_mem>>)
    %dma_start3A_52 = arith.constant 5 : i32
    %dma_start3A_53 = arith.constant 500 : i32
    %dma_start3A_54 = arith.constant 0 : i32
    %dma_start3A_55 = tpu.memref_slice %arg6[%dma_start3A_53, %dma_start3A_54] : memref<1600x16xf32, #tpu.memory_space<vmem>> -> memref<100x16xf32, #tpu.memory_space<vmem>>
    %dma_start3A_56 = arith.constant 0 : i32
    %dma_start3A_57 = tpu.memref_slice %arg5[%dma_start3A_52, %dma_start3A_56] : memref<256x100xi32, #tpu.memory_space<vmem>> -> memref<1x100xi32, #tpu.memory_space<vmem>>
    %dma_start3A_58 = tpu.memref_squeeze %dma_start3A_57 : memref<1x100xi32, #tpu.memory_space<vmem>> -> memref<100xi32, #tpu.memory_space<vmem>>
    %dma_start3A_59 = arith.constant 0 : i32
    %dma_start3A_60 = arith.constant 0 : i32
    %dma_start3A_61 = tpu.memref_slice %arg2[%dma_start3A_59, %dma_start3A_60] : memref<100000x16xf32, #tpu.memory_space<hbm>> -> memref<100000x16xf32, #tpu.memory_space<hbm>>
    tpu.enqueue_indirect_dma source(%dma_start3A_61 : memref<100000x16xf32, #tpu.memory_space<hbm>>) target(%dma_start3A_55 : memref<100x16xf32, #tpu.memory_space<vmem>>) offsets(%dma_start3A_58 : memref<100xi32, #tpu.memory_space<vmem>>) semaphore(%arg8 : memref<!tpu.dma_semaphore, #tpu.memory_space<semaphore_mem>>)
    %dma_start3A_62 = arith.constant 6 : i32
    %dma_start3A_63 = arith.constant 600 : i32
    %dma_start3A_64 = arith.constant 0 : i32
    %dma_start3A_65 = tpu.memref_slice %arg6[%dma_start3A_63, %dma_start3A_64] : memref<1600x16xf32, #tpu.memory_space<vmem>> -> memref<100x16xf32, #tpu.memory_space<vmem>>
    %dma_start3A_66 = arith.constant 0 : i32
    %dma_start3A_67 = tpu.memref_slice %arg5[%dma_start3A_62, %dma_start3A_66] : memref<256x100xi32, #tpu.memory_space<vmem>> -> memref<1x100xi32, #tpu.memory_space<vmem>>
    %dma_start3A_68 = tpu.memref_squeeze %dma_start3A_67 : memref<1x100xi32, #tpu.memory_space<vmem>> -> memref<100xi32, #tpu.memory_space<vmem>>
    %dma_start3A_69 = arith.constant 0 : i32
    %dma_start3A_70 = arith.constant 0 : i32
    %dma_start3A_71 = tpu.memref_slice %arg2[%dma_start3A_69, %dma_start3A_70] : memref<100000x16xf32, #tpu.memory_space<hbm>> -> memref<100000x16xf32, #tpu.memory_space<hbm>>
    tpu.enqueue_indirect_dma source(%dma_start3A_71 : memref<100000x16xf32, #tpu.memory_space<hbm>>) target(%dma_start3A_65 : memref<100x16xf32, #tpu.memory_space<vmem>>) offsets(%dma_start3A_68 : memref<100xi32, #tpu.memory_space<vmem>>) semaphore(%arg8 : memref<!tpu.dma_semaphore, #tpu.memory_space<semaphore_mem>>)
    %dma_start3A_72 = arith.constant 7 : i32
    %dma_start3A_73 = arith.constant 700 : i32
    %dma_start3A_74 = arith.constant 0 : i32
    %dma_start3A_75 = tpu.memref_slice %arg6[%dma_start3A_73, %dma_start3A_74] : memref<1600x16xf32, #tpu.memory_space<vmem>> -> memref<100x16xf32, #tpu.memory_space<vmem>>
    %dma_start3A_76 = arith.constant 0 : i32
    %dma_start3A_77 = tpu.memref_slice %arg5[%dma_start3A_72, %dma_start3A_76] : memref<256x100xi32, #tpu.memory_space<vmem>> -> memref<1x100xi32, #tpu.memory_space<vmem>>
    %dma_start3A_78 = tpu.memref_squeeze %dma_start3A_77 : memref<1x100xi32, #tpu.memory_space<vmem>> -> memref<100xi32, #tpu.memory_space<vmem>>
    %dma_start3A_79 = arith.constant 0 : i32
    %dma_start3A_80 = arith.constant 0 : i32
    %dma_start3A_81 = tpu.memref_slice %arg2[%dma_start3A_79, %dma_start3A_80] : memref<100000x16xf32, #tpu.memory_space<hbm>> -> memref<100000x16xf32, #tpu.memory_space<hbm>>
    tpu.enqueue_indirect_dma source(%dma_start3A_81 : memref<100000x16xf32, #tpu.memory_space<hbm>>) target(%dma_start3A_75 : memref<100x16xf32, #tpu.memory_space<vmem>>) offsets(%dma_start3A_78 : memref<100xi32, #tpu.memory_space<vmem>>) semaphore(%arg8 : memref<!tpu.dma_semaphore, #tpu.memory_space<semaphore_mem>>)
    %dma_start3A_82 = arith.constant 8 : i32
    %dma_start3A_83 = arith.constant 800 : i32
    %dma_start3A_84 = arith.constant 0 : i32
    %dma_start3A_85 = tpu.memref_slice %arg6[%dma_start3A_83, %dma_start3A_84] : memref<1600x16xf32, #tpu.memory_space<vmem>> -> memref<100x16xf32, #tpu.memory_space<vmem>>
    %dma_start3A_86 = arith.constant 0 : i32
    %dma_start3A_87 = tpu.memref_slice %arg5[%dma_start3A_82, %dma_start3A_86] : memref<256x100xi32, #tpu.memory_space<vmem>> -> memref<1x100xi32, #tpu.memory_space<vmem>>
    %dma_start3A_88 = tpu.memref_squeeze %dma_start3A_87 : memref<1x100xi32, #tpu.memory_space<vmem>> -> memref<100xi32, #tpu.memory_space<vmem>>
    %dma_start3A_89 = arith.constant 0 : i32
    %dma_start3A_90 = arith.constant 0 : i32
    %dma_start3A_91 = tpu.memref_slice %arg2[%dma_start3A_89, %dma_start3A_90] : memref<100000x16xf32, #tpu.memory_space<hbm>> -> memref<100000x16xf32, #tpu.memory_space<hbm>>
    tpu.enqueue_indirect_dma source(%dma_start3A_91 : memref<100000x16xf32, #tpu.memory_space<hbm>>) target(%dma_start3A_85 : memref<100x16xf32, #tpu.memory_space<vmem>>) offsets(%dma_start3A_88 : memref<100xi32, #tpu.memory_space<vmem>>) semaphore(%arg8 : memref<!tpu.dma_semaphore, #tpu.memory_space<semaphore_mem>>)
    %dma_start3A_92 = arith.constant 9 : i32
    %dma_start3A_93 = arith.constant 900 : i32
    %dma_start3A_94 = arith.constant 0 : i32
    %dma_start3A_95 = tpu.memref_slice %arg6[%dma_start3A_93, %dma_start3A_94] : memref<1600x16xf32, #tpu.memory_space<vmem>> -> memref<100x16xf32, #tpu.memory_space<vmem>>
    %dma_start3A_96 = arith.constant 0 : i32
    %dma_start3A_97 = tpu.memref_slice %arg5[%dma_start3A_92, %dma_start3A_96] : memref<256x100xi32, #tpu.memory_space<vmem>> -> memref<1x100xi32, #tpu.memory_space<vmem>>
    %dma_start3A_98 = tpu.memref_squeeze %dma_start3A_97 : memref<1x100xi32, #tpu.memory_space<vmem>> -> memref<100xi32, #tpu.memory_space<vmem>>
    %dma_start3A_99 = arith.constant 0 : i32
    %dma_start3A_100 = arith.constant 0 : i32
    %dma_start3A_101 = tpu.memref_slice %arg2[%dma_start3A_99, %dma_start3A_100] : memref<100000x16xf32, #tpu.memory_space<hbm>> -> memref<100000x16xf32, #tpu.memory_space<hbm>>
    tpu.enqueue_indirect_dma source(%dma_start3A_101 : memref<100000x16xf32, #tpu.memory_space<hbm>>) target(%dma_start3A_95 : memref<100x16xf32, #tpu.memory_space<vmem>>) offsets(%dma_start3A_98 : memref<100xi32, #tpu.memory_space<vmem>>) semaphore(%arg8 : memref<!tpu.dma_semaphore, #tpu.memory_space<semaphore_mem>>)
    %dma_start3A_102 = arith.constant 10 : i32
    %dma_start3A_103 = arith.constant 1000 : i32
    %dma_start3A_104 = arith.constant 0 : i32
    %dma_start3A_105 = tpu.memref_slice %arg6[%dma_start3A_103, %dma_start3A_104] : memref<1600x16xf32, #tpu.memory_space<vmem>> -> memref<100x16xf32, #tpu.memory_space<vmem>>
    %dma_start3A_106 = arith.constant 0 : i32
    %dma_start3A_107 = tpu.memref_slice %arg5[%dma_start3A_102, %dma_start3A_106] : memref<256x100xi32, #tpu.memory_space<vmem>> -> memref<1x100xi32, #tpu.memory_space<vmem>>
    %dma_start3A_108 = tpu.memref_squeeze %dma_start3A_107 : memref<1x100xi32, #tpu.memory_space<vmem>> -> memref<100xi32, #tpu.memory_space<vmem>>
    %dma_start3A_109 = arith.constant 0 : i32
    %dma_start3A_110 = arith.constant 0 : i32
    %dma_start3A_111 = tpu.memref_slice %arg2[%dma_start3A_109, %dma_start3A_110] : memref<100000x16xf32, #tpu.memory_space<hbm>> -> memref<100000x16xf32, #tpu.memory_space<hbm>>
    tpu.enqueue_indirect_dma source(%dma_start3A_111 : memref<100000x16xf32, #tpu.memory_space<hbm>>) target(%dma_start3A_105 : memref<100x16xf32, #tpu.memory_space<vmem>>) offsets(%dma_start3A_108 : memref<100xi32, #tpu.memory_space<vmem>>) semaphore(%arg8 : memref<!tpu.dma_semaphore, #tpu.memory_space<semaphore_mem>>)
    %dma_start3A_112 = arith.constant 11 : i32
    %dma_start3A_113 = arith.constant 1100 : i32
    %dma_start3A_114 = arith.constant 0 : i32
    %dma_start3A_115 = tpu.memref_slice %arg6[%dma_start3A_113, %dma_start3A_114] : memref<1600x16xf32, #tpu.memory_space<vmem>> -> memref<100x16xf32, #tpu.memory_space<vmem>>
    %dma_start3A_116 = arith.constant 0 : i32
    %dma_start3A_117 = tpu.memref_slice %arg5[%dma_start3A_112, %dma_start3A_116] : memref<256x100xi32, #tpu.memory_space<vmem>> -> memref<1x100xi32, #tpu.memory_space<vmem>>
    %dma_start3A_118 = tpu.memref_squeeze %dma_start3A_117 : memref<1x100xi32, #tpu.memory_space<vmem>> -> memref<100xi32, #tpu.memory_space<vmem>>
    %dma_start3A_119 = arith.constant 0 : i32
    %dma_start3A_120 = arith.constant 0 : i32
    %dma_start3A_121 = tpu.memref_slice %arg2[%dma_start3A_119, %dma_start3A_120] : memref<100000x16xf32, #tpu.memory_space<hbm>> -> memref<100000x16xf32, #tpu.memory_space<hbm>>
    tpu.enqueue_indirect_dma source(%dma_start3A_121 : memref<100000x16xf32, #tpu.memory_space<hbm>>) target(%dma_start3A_115 : memref<100x16xf32, #tpu.memory_space<vmem>>) offsets(%dma_start3A_118 : memref<100xi32, #tpu.memory_space<vmem>>) semaphore(%arg8 : memref<!tpu.dma_semaphore, #tpu.memory_space<semaphore_mem>>)
    %dma_start3A_122 = arith.constant 12 : i32
    %dma_start3A_123 = arith.constant 1200 : i32
    %dma_start3A_124 = arith.constant 0 : i32
    %dma_start3A_125 = tpu.memref_slice %arg6[%dma_start3A_123, %dma_start3A_124] : memref<1600x16xf32, #tpu.memory_space<vmem>> -> memref<100x16xf32, #tpu.memory_space<vmem>>
    %dma_start3A_126 = arith.constant 0 : i32
    %dma_start3A_127 = tpu.memref_slice %arg5[%dma_start3A_122, %dma_start3A_126] : memref<256x100xi32, #tpu.memory_space<vmem>> -> memref<1x100xi32, #tpu.memory_space<vmem>>
    %dma_start3A_128 = tpu.memref_squeeze %dma_start3A_127 : memref<1x100xi32, #tpu.memory_space<vmem>> -> memref<100xi32, #tpu.memory_space<vmem>>
    %dma_start3A_129 = arith.constant 0 : i32
    %dma_start3A_130 = arith.constant 0 : i32
    %dma_start3A_131 = tpu.memref_slice %arg2[%dma_start3A_129, %dma_start3A_130] : memref<100000x16xf32, #tpu.memory_space<hbm>> -> memref<100000x16xf32, #tpu.memory_space<hbm>>
    tpu.enqueue_indirect_dma source(%dma_start3A_131 : memref<100000x16xf32, #tpu.memory_space<hbm>>) target(%dma_start3A_125 : memref<100x16xf32, #tpu.memory_space<vmem>>) offsets(%dma_start3A_128 : memref<100xi32, #tpu.memory_space<vmem>>) semaphore(%arg8 : memref<!tpu.dma_semaphore, #tpu.memory_space<semaphore_mem>>)
    %dma_start3A_132 = arith.constant 13 : i32
    %dma_start3A_133 = arith.constant 1300 : i32
    %dma_start3A_134 = arith.constant 0 : i32
    %dma_start3A_135 = tpu.memref_slice %arg6[%dma_start3A_133, %dma_start3A_134] : memref<1600x16xf32, #tpu.memory_space<vmem>> -> memref<100x16xf32, #tpu.memory_space<vmem>>
    %dma_start3A_136 = arith.constant 0 : i32
    %dma_start3A_137 = tpu.memref_slice %arg5[%dma_start3A_132, %dma_start3A_136] : memref<256x100xi32, #tpu.memory_space<vmem>> -> memref<1x100xi32, #tpu.memory_space<vmem>>
    %dma_start3A_138 = tpu.memref_squeeze %dma_start3A_137 : memref<1x100xi32, #tpu.memory_space<vmem>> -> memref<100xi32, #tpu.memory_space<vmem>>
    %dma_start3A_139 = arith.constant 0 : i32
    %dma_start3A_140 = arith.constant 0 : i32
    %dma_start3A_141 = tpu.memref_slice %arg2[%dma_start3A_139, %dma_start3A_140] : memref<100000x16xf32, #tpu.memory_space<hbm>> -> memref<100000x16xf32, #tpu.memory_space<hbm>>
    tpu.enqueue_indirect_dma source(%dma_start3A_141 : memref<100000x16xf32, #tpu.memory_space<hbm>>) target(%dma_start3A_135 : memref<100x16xf32, #tpu.memory_space<vmem>>) offsets(%dma_start3A_138 : memref<100xi32, #tpu.memory_space<vmem>>) semaphore(%arg8 : memref<!tpu.dma_semaphore, #tpu.memory_space<semaphore_mem>>)
    %dma_start3A_142 = arith.constant 14 : i32
    %dma_start3A_143 = arith.constant 1400 : i32
    %dma_start3A_144 = arith.constant 0 : i32
    %dma_start3A_145 = tpu.memref_slice %arg6[%dma_start3A_143, %dma_start3A_144] : memref<1600x16xf32, #tpu.memory_space<vmem>> -> memref<100x16xf32, #tpu.memory_space<vmem>>
    %dma_start3A_146 = arith.constant 0 : i32
    %dma_start3A_147 = tpu.memref_slice %arg5[%dma_start3A_142, %dma_start3A_146] : memref<256x100xi32, #tpu.memory_space<vmem>> -> memref<1x100xi32, #tpu.memory_space<vmem>>
    %dma_start3A_148 = tpu.memref_squeeze %dma_start3A_147 : memref<1x100xi32, #tpu.memory_space<vmem>> -> memref<100xi32, #tpu.memory_space<vmem>>
    %dma_start3A_149 = arith.constant 0 : i32
    %dma_start3A_150 = arith.constant 0 : i32
    %dma_start3A_151 = tpu.memref_slice %arg2[%dma_start3A_149, %dma_start3A_150] : memref<100000x16xf32, #tpu.memory_space<hbm>> -> memref<100000x16xf32, #tpu.memory_space<hbm>>
    tpu.enqueue_indirect_dma source(%dma_start3A_151 : memref<100000x16xf32, #tpu.memory_space<hbm>>) target(%dma_start3A_145 : memref<100x16xf32, #tpu.memory_space<vmem>>) offsets(%dma_start3A_148 : memref<100xi32, #tpu.memory_space<vmem>>) semaphore(%arg8 : memref<!tpu.dma_semaphore, #tpu.memory_space<semaphore_mem>>)
    %dma_start3A_152 = arith.constant 15 : i32
    %dma_start3A_153 = arith.constant 1500 : i32
    %dma_start3A_154 = arith.constant 0 : i32
    %dma_start3A_155 = tpu.memref_slice %arg6[%dma_start3A_153, %dma_start3A_154] : memref<1600x16xf32, #tpu.memory_space<vmem>> -> memref<100x16xf32, #tpu.memory_space<vmem>>
    %dma_start3A_156 = arith.constant 0 : i32
    %dma_start3A_157 = tpu.memref_slice %arg5[%dma_start3A_152, %dma_start3A_156] : memref<256x100xi32, #tpu.memory_space<vmem>> -> memref<1x100xi32, #tpu.memory_space<vmem>>
    %dma_start3A_158 = tpu.memref_squeeze %dma_start3A_157 : memref<1x100xi32, #tpu.memory_space<vmem>> -> memref<100xi32, #tpu.memory_space<vmem>>
    %dma_start3A_159 = arith.constant 0 : i32
    %dma_start3A_160 = arith.constant 0 : i32
    %dma_start3A_161 = tpu.memref_slice %arg2[%dma_start3A_159, %dma_start3A_160] : memref<100000x16xf32, #tpu.memory_space<hbm>> -> memref<100000x16xf32, #tpu.memory_space<hbm>>
    tpu.enqueue_indirect_dma source(%dma_start3A_161 : memref<100000x16xf32, #tpu.memory_space<hbm>>) target(%dma_start3A_155 : memref<100x16xf32, #tpu.memory_space<vmem>>) offsets(%dma_start3A_158 : memref<100xi32, #tpu.memory_space<vmem>>) semaphore(%arg8 : memref<!tpu.dma_semaphore, #tpu.memory_space<semaphore_mem>>)
    %scan3A = arith.constant 0 : i32
    %scan3A_162 = arith.constant 0 : i32
    %scan3A_163 = arith.constant 16 : i32
    %scan3A_164 = arith.addi %scan3A_162, %scan3A_163 : i32
    %scan3A_165 = arith.constant 1 : i32
    scf.for %scan3A_167 = %scan3A_162 to %scan3A_164 step %scan3A_165  : i32 {
      %jit3A = arith.constant 2 : i32
      %eq3A = arith.constant 0 : i32
      %eq3A_168 = arith.cmpi eq, %jit3A, %eq3A : i32
      %jit3A_169 = arith.constant 1 : i32
      %select_n3A = arith.select %eq3A_168, %jit3A_169, %jit3A : i32
      %rem3A = arith.remsi %scan3A_167, %select_n3A : i32
      %ne3A = arith.constant 0 : i32
      %ne3A_170 = arith.cmpi ne, %rem3A, %ne3A : i32
      %lt3A = arith.constant 0 : i32
      %lt3A_171 = arith.cmpi slt, %rem3A, %lt3A : i32
      %lt3A_172 = arith.constant 0 : i32
      %lt3A_173 = arith.cmpi slt, %select_n3A, %lt3A_172 : i32
      %ne3A_174 = arith.xori %lt3A_171, %lt3A_173 : i1
      %and3A = arith.andi %ne3A_174, %ne3A_170 : i1
      %add3A_175 = arith.addi %rem3A, %select_n3A : i32
      %select_n3A_176 = arith.select %and3A, %add3A_175, %rem3A : i32
      %eq3A_177 = arith.constant 0 : i32
      %eq3A_178 = arith.cmpi eq, %select_n3A_176, %eq3A_177 : i32
      %convert_element_type3A = arith.extui %eq3A_178 : i1 to i32
      %cond3A = arith.constant 0 : i32
      %cond3A_179 = arith.cmpi ne, %convert_element_type3A, %cond3A : i32
      scf.if %cond3A_179 {
        %add3A_201 = arith.constant 1 : i32
        %add3A_202 = arith.addi %scan3A_167, %add3A_201 : i32
        %lt3A_203 = arith.constant 16 : i32
        %lt3A_204 = arith.cmpi slt, %add3A_202, %lt3A_203 : i32
        %convert_element_type3A_205 = arith.extui %lt3A_204 : i1 to i32
        %cond3A_206 = arith.constant 0 : i32
        %cond3A_207 = arith.cmpi ne, %convert_element_type3A_205, %cond3A_206 : i32
        scf.if %cond3A_207 {
          %add3A_420 = arith.constant 1 : i32
          %add3A_421 = arith.addi %scan3A_167, %add3A_420 : i32
          %mul3A_422 = arith.constant 16 : i32
          %mul3A_423 = arith.muli %add3A_421, %mul3A_422 : i32
          %add3A_424 = arith.constant 0 : i32
          %add3A_425 = arith.addi %mul3A_423, %add3A_424 : i32
          %dma_start3A_426 = arith.constant 0 : i32
          %dma_start3A_427 = arith.constant 0 : i32
          %dma_start3A_428 = tpu.memref_slice %arg7[%dma_start3A_426, %dma_start3A_427] : memref<1600x16xf32, #tpu.memory_space<vmem>> -> memref<100x16xf32, #tpu.memory_space<vmem>>
          %dma_start3A_429 = arith.constant 0 : i32
          %dma_start3A_430 = tpu.memref_slice %arg5[%add3A_425, %dma_start3A_429] : memref<256x100xi32, #tpu.memory_space<vmem>> -> memref<1x100xi32, #tpu.memory_space<vmem>>
          %dma_start3A_431 = tpu.memref_squeeze %dma_start3A_430 : memref<1x100xi32, #tpu.memory_space<vmem>> -> memref<100xi32, #tpu.memory_space<vmem>>
          %dma_start3A_432 = arith.constant 0 : i32
          %dma_start3A_433 = arith.constant 0 : i32
          %dma_start3A_434 = tpu.memref_slice %arg2[%dma_start3A_432, %dma_start3A_433] : memref<100000x16xf32, #tpu.memory_space<hbm>> -> memref<100000x16xf32, #tpu.memory_space<hbm>>
          tpu.enqueue_indirect_dma source(%dma_start3A_434 : memref<100000x16xf32, #tpu.memory_space<hbm>>) target(%dma_start3A_428 : memref<100x16xf32, #tpu.memory_space<vmem>>) offsets(%dma_start3A_431 : memref<100xi32, #tpu.memory_space<vmem>>) semaphore(%arg9 : memref<!tpu.dma_semaphore, #tpu.memory_space<semaphore_mem>>)
          %mul3A_435 = arith.constant 16 : i32
          %mul3A_436 = arith.muli %add3A_421, %mul3A_435 : i32
          %add3A_437 = arith.constant 1 : i32
          %add3A_438 = arith.addi %mul3A_436, %add3A_437 : i32
          %dma_start3A_439 = arith.constant 100 : i32
          %dma_start3A_440 = arith.constant 0 : i32
          %dma_start3A_441 = tpu.memref_slice %arg7[%dma_start3A_439, %dma_start3A_440] : memref<1600x16xf32, #tpu.memory_space<vmem>> -> memref<100x16xf32, #tpu.memory_space<vmem>>
          %dma_start3A_442 = arith.constant 0 : i32
          %dma_start3A_443 = tpu.memref_slice %arg5[%add3A_438, %dma_start3A_442] : memref<256x100xi32, #tpu.memory_space<vmem>> -> memref<1x100xi32, #tpu.memory_space<vmem>>
          %dma_start3A_444 = tpu.memref_squeeze %dma_start3A_443 : memref<1x100xi32, #tpu.memory_space<vmem>> -> memref<100xi32, #tpu.memory_space<vmem>>
          %dma_start3A_445 = arith.constant 0 : i32
          %dma_start3A_446 = arith.constant 0 : i32
          %dma_start3A_447 = tpu.memref_slice %arg2[%dma_start3A_445, %dma_start3A_446] : memref<100000x16xf32, #tpu.memory_space<hbm>> -> memref<100000x16xf32, #tpu.memory_space<hbm>>
          tpu.enqueue_indirect_dma source(%dma_start3A_447 : memref<100000x16xf32, #tpu.memory_space<hbm>>) target(%dma_start3A_441 : memref<100x16xf32, #tpu.memory_space<vmem>>) offsets(%dma_start3A_444 : memref<100xi32, #tpu.memory_space<vmem>>) semaphore(%arg9 : memref<!tpu.dma_semaphore, #tpu.memory_space<semaphore_mem>>)
          %mul3A_448 = arith.constant 16 : i32
          %mul3A_449 = arith.muli %add3A_421, %mul3A_448 : i32
          %add3A_450 = arith.constant 2 : i32
          %add3A_451 = arith.addi %mul3A_449, %add3A_450 : i32
          %dma_start3A_452 = arith.constant 200 : i32
          %dma_start3A_453 = arith.constant 0 : i32
          %dma_start3A_454 = tpu.memref_slice %arg7[%dma_start3A_452, %dma_start3A_453] : memref<1600x16xf32, #tpu.memory_space<vmem>> -> memref<100x16xf32, #tpu.memory_space<vmem>>
          %dma_start3A_455 = arith.constant 0 : i32
          %dma_start3A_456 = tpu.memref_slice %arg5[%add3A_451, %dma_start3A_455] : memref<256x100xi32, #tpu.memory_space<vmem>> -> memref<1x100xi32, #tpu.memory_space<vmem>>
          %dma_start3A_457 = tpu.memref_squeeze %dma_start3A_456 : memref<1x100xi32, #tpu.memory_space<vmem>> -> memref<100xi32, #tpu.memory_space<vmem>>
          %dma_start3A_458 = arith.constant 0 : i32
          %dma_start3A_459 = arith.constant 0 : i32
          %dma_start3A_460 = tpu.memref_slice %arg2[%dma_start3A_458, %dma_start3A_459] : memref<100000x16xf32, #tpu.memory_space<hbm>> -> memref<100000x16xf32, #tpu.memory_space<hbm>>
          tpu.enqueue_indirect_dma source(%dma_start3A_460 : memref<100000x16xf32, #tpu.memory_space<hbm>>) target(%dma_start3A_454 : memref<100x16xf32, #tpu.memory_space<vmem>>) offsets(%dma_start3A_457 : memref<100xi32, #tpu.memory_space<vmem>>) semaphore(%arg9 : memref<!tpu.dma_semaphore, #tpu.memory_space<semaphore_mem>>)
          %mul3A_461 = arith.constant 16 : i32
          %mul3A_462 = arith.muli %add3A_421, %mul3A_461 : i32
          %add3A_463 = arith.constant 3 : i32
          %add3A_464 = arith.addi %mul3A_462, %add3A_463 : i32
          %dma_start3A_465 = arith.constant 300 : i32
          %dma_start3A_466 = arith.constant 0 : i32
          %dma_start3A_467 = tpu.memref_slice %arg7[%dma_start3A_465, %dma_start3A_466] : memref<1600x16xf32, #tpu.memory_space<vmem>> -> memref<100x16xf32, #tpu.memory_space<vmem>>
          %dma_start3A_468 = arith.constant 0 : i32
          %dma_start3A_469 = tpu.memref_slice %arg5[%add3A_464, %dma_start3A_468] : memref<256x100xi32, #tpu.memory_space<vmem>> -> memref<1x100xi32, #tpu.memory_space<vmem>>
          %dma_start3A_470 = tpu.memref_squeeze %dma_start3A_469 : memref<1x100xi32, #tpu.memory_space<vmem>> -> memref<100xi32, #tpu.memory_space<vmem>>
          %dma_start3A_471 = arith.constant 0 : i32
          %dma_start3A_472 = arith.constant 0 : i32
          %dma_start3A_473 = tpu.memref_slice %arg2[%dma_start3A_471, %dma_start3A_472] : memref<100000x16xf32, #tpu.memory_space<hbm>> -> memref<100000x16xf32, #tpu.memory_space<hbm>>
          tpu.enqueue_indirect_dma source(%dma_start3A_473 : memref<100000x16xf32, #tpu.memory_space<hbm>>) target(%dma_start3A_467 : memref<100x16xf32, #tpu.memory_space<vmem>>) offsets(%dma_start3A_470 : memref<100xi32, #tpu.memory_space<vmem>>) semaphore(%arg9 : memref<!tpu.dma_semaphore, #tpu.memory_space<semaphore_mem>>)
          %mul3A_474 = arith.constant 16 : i32
          %mul3A_475 = arith.muli %add3A_421, %mul3A_474 : i32
          %add3A_476 = arith.constant 4 : i32
          %add3A_477 = arith.addi %mul3A_475, %add3A_476 : i32
          %dma_start3A_478 = arith.constant 400 : i32
          %dma_start3A_479 = arith.constant 0 : i32
          %dma_start3A_480 = tpu.memref_slice %arg7[%dma_start3A_478, %dma_start3A_479] : memref<1600x16xf32, #tpu.memory_space<vmem>> -> memref<100x16xf32, #tpu.memory_space<vmem>>
          %dma_start3A_481 = arith.constant 0 : i32
          %dma_start3A_482 = tpu.memref_slice %arg5[%add3A_477, %dma_start3A_481] : memref<256x100xi32, #tpu.memory_space<vmem>> -> memref<1x100xi32, #tpu.memory_space<vmem>>
          %dma_start3A_483 = tpu.memref_squeeze %dma_start3A_482 : memref<1x100xi32, #tpu.memory_space<vmem>> -> memref<100xi32, #tpu.memory_space<vmem>>
          %dma_start3A_484 = arith.constant 0 : i32
          %dma_start3A_485 = arith.constant 0 : i32
          %dma_start3A_486 = tpu.memref_slice %arg2[%dma_start3A_484, %dma_start3A_485] : memref<100000x16xf32, #tpu.memory_space<hbm>> -> memref<100000x16xf32, #tpu.memory_space<hbm>>
          tpu.enqueue_indirect_dma source(%dma_start3A_486 : memref<100000x16xf32, #tpu.memory_space<hbm>>) target(%dma_start3A_480 : memref<100x16xf32, #tpu.memory_space<vmem>>) offsets(%dma_start3A_483 : memref<100xi32, #tpu.memory_space<vmem>>) semaphore(%arg9 : memref<!tpu.dma_semaphore, #tpu.memory_space<semaphore_mem>>)
          %mul3A_487 = arith.constant 16 : i32
          %mul3A_488 = arith.muli %add3A_421, %mul3A_487 : i32
          %add3A_489 = arith.constant 5 : i32
          %add3A_490 = arith.addi %mul3A_488, %add3A_489 : i32
          %dma_start3A_491 = arith.constant 500 : i32
          %dma_start3A_492 = arith.constant 0 : i32
          %dma_start3A_493 = tpu.memref_slice %arg7[%dma_start3A_491, %dma_start3A_492] : memref<1600x16xf32, #tpu.memory_space<vmem>> -> memref<100x16xf32, #tpu.memory_space<vmem>>
          %dma_start3A_494 = arith.constant 0 : i32
          %dma_start3A_495 = tpu.memref_slice %arg5[%add3A_490, %dma_start3A_494] : memref<256x100xi32, #tpu.memory_space<vmem>> -> memref<1x100xi32, #tpu.memory_space<vmem>>
          %dma_start3A_496 = tpu.memref_squeeze %dma_start3A_495 : memref<1x100xi32, #tpu.memory_space<vmem>> -> memref<100xi32, #tpu.memory_space<vmem>>
          %dma_start3A_497 = arith.constant 0 : i32
          %dma_start3A_498 = arith.constant 0 : i32
          %dma_start3A_499 = tpu.memref_slice %arg2[%dma_start3A_497, %dma_start3A_498] : memref<100000x16xf32, #tpu.memory_space<hbm>> -> memref<100000x16xf32, #tpu.memory_space<hbm>>
          tpu.enqueue_indirect_dma source(%dma_start3A_499 : memref<100000x16xf32, #tpu.memory_space<hbm>>) target(%dma_start3A_493 : memref<100x16xf32, #tpu.memory_space<vmem>>) offsets(%dma_start3A_496 : memref<100xi32, #tpu.memory_space<vmem>>) semaphore(%arg9 : memref<!tpu.dma_semaphore, #tpu.memory_space<semaphore_mem>>)
          %mul3A_500 = arith.constant 16 : i32
          %mul3A_501 = arith.muli %add3A_421, %mul3A_500 : i32
          %add3A_502 = arith.constant 6 : i32
          %add3A_503 = arith.addi %mul3A_501, %add3A_502 : i32
          %dma_start3A_504 = arith.constant 600 : i32
          %dma_start3A_505 = arith.constant 0 : i32
          %dma_start3A_506 = tpu.memref_slice %arg7[%dma_start3A_504, %dma_start3A_505] : memref<1600x16xf32, #tpu.memory_space<vmem>> -> memref<100x16xf32, #tpu.memory_space<vmem>>
          %dma_start3A_507 = arith.constant 0 : i32
          %dma_start3A_508 = tpu.memref_slice %arg5[%add3A_503, %dma_start3A_507] : memref<256x100xi32, #tpu.memory_space<vmem>> -> memref<1x100xi32, #tpu.memory_space<vmem>>
          %dma_start3A_509 = tpu.memref_squeeze %dma_start3A_508 : memref<1x100xi32, #tpu.memory_space<vmem>> -> memref<100xi32, #tpu.memory_space<vmem>>
          %dma_start3A_510 = arith.constant 0 : i32
          %dma_start3A_511 = arith.constant 0 : i32
          %dma_start3A_512 = tpu.memref_slice %arg2[%dma_start3A_510, %dma_start3A_511] : memref<100000x16xf32, #tpu.memory_space<hbm>> -> memref<100000x16xf32, #tpu.memory_space<hbm>>
          tpu.enqueue_indirect_dma source(%dma_start3A_512 : memref<100000x16xf32, #tpu.memory_space<hbm>>) target(%dma_start3A_506 : memref<100x16xf32, #tpu.memory_space<vmem>>) offsets(%dma_start3A_509 : memref<100xi32, #tpu.memory_space<vmem>>) semaphore(%arg9 : memref<!tpu.dma_semaphore, #tpu.memory_space<semaphore_mem>>)
          %mul3A_513 = arith.constant 16 : i32
          %mul3A_514 = arith.muli %add3A_421, %mul3A_513 : i32
          %add3A_515 = arith.constant 7 : i32
          %add3A_516 = arith.addi %mul3A_514, %add3A_515 : i32
          %dma_start3A_517 = arith.constant 700 : i32
          %dma_start3A_518 = arith.constant 0 : i32
          %dma_start3A_519 = tpu.memref_slice %arg7[%dma_start3A_517, %dma_start3A_518] : memref<1600x16xf32, #tpu.memory_space<vmem>> -> memref<100x16xf32, #tpu.memory_space<vmem>>
          %dma_start3A_520 = arith.constant 0 : i32
          %dma_start3A_521 = tpu.memref_slice %arg5[%add3A_516, %dma_start3A_520] : memref<256x100xi32, #tpu.memory_space<vmem>> -> memref<1x100xi32, #tpu.memory_space<vmem>>
          %dma_start3A_522 = tpu.memref_squeeze %dma_start3A_521 : memref<1x100xi32, #tpu.memory_space<vmem>> -> memref<100xi32, #tpu.memory_space<vmem>>
          %dma_start3A_523 = arith.constant 0 : i32
          %dma_start3A_524 = arith.constant 0 : i32
          %dma_start3A_525 = tpu.memref_slice %arg2[%dma_start3A_523, %dma_start3A_524] : memref<100000x16xf32, #tpu.memory_space<hbm>> -> memref<100000x16xf32, #tpu.memory_space<hbm>>
          tpu.enqueue_indirect_dma source(%dma_start3A_525 : memref<100000x16xf32, #tpu.memory_space<hbm>>) target(%dma_start3A_519 : memref<100x16xf32, #tpu.memory_space<vmem>>) offsets(%dma_start3A_522 : memref<100xi32, #tpu.memory_space<vmem>>) semaphore(%arg9 : memref<!tpu.dma_semaphore, #tpu.memory_space<semaphore_mem>>)
          %mul3A_526 = arith.constant 16 : i32
          %mul3A_527 = arith.muli %add3A_421, %mul3A_526 : i32
          %add3A_528 = arith.constant 8 : i32
          %add3A_529 = arith.addi %mul3A_527, %add3A_528 : i32
          %dma_start3A_530 = arith.constant 800 : i32
          %dma_start3A_531 = arith.constant 0 : i32
          %dma_start3A_532 = tpu.memref_slice %arg7[%dma_start3A_530, %dma_start3A_531] : memref<1600x16xf32, #tpu.memory_space<vmem>> -> memref<100x16xf32, #tpu.memory_space<vmem>>
          %dma_start3A_533 = arith.constant 0 : i32
          %dma_start3A_534 = tpu.memref_slice %arg5[%add3A_529, %dma_start3A_533] : memref<256x100xi32, #tpu.memory_space<vmem>> -> memref<1x100xi32, #tpu.memory_space<vmem>>
          %dma_start3A_535 = tpu.memref_squeeze %dma_start3A_534 : memref<1x100xi32, #tpu.memory_space<vmem>> -> memref<100xi32, #tpu.memory_space<vmem>>
          %dma_start3A_536 = arith.constant 0 : i32
          %dma_start3A_537 = arith.constant 0 : i32
          %dma_start3A_538 = tpu.memref_slice %arg2[%dma_start3A_536, %dma_start3A_537] : memref<100000x16xf32, #tpu.memory_space<hbm>> -> memref<100000x16xf32, #tpu.memory_space<hbm>>
          tpu.enqueue_indirect_dma source(%dma_start3A_538 : memref<100000x16xf32, #tpu.memory_space<hbm>>) target(%dma_start3A_532 : memref<100x16xf32, #tpu.memory_space<vmem>>) offsets(%dma_start3A_535 : memref<100xi32, #tpu.memory_space<vmem>>) semaphore(%arg9 : memref<!tpu.dma_semaphore, #tpu.memory_space<semaphore_mem>>)
          %mul3A_539 = arith.constant 16 : i32
          %mul3A_540 = arith.muli %add3A_421, %mul3A_539 : i32
          %add3A_541 = arith.constant 9 : i32
          %add3A_542 = arith.addi %mul3A_540, %add3A_541 : i32
          %dma_start3A_543 = arith.constant 900 : i32
          %dma_start3A_544 = arith.constant 0 : i32
          %dma_start3A_545 = tpu.memref_slice %arg7[%dma_start3A_543, %dma_start3A_544] : memref<1600x16xf32, #tpu.memory_space<vmem>> -> memref<100x16xf32, #tpu.memory_space<vmem>>
          %dma_start3A_546 = arith.constant 0 : i32
          %dma_start3A_547 = tpu.memref_slice %arg5[%add3A_542, %dma_start3A_546] : memref<256x100xi32, #tpu.memory_space<vmem>> -> memref<1x100xi32, #tpu.memory_space<vmem>>
          %dma_start3A_548 = tpu.memref_squeeze %dma_start3A_547 : memref<1x100xi32, #tpu.memory_space<vmem>> -> memref<100xi32, #tpu.memory_space<vmem>>
          %dma_start3A_549 = arith.constant 0 : i32
          %dma_start3A_550 = arith.constant 0 : i32
          %dma_start3A_551 = tpu.memref_slice %arg2[%dma_start3A_549, %dma_start3A_550] : memref<100000x16xf32, #tpu.memory_space<hbm>> -> memref<100000x16xf32, #tpu.memory_space<hbm>>
          tpu.enqueue_indirect_dma source(%dma_start3A_551 : memref<100000x16xf32, #tpu.memory_space<hbm>>) target(%dma_start3A_545 : memref<100x16xf32, #tpu.memory_space<vmem>>) offsets(%dma_start3A_548 : memref<100xi32, #tpu.memory_space<vmem>>) semaphore(%arg9 : memref<!tpu.dma_semaphore, #tpu.memory_space<semaphore_mem>>)
          %mul3A_552 = arith.constant 16 : i32
          %mul3A_553 = arith.muli %add3A_421, %mul3A_552 : i32
          %add3A_554 = arith.constant 10 : i32
          %add3A_555 = arith.addi %mul3A_553, %add3A_554 : i32
          %dma_start3A_556 = arith.constant 1000 : i32
          %dma_start3A_557 = arith.constant 0 : i32
          %dma_start3A_558 = tpu.memref_slice %arg7[%dma_start3A_556, %dma_start3A_557] : memref<1600x16xf32, #tpu.memory_space<vmem>> -> memref<100x16xf32, #tpu.memory_space<vmem>>
          %dma_start3A_559 = arith.constant 0 : i32
          %dma_start3A_560 = tpu.memref_slice %arg5[%add3A_555, %dma_start3A_559] : memref<256x100xi32, #tpu.memory_space<vmem>> -> memref<1x100xi32, #tpu.memory_space<vmem>>
          %dma_start3A_561 = tpu.memref_squeeze %dma_start3A_560 : memref<1x100xi32, #tpu.memory_space<vmem>> -> memref<100xi32, #tpu.memory_space<vmem>>
          %dma_start3A_562 = arith.constant 0 : i32
          %dma_start3A_563 = arith.constant 0 : i32
          %dma_start3A_564 = tpu.memref_slice %arg2[%dma_start3A_562, %dma_start3A_563] : memref<100000x16xf32, #tpu.memory_space<hbm>> -> memref<100000x16xf32, #tpu.memory_space<hbm>>
          tpu.enqueue_indirect_dma source(%dma_start3A_564 : memref<100000x16xf32, #tpu.memory_space<hbm>>) target(%dma_start3A_558 : memref<100x16xf32, #tpu.memory_space<vmem>>) offsets(%dma_start3A_561 : memref<100xi32, #tpu.memory_space<vmem>>) semaphore(%arg9 : memref<!tpu.dma_semaphore, #tpu.memory_space<semaphore_mem>>)
          %mul3A_565 = arith.constant 16 : i32
          %mul3A_566 = arith.muli %add3A_421, %mul3A_565 : i32
          %add3A_567 = arith.constant 11 : i32
          %add3A_568 = arith.addi %mul3A_566, %add3A_567 : i32
          %dma_start3A_569 = arith.constant 1100 : i32
          %dma_start3A_570 = arith.constant 0 : i32
          %dma_start3A_571 = tpu.memref_slice %arg7[%dma_start3A_569, %dma_start3A_570] : memref<1600x16xf32, #tpu.memory_space<vmem>> -> memref<100x16xf32, #tpu.memory_space<vmem>>
          %dma_start3A_572 = arith.constant 0 : i32
          %dma_start3A_573 = tpu.memref_slice %arg5[%add3A_568, %dma_start3A_572] : memref<256x100xi32, #tpu.memory_space<vmem>> -> memref<1x100xi32, #tpu.memory_space<vmem>>
          %dma_start3A_574 = tpu.memref_squeeze %dma_start3A_573 : memref<1x100xi32, #tpu.memory_space<vmem>> -> memref<100xi32, #tpu.memory_space<vmem>>
          %dma_start3A_575 = arith.constant 0 : i32
          %dma_start3A_576 = arith.constant 0 : i32
          %dma_start3A_577 = tpu.memref_slice %arg2[%dma_start3A_575, %dma_start3A_576] : memref<100000x16xf32, #tpu.memory_space<hbm>> -> memref<100000x16xf32, #tpu.memory_space<hbm>>
          tpu.enqueue_indirect_dma source(%dma_start3A_577 : memref<100000x16xf32, #tpu.memory_space<hbm>>) target(%dma_start3A_571 : memref<100x16xf32, #tpu.memory_space<vmem>>) offsets(%dma_start3A_574 : memref<100xi32, #tpu.memory_space<vmem>>) semaphore(%arg9 : memref<!tpu.dma_semaphore, #tpu.memory_space<semaphore_mem>>)
          %mul3A_578 = arith.constant 16 : i32
          %mul3A_579 = arith.muli %add3A_421, %mul3A_578 : i32
          %add3A_580 = arith.constant 12 : i32
          %add3A_581 = arith.addi %mul3A_579, %add3A_580 : i32
          %dma_start3A_582 = arith.constant 1200 : i32
          %dma_start3A_583 = arith.constant 0 : i32
          %dma_start3A_584 = tpu.memref_slice %arg7[%dma_start3A_582, %dma_start3A_583] : memref<1600x16xf32, #tpu.memory_space<vmem>> -> memref<100x16xf32, #tpu.memory_space<vmem>>
          %dma_start3A_585 = arith.constant 0 : i32
          %dma_start3A_586 = tpu.memref_slice %arg5[%add3A_581, %dma_start3A_585] : memref<256x100xi32, #tpu.memory_space<vmem>> -> memref<1x100xi32, #tpu.memory_space<vmem>>
          %dma_start3A_587 = tpu.memref_squeeze %dma_start3A_586 : memref<1x100xi32, #tpu.memory_space<vmem>> -> memref<100xi32, #tpu.memory_space<vmem>>
          %dma_start3A_588 = arith.constant 0 : i32
          %dma_start3A_589 = arith.constant 0 : i32
          %dma_start3A_590 = tpu.memref_slice %arg2[%dma_start3A_588, %dma_start3A_589] : memref<100000x16xf32, #tpu.memory_space<hbm>> -> memref<100000x16xf32, #tpu.memory_space<hbm>>
          tpu.enqueue_indirect_dma source(%dma_start3A_590 : memref<100000x16xf32, #tpu.memory_space<hbm>>) target(%dma_start3A_584 : memref<100x16xf32, #tpu.memory_space<vmem>>) offsets(%dma_start3A_587 : memref<100xi32, #tpu.memory_space<vmem>>) semaphore(%arg9 : memref<!tpu.dma_semaphore, #tpu.memory_space<semaphore_mem>>)
          %mul3A_591 = arith.constant 16 : i32
          %mul3A_592 = arith.muli %add3A_421, %mul3A_591 : i32
          %add3A_593 = arith.constant 13 : i32
          %add3A_594 = arith.addi %mul3A_592, %add3A_593 : i32
          %dma_start3A_595 = arith.constant 1300 : i32
          %dma_start3A_596 = arith.constant 0 : i32
          %dma_start3A_597 = tpu.memref_slice %arg7[%dma_start3A_595, %dma_start3A_596] : memref<1600x16xf32, #tpu.memory_space<vmem>> -> memref<100x16xf32, #tpu.memory_space<vmem>>
          %dma_start3A_598 = arith.constant 0 : i32
          %dma_start3A_599 = tpu.memref_slice %arg5[%add3A_594, %dma_start3A_598] : memref<256x100xi32, #tpu.memory_space<vmem>> -> memref<1x100xi32, #tpu.memory_space<vmem>>
          %dma_start3A_600 = tpu.memref_squeeze %dma_start3A_599 : memref<1x100xi32, #tpu.memory_space<vmem>> -> memref<100xi32, #tpu.memory_space<vmem>>
          %dma_start3A_601 = arith.constant 0 : i32
          %dma_start3A_602 = arith.constant 0 : i32
          %dma_start3A_603 = tpu.memref_slice %arg2[%dma_start3A_601, %dma_start3A_602] : memref<100000x16xf32, #tpu.memory_space<hbm>> -> memref<100000x16xf32, #tpu.memory_space<hbm>>
          tpu.enqueue_indirect_dma source(%dma_start3A_603 : memref<100000x16xf32, #tpu.memory_space<hbm>>) target(%dma_start3A_597 : memref<100x16xf32, #tpu.memory_space<vmem>>) offsets(%dma_start3A_600 : memref<100xi32, #tpu.memory_space<vmem>>) semaphore(%arg9 : memref<!tpu.dma_semaphore, #tpu.memory_space<semaphore_mem>>)
          %mul3A_604 = arith.constant 16 : i32
          %mul3A_605 = arith.muli %add3A_421, %mul3A_604 : i32
          %add3A_606 = arith.constant 14 : i32
          %add3A_607 = arith.addi %mul3A_605, %add3A_606 : i32
          %dma_start3A_608 = arith.constant 1400 : i32
          %dma_start3A_609 = arith.constant 0 : i32
          %dma_start3A_610 = tpu.memref_slice %arg7[%dma_start3A_608, %dma_start3A_609] : memref<1600x16xf32, #tpu.memory_space<vmem>> -> memref<100x16xf32, #tpu.memory_space<vmem>>
          %dma_start3A_611 = arith.constant 0 : i32
          %dma_start3A_612 = tpu.memref_slice %arg5[%add3A_607, %dma_start3A_611] : memref<256x100xi32, #tpu.memory_space<vmem>> -> memref<1x100xi32, #tpu.memory_space<vmem>>
          %dma_start3A_613 = tpu.memref_squeeze %dma_start3A_612 : memref<1x100xi32, #tpu.memory_space<vmem>> -> memref<100xi32, #tpu.memory_space<vmem>>
          %dma_start3A_614 = arith.constant 0 : i32
          %dma_start3A_615 = arith.constant 0 : i32
          %dma_start3A_616 = tpu.memref_slice %arg2[%dma_start3A_614, %dma_start3A_615] : memref<100000x16xf32, #tpu.memory_space<hbm>> -> memref<100000x16xf32, #tpu.memory_space<hbm>>
          tpu.enqueue_indirect_dma source(%dma_start3A_616 : memref<100000x16xf32, #tpu.memory_space<hbm>>) target(%dma_start3A_610 : memref<100x16xf32, #tpu.memory_space<vmem>>) offsets(%dma_start3A_613 : memref<100xi32, #tpu.memory_space<vmem>>) semaphore(%arg9 : memref<!tpu.dma_semaphore, #tpu.memory_space<semaphore_mem>>)
          %mul3A_617 = arith.constant 16 : i32
          %mul3A_618 = arith.muli %add3A_421, %mul3A_617 : i32
          %add3A_619 = arith.constant 15 : i32
          %add3A_620 = arith.addi %mul3A_618, %add3A_619 : i32
          %dma_start3A_621 = arith.constant 1500 : i32
          %dma_start3A_622 = arith.constant 0 : i32
          %dma_start3A_623 = tpu.memref_slice %arg7[%dma_start3A_621, %dma_start3A_622] : memref<1600x16xf32, #tpu.memory_space<vmem>> -> memref<100x16xf32, #tpu.memory_space<vmem>>
          %dma_start3A_624 = arith.constant 0 : i32
          %dma_start3A_625 = tpu.memref_slice %arg5[%add3A_620, %dma_start3A_624] : memref<256x100xi32, #tpu.memory_space<vmem>> -> memref<1x100xi32, #tpu.memory_space<vmem>>
          %dma_start3A_626 = tpu.memref_squeeze %dma_start3A_625 : memref<1x100xi32, #tpu.memory_space<vmem>> -> memref<100xi32, #tpu.memory_space<vmem>>
          %dma_start3A_627 = arith.constant 0 : i32
          %dma_start3A_628 = arith.constant 0 : i32
          %dma_start3A_629 = tpu.memref_slice %arg2[%dma_start3A_627, %dma_start3A_628] : memref<100000x16xf32, #tpu.memory_space<hbm>> -> memref<100000x16xf32, #tpu.memory_space<hbm>>
          tpu.enqueue_indirect_dma source(%dma_start3A_629 : memref<100000x16xf32, #tpu.memory_space<hbm>>) target(%dma_start3A_623 : memref<100x16xf32, #tpu.memory_space<vmem>>) offsets(%dma_start3A_626 : memref<100xi32, #tpu.memory_space<vmem>>) semaphore(%arg9 : memref<!tpu.dma_semaphore, #tpu.memory_space<semaphore_mem>>)
        } else {
        }
        %mul3A_208 = arith.constant 16 : i32
        %mul3A_209 = arith.muli %scan3A_167, %mul3A_208 : i32
        %add3A_210 = arith.constant 0 : i32
        %add3A_211 = arith.addi %mul3A_209, %add3A_210 : i32
        %dma_wait3A = arith.constant 0 : i32
        %dma_wait3A_212 = arith.constant 0 : i32
        %dma_wait3A_213 = tpu.memref_slice %arg6[%dma_wait3A, %dma_wait3A_212] : memref<1600x16xf32, #tpu.memory_space<vmem>> -> memref<100x16xf32, #tpu.memory_space<vmem>>
        %dma_wait3A_214 = arith.constant 0 : i32
        %dma_wait3A_215 = tpu.memref_slice %arg5[%add3A_211, %dma_wait3A_214] : memref<256x100xi32, #tpu.memory_space<vmem>> -> memref<1x100xi32, #tpu.memory_space<vmem>>
        %dma_wait3A_216 = tpu.memref_squeeze %dma_wait3A_215 : memref<1x100xi32, #tpu.memory_space<vmem>> -> memref<100xi32, #tpu.memory_space<vmem>>
        %dma_wait3A_217 = arith.constant 0 : i32
        %dma_wait3A_218 = arith.constant 0 : i32
        %dma_wait3A_219 = tpu.memref_slice %arg2[%dma_wait3A_217, %dma_wait3A_218] : memref<100000x16xf32, #tpu.memory_space<hbm>> -> memref<100000x16xf32, #tpu.memory_space<hbm>>
        tpu.wait_indirect_dma semaphore(%arg8 : memref<!tpu.dma_semaphore, #tpu.memory_space<semaphore_mem>>) src(%dma_wait3A_219 : memref<100000x16xf32, #tpu.memory_space<hbm>>) dst(%dma_wait3A_213 : memref<100x16xf32, #tpu.memory_space<vmem>>)
        %mul3A_220 = arith.constant 16 : i32
        %mul3A_221 = arith.muli %scan3A_167, %mul3A_220 : i32
        %add3A_222 = arith.constant 1 : i32
        %add3A_223 = arith.addi %mul3A_221, %add3A_222 : i32
        %dma_wait3A_224 = arith.constant 100 : i32
        %dma_wait3A_225 = arith.constant 0 : i32
        %dma_wait3A_226 = tpu.memref_slice %arg6[%dma_wait3A_224, %dma_wait3A_225] : memref<1600x16xf32, #tpu.memory_space<vmem>> -> memref<100x16xf32, #tpu.memory_space<vmem>>
        %dma_wait3A_227 = arith.constant 0 : i32
        %dma_wait3A_228 = tpu.memref_slice %arg5[%add3A_223, %dma_wait3A_227] : memref<256x100xi32, #tpu.memory_space<vmem>> -> memref<1x100xi32, #tpu.memory_space<vmem>>
        %dma_wait3A_229 = tpu.memref_squeeze %dma_wait3A_228 : memref<1x100xi32, #tpu.memory_space<vmem>> -> memref<100xi32, #tpu.memory_space<vmem>>
        %dma_wait3A_230 = arith.constant 0 : i32
        %dma_wait3A_231 = arith.constant 0 : i32
        %dma_wait3A_232 = tpu.memref_slice %arg2[%dma_wait3A_230, %dma_wait3A_231] : memref<100000x16xf32, #tpu.memory_space<hbm>> -> memref<100000x16xf32, #tpu.memory_space<hbm>>
        tpu.wait_indirect_dma semaphore(%arg8 : memref<!tpu.dma_semaphore, #tpu.memory_space<semaphore_mem>>) src(%dma_wait3A_232 : memref<100000x16xf32, #tpu.memory_space<hbm>>) dst(%dma_wait3A_226 : memref<100x16xf32, #tpu.memory_space<vmem>>)
        %mul3A_233 = arith.constant 16 : i32
        %mul3A_234 = arith.muli %scan3A_167, %mul3A_233 : i32
        %add3A_235 = arith.constant 2 : i32
        %add3A_236 = arith.addi %mul3A_234, %add3A_235 : i32
        %dma_wait3A_237 = arith.constant 200 : i32
        %dma_wait3A_238 = arith.constant 0 : i32
        %dma_wait3A_239 = tpu.memref_slice %arg6[%dma_wait3A_237, %dma_wait3A_238] : memref<1600x16xf32, #tpu.memory_space<vmem>> -> memref<100x16xf32, #tpu.memory_space<vmem>>
        %dma_wait3A_240 = arith.constant 0 : i32
        %dma_wait3A_241 = tpu.memref_slice %arg5[%add3A_236, %dma_wait3A_240] : memref<256x100xi32, #tpu.memory_space<vmem>> -> memref<1x100xi32, #tpu.memory_space<vmem>>
        %dma_wait3A_242 = tpu.memref_squeeze %dma_wait3A_241 : memref<1x100xi32, #tpu.memory_space<vmem>> -> memref<100xi32, #tpu.memory_space<vmem>>
        %dma_wait3A_243 = arith.constant 0 : i32
        %dma_wait3A_244 = arith.constant 0 : i32
        %dma_wait3A_245 = tpu.memref_slice %arg2[%dma_wait3A_243, %dma_wait3A_244] : memref<100000x16xf32, #tpu.memory_space<hbm>> -> memref<100000x16xf32, #tpu.memory_space<hbm>>
        tpu.wait_indirect_dma semaphore(%arg8 : memref<!tpu.dma_semaphore, #tpu.memory_space<semaphore_mem>>) src(%dma_wait3A_245 : memref<100000x16xf32, #tpu.memory_space<hbm>>) dst(%dma_wait3A_239 : memref<100x16xf32, #tpu.memory_space<vmem>>)
        %mul3A_246 = arith.constant 16 : i32
        %mul3A_247 = arith.muli %scan3A_167, %mul3A_246 : i32
        %add3A_248 = arith.constant 3 : i32
        %add3A_249 = arith.addi %mul3A_247, %add3A_248 : i32
        %dma_wait3A_250 = arith.constant 300 : i32
        %dma_wait3A_251 = arith.constant 0 : i32
        %dma_wait3A_252 = tpu.memref_slice %arg6[%dma_wait3A_250, %dma_wait3A_251] : memref<1600x16xf32, #tpu.memory_space<vmem>> -> memref<100x16xf32, #tpu.memory_space<vmem>>
        %dma_wait3A_253 = arith.constant 0 : i32
        %dma_wait3A_254 = tpu.memref_slice %arg5[%add3A_249, %dma_wait3A_253] : memref<256x100xi32, #tpu.memory_space<vmem>> -> memref<1x100xi32, #tpu.memory_space<vmem>>
        %dma_wait3A_255 = tpu.memref_squeeze %dma_wait3A_254 : memref<1x100xi32, #tpu.memory_space<vmem>> -> memref<100xi32, #tpu.memory_space<vmem>>
        %dma_wait3A_256 = arith.constant 0 : i32
        %dma_wait3A_257 = arith.constant 0 : i32
        %dma_wait3A_258 = tpu.memref_slice %arg2[%dma_wait3A_256, %dma_wait3A_257] : memref<100000x16xf32, #tpu.memory_space<hbm>> -> memref<100000x16xf32, #tpu.memory_space<hbm>>
        tpu.wait_indirect_dma semaphore(%arg8 : memref<!tpu.dma_semaphore, #tpu.memory_space<semaphore_mem>>) src(%dma_wait3A_258 : memref<100000x16xf32, #tpu.memory_space<hbm>>) dst(%dma_wait3A_252 : memref<100x16xf32, #tpu.memory_space<vmem>>)
        %mul3A_259 = arith.constant 16 : i32
        %mul3A_260 = arith.muli %scan3A_167, %mul3A_259 : i32
        %add3A_261 = arith.constant 4 : i32
        %add3A_262 = arith.addi %mul3A_260, %add3A_261 : i32
        %dma_wait3A_263 = arith.constant 400 : i32
        %dma_wait3A_264 = arith.constant 0 : i32
        %dma_wait3A_265 = tpu.memref_slice %arg6[%dma_wait3A_263, %dma_wait3A_264] : memref<1600x16xf32, #tpu.memory_space<vmem>> -> memref<100x16xf32, #tpu.memory_space<vmem>>
        %dma_wait3A_266 = arith.constant 0 : i32
        %dma_wait3A_267 = tpu.memref_slice %arg5[%add3A_262, %dma_wait3A_266] : memref<256x100xi32, #tpu.memory_space<vmem>> -> memref<1x100xi32, #tpu.memory_space<vmem>>
        %dma_wait3A_268 = tpu.memref_squeeze %dma_wait3A_267 : memref<1x100xi32, #tpu.memory_space<vmem>> -> memref<100xi32, #tpu.memory_space<vmem>>
        %dma_wait3A_269 = arith.constant 0 : i32
        %dma_wait3A_270 = arith.constant 0 : i32
        %dma_wait3A_271 = tpu.memref_slice %arg2[%dma_wait3A_269, %dma_wait3A_270] : memref<100000x16xf32, #tpu.memory_space<hbm>> -> memref<100000x16xf32, #tpu.memory_space<hbm>>
        tpu.wait_indirect_dma semaphore(%arg8 : memref<!tpu.dma_semaphore, #tpu.memory_space<semaphore_mem>>) src(%dma_wait3A_271 : memref<100000x16xf32, #tpu.memory_space<hbm>>) dst(%dma_wait3A_265 : memref<100x16xf32, #tpu.memory_space<vmem>>)
        %mul3A_272 = arith.constant 16 : i32
        %mul3A_273 = arith.muli %scan3A_167, %mul3A_272 : i32
        %add3A_274 = arith.constant 5 : i32
        %add3A_275 = arith.addi %mul3A_273, %add3A_274 : i32
        %dma_wait3A_276 = arith.constant 500 : i32
        %dma_wait3A_277 = arith.constant 0 : i32
        %dma_wait3A_278 = tpu.memref_slice %arg6[%dma_wait3A_276, %dma_wait3A_277] : memref<1600x16xf32, #tpu.memory_space<vmem>> -> memref<100x16xf32, #tpu.memory_space<vmem>>
        %dma_wait3A_279 = arith.constant 0 : i32
        %dma_wait3A_280 = tpu.memref_slice %arg5[%add3A_275, %dma_wait3A_279] : memref<256x100xi32, #tpu.memory_space<vmem>> -> memref<1x100xi32, #tpu.memory_space<vmem>>
        %dma_wait3A_281 = tpu.memref_squeeze %dma_wait3A_280 : memref<1x100xi32, #tpu.memory_space<vmem>> -> memref<100xi32, #tpu.memory_space<vmem>>
        %dma_wait3A_282 = arith.constant 0 : i32
        %dma_wait3A_283 = arith.constant 0 : i32
        %dma_wait3A_284 = tpu.memref_slice %arg2[%dma_wait3A_282, %dma_wait3A_283] : memref<100000x16xf32, #tpu.memory_space<hbm>> -> memref<100000x16xf32, #tpu.memory_space<hbm>>
        tpu.wait_indirect_dma semaphore(%arg8 : memref<!tpu.dma_semaphore, #tpu.memory_space<semaphore_mem>>) src(%dma_wait3A_284 : memref<100000x16xf32, #tpu.memory_space<hbm>>) dst(%dma_wait3A_278 : memref<100x16xf32, #tpu.memory_space<vmem>>)
        %mul3A_285 = arith.constant 16 : i32
        %mul3A_286 = arith.muli %scan3A_167, %mul3A_285 : i32
        %add3A_287 = arith.constant 6 : i32
        %add3A_288 = arith.addi %mul3A_286, %add3A_287 : i32
        %dma_wait3A_289 = arith.constant 600 : i32
        %dma_wait3A_290 = arith.constant 0 : i32
        %dma_wait3A_291 = tpu.memref_slice %arg6[%dma_wait3A_289, %dma_wait3A_290] : memref<1600x16xf32, #tpu.memory_space<vmem>> -> memref<100x16xf32, #tpu.memory_space<vmem>>
        %dma_wait3A_292 = arith.constant 0 : i32
        %dma_wait3A_293 = tpu.memref_slice %arg5[%add3A_288, %dma_wait3A_292] : memref<256x100xi32, #tpu.memory_space<vmem>> -> memref<1x100xi32, #tpu.memory_space<vmem>>
        %dma_wait3A_294 = tpu.memref_squeeze %dma_wait3A_293 : memref<1x100xi32, #tpu.memory_space<vmem>> -> memref<100xi32, #tpu.memory_space<vmem>>
        %dma_wait3A_295 = arith.constant 0 : i32
        %dma_wait3A_296 = arith.constant 0 : i32
        %dma_wait3A_297 = tpu.memref_slice %arg2[%dma_wait3A_295, %dma_wait3A_296] : memref<100000x16xf32, #tpu.memory_space<hbm>> -> memref<100000x16xf32, #tpu.memory_space<hbm>>
        tpu.wait_indirect_dma semaphore(%arg8 : memref<!tpu.dma_semaphore, #tpu.memory_space<semaphore_mem>>) src(%dma_wait3A_297 : memref<100000x16xf32, #tpu.memory_space<hbm>>) dst(%dma_wait3A_291 : memref<100x16xf32, #tpu.memory_space<vmem>>)
        %mul3A_298 = arith.constant 16 : i32
        %mul3A_299 = arith.muli %scan3A_167, %mul3A_298 : i32
        %add3A_300 = arith.constant 7 : i32
        %add3A_301 = arith.addi %mul3A_299, %add3A_300 : i32
        %dma_wait3A_302 = arith.constant 700 : i32
        %dma_wait3A_303 = arith.constant 0 : i32
        %dma_wait3A_304 = tpu.memref_slice %arg6[%dma_wait3A_302, %dma_wait3A_303] : memref<1600x16xf32, #tpu.memory_space<vmem>> -> memref<100x16xf32, #tpu.memory_space<vmem>>
        %dma_wait3A_305 = arith.constant 0 : i32
        %dma_wait3A_306 = tpu.memref_slice %arg5[%add3A_301, %dma_wait3A_305] : memref<256x100xi32, #tpu.memory_space<vmem>> -> memref<1x100xi32, #tpu.memory_space<vmem>>
        %dma_wait3A_307 = tpu.memref_squeeze %dma_wait3A_306 : memref<1x100xi32, #tpu.memory_space<vmem>> -> memref<100xi32, #tpu.memory_space<vmem>>
        %dma_wait3A_308 = arith.constant 0 : i32
        %dma_wait3A_309 = arith.constant 0 : i32
        %dma_wait3A_310 = tpu.memref_slice %arg2[%dma_wait3A_308, %dma_wait3A_309] : memref<100000x16xf32, #tpu.memory_space<hbm>> -> memref<100000x16xf32, #tpu.memory_space<hbm>>
        tpu.wait_indirect_dma semaphore(%arg8 : memref<!tpu.dma_semaphore, #tpu.memory_space<semaphore_mem>>) src(%dma_wait3A_310 : memref<100000x16xf32, #tpu.memory_space<hbm>>) dst(%dma_wait3A_304 : memref<100x16xf32, #tpu.memory_space<vmem>>)
        %mul3A_311 = arith.constant 16 : i32
        %mul3A_312 = arith.muli %scan3A_167, %mul3A_311 : i32
        %add3A_313 = arith.constant 8 : i32
        %add3A_314 = arith.addi %mul3A_312, %add3A_313 : i32
        %dma_wait3A_315 = arith.constant 800 : i32
        %dma_wait3A_316 = arith.constant 0 : i32
        %dma_wait3A_317 = tpu.memref_slice %arg6[%dma_wait3A_315, %dma_wait3A_316] : memref<1600x16xf32, #tpu.memory_space<vmem>> -> memref<100x16xf32, #tpu.memory_space<vmem>>
        %dma_wait3A_318 = arith.constant 0 : i32
        %dma_wait3A_319 = tpu.memref_slice %arg5[%add3A_314, %dma_wait3A_318] : memref<256x100xi32, #tpu.memory_space<vmem>> -> memref<1x100xi32, #tpu.memory_space<vmem>>
        %dma_wait3A_320 = tpu.memref_squeeze %dma_wait3A_319 : memref<1x100xi32, #tpu.memory_space<vmem>> -> memref<100xi32, #tpu.memory_space<vmem>>
        %dma_wait3A_321 = arith.constant 0 : i32
        %dma_wait3A_322 = arith.constant 0 : i32
        %dma_wait3A_323 = tpu.memref_slice %arg2[%dma_wait3A_321, %dma_wait3A_322] : memref<100000x16xf32, #tpu.memory_space<hbm>> -> memref<100000x16xf32, #tpu.memory_space<hbm>>
        tpu.wait_indirect_dma semaphore(%arg8 : memref<!tpu.dma_semaphore, #tpu.memory_space<semaphore_mem>>) src(%dma_wait3A_323 : memref<100000x16xf32, #tpu.memory_space<hbm>>) dst(%dma_wait3A_317 : memref<100x16xf32, #tpu.memory_space<vmem>>)
        %mul3A_324 = arith.constant 16 : i32
        %mul3A_325 = arith.muli %scan3A_167, %mul3A_324 : i32
        %add3A_326 = arith.constant 9 : i32
        %add3A_327 = arith.addi %mul3A_325, %add3A_326 : i32
        %dma_wait3A_328 = arith.constant 900 : i32
        %dma_wait3A_329 = arith.constant 0 : i32
        %dma_wait3A_330 = tpu.memref_slice %arg6[%dma_wait3A_328, %dma_wait3A_329] : memref<1600x16xf32, #tpu.memory_space<vmem>> -> memref<100x16xf32, #tpu.memory_space<vmem>>
        %dma_wait3A_331 = arith.constant 0 : i32
        %dma_wait3A_332 = tpu.memref_slice %arg5[%add3A_327, %dma_wait3A_331] : memref<256x100xi32, #tpu.memory_space<vmem>> -> memref<1x100xi32, #tpu.memory_space<vmem>>
        %dma_wait3A_333 = tpu.memref_squeeze %dma_wait3A_332 : memref<1x100xi32, #tpu.memory_space<vmem>> -> memref<100xi32, #tpu.memory_space<vmem>>
        %dma_wait3A_334 = arith.constant 0 : i32
        %dma_wait3A_335 = arith.constant 0 : i32
        %dma_wait3A_336 = tpu.memref_slice %arg2[%dma_wait3A_334, %dma_wait3A_335] : memref<100000x16xf32, #tpu.memory_space<hbm>> -> memref<100000x16xf32, #tpu.memory_space<hbm>>
        tpu.wait_indirect_dma semaphore(%arg8 : memref<!tpu.dma_semaphore, #tpu.memory_space<semaphore_mem>>) src(%dma_wait3A_336 : memref<100000x16xf32, #tpu.memory_space<hbm>>) dst(%dma_wait3A_330 : memref<100x16xf32, #tpu.memory_space<vmem>>)
        %mul3A_337 = arith.constant 16 : i32
        %mul3A_338 = arith.muli %scan3A_167, %mul3A_337 : i32
        %add3A_339 = arith.constant 10 : i32
        %add3A_340 = arith.addi %mul3A_338, %add3A_339 : i32
        %dma_wait3A_341 = arith.constant 1000 : i32
        %dma_wait3A_342 = arith.constant 0 : i32
        %dma_wait3A_343 = tpu.memref_slice %arg6[%dma_wait3A_341, %dma_wait3A_342] : memref<1600x16xf32, #tpu.memory_space<vmem>> -> memref<100x16xf32, #tpu.memory_space<vmem>>
        %dma_wait3A_344 = arith.constant 0 : i32
        %dma_wait3A_345 = tpu.memref_slice %arg5[%add3A_340, %dma_wait3A_344] : memref<256x100xi32, #tpu.memory_space<vmem>> -> memref<1x100xi32, #tpu.memory_space<vmem>>
        %dma_wait3A_346 = tpu.memref_squeeze %dma_wait3A_345 : memref<1x100xi32, #tpu.memory_space<vmem>> -> memref<100xi32, #tpu.memory_space<vmem>>
        %dma_wait3A_347 = arith.constant 0 : i32
        %dma_wait3A_348 = arith.constant 0 : i32
        %dma_wait3A_349 = tpu.memref_slice %arg2[%dma_wait3A_347, %dma_wait3A_348] : memref<100000x16xf32, #tpu.memory_space<hbm>> -> memref<100000x16xf32, #tpu.memory_space<hbm>>
        tpu.wait_indirect_dma semaphore(%arg8 : memref<!tpu.dma_semaphore, #tpu.memory_space<semaphore_mem>>) src(%dma_wait3A_349 : memref<100000x16xf32, #tpu.memory_space<hbm>>) dst(%dma_wait3A_343 : memref<100x16xf32, #tpu.memory_space<vmem>>)
        %mul3A_350 = arith.constant 16 : i32
        %mul3A_351 = arith.muli %scan3A_167, %mul3A_350 : i32
        %add3A_352 = arith.constant 11 : i32
        %add3A_353 = arith.addi %mul3A_351, %add3A_352 : i32
        %dma_wait3A_354 = arith.constant 1100 : i32
        %dma_wait3A_355 = arith.constant 0 : i32
        %dma_wait3A_356 = tpu.memref_slice %arg6[%dma_wait3A_354, %dma_wait3A_355] : memref<1600x16xf32, #tpu.memory_space<vmem>> -> memref<100x16xf32, #tpu.memory_space<vmem>>
        %dma_wait3A_357 = arith.constant 0 : i32
        %dma_wait3A_358 = tpu.memref_slice %arg5[%add3A_353, %dma_wait3A_357] : memref<256x100xi32, #tpu.memory_space<vmem>> -> memref<1x100xi32, #tpu.memory_space<vmem>>
        %dma_wait3A_359 = tpu.memref_squeeze %dma_wait3A_358 : memref<1x100xi32, #tpu.memory_space<vmem>> -> memref<100xi32, #tpu.memory_space<vmem>>
        %dma_wait3A_360 = arith.constant 0 : i32
        %dma_wait3A_361 = arith.constant 0 : i32
        %dma_wait3A_362 = tpu.memref_slice %arg2[%dma_wait3A_360, %dma_wait3A_361] : memref<100000x16xf32, #tpu.memory_space<hbm>> -> memref<100000x16xf32, #tpu.memory_space<hbm>>
        tpu.wait_indirect_dma semaphore(%arg8 : memref<!tpu.dma_semaphore, #tpu.memory_space<semaphore_mem>>) src(%dma_wait3A_362 : memref<100000x16xf32, #tpu.memory_space<hbm>>) dst(%dma_wait3A_356 : memref<100x16xf32, #tpu.memory_space<vmem>>)
        %mul3A_363 = arith.constant 16 : i32
        %mul3A_364 = arith.muli %scan3A_167, %mul3A_363 : i32
        %add3A_365 = arith.constant 12 : i32
        %add3A_366 = arith.addi %mul3A_364, %add3A_365 : i32
        %dma_wait3A_367 = arith.constant 1200 : i32
        %dma_wait3A_368 = arith.constant 0 : i32
        %dma_wait3A_369 = tpu.memref_slice %arg6[%dma_wait3A_367, %dma_wait3A_368] : memref<1600x16xf32, #tpu.memory_space<vmem>> -> memref<100x16xf32, #tpu.memory_space<vmem>>
        %dma_wait3A_370 = arith.constant 0 : i32
        %dma_wait3A_371 = tpu.memref_slice %arg5[%add3A_366, %dma_wait3A_370] : memref<256x100xi32, #tpu.memory_space<vmem>> -> memref<1x100xi32, #tpu.memory_space<vmem>>
        %dma_wait3A_372 = tpu.memref_squeeze %dma_wait3A_371 : memref<1x100xi32, #tpu.memory_space<vmem>> -> memref<100xi32, #tpu.memory_space<vmem>>
        %dma_wait3A_373 = arith.constant 0 : i32
        %dma_wait3A_374 = arith.constant 0 : i32
        %dma_wait3A_375 = tpu.memref_slice %arg2[%dma_wait3A_373, %dma_wait3A_374] : memref<100000x16xf32, #tpu.memory_space<hbm>> -> memref<100000x16xf32, #tpu.memory_space<hbm>>
        tpu.wait_indirect_dma semaphore(%arg8 : memref<!tpu.dma_semaphore, #tpu.memory_space<semaphore_mem>>) src(%dma_wait3A_375 : memref<100000x16xf32, #tpu.memory_space<hbm>>) dst(%dma_wait3A_369 : memref<100x16xf32, #tpu.memory_space<vmem>>)
        %mul3A_376 = arith.constant 16 : i32
        %mul3A_377 = arith.muli %scan3A_167, %mul3A_376 : i32
        %add3A_378 = arith.constant 13 : i32
        %add3A_379 = arith.addi %mul3A_377, %add3A_378 : i32
        %dma_wait3A_380 = arith.constant 1300 : i32
        %dma_wait3A_381 = arith.constant 0 : i32
        %dma_wait3A_382 = tpu.memref_slice %arg6[%dma_wait3A_380, %dma_wait3A_381] : memref<1600x16xf32, #tpu.memory_space<vmem>> -> memref<100x16xf32, #tpu.memory_space<vmem>>
        %dma_wait3A_383 = arith.constant 0 : i32
        %dma_wait3A_384 = tpu.memref_slice %arg5[%add3A_379, %dma_wait3A_383] : memref<256x100xi32, #tpu.memory_space<vmem>> -> memref<1x100xi32, #tpu.memory_space<vmem>>
        %dma_wait3A_385 = tpu.memref_squeeze %dma_wait3A_384 : memref<1x100xi32, #tpu.memory_space<vmem>> -> memref<100xi32, #tpu.memory_space<vmem>>
        %dma_wait3A_386 = arith.constant 0 : i32
        %dma_wait3A_387 = arith.constant 0 : i32
        %dma_wait3A_388 = tpu.memref_slice %arg2[%dma_wait3A_386, %dma_wait3A_387] : memref<100000x16xf32, #tpu.memory_space<hbm>> -> memref<100000x16xf32, #tpu.memory_space<hbm>>
        tpu.wait_indirect_dma semaphore(%arg8 : memref<!tpu.dma_semaphore, #tpu.memory_space<semaphore_mem>>) src(%dma_wait3A_388 : memref<100000x16xf32, #tpu.memory_space<hbm>>) dst(%dma_wait3A_382 : memref<100x16xf32, #tpu.memory_space<vmem>>)
        %mul3A_389 = arith.constant 16 : i32
        %mul3A_390 = arith.muli %scan3A_167, %mul3A_389 : i32
        %add3A_391 = arith.constant 14 : i32
        %add3A_392 = arith.addi %mul3A_390, %add3A_391 : i32
        %dma_wait3A_393 = arith.constant 1400 : i32
        %dma_wait3A_394 = arith.constant 0 : i32
        %dma_wait3A_395 = tpu.memref_slice %arg6[%dma_wait3A_393, %dma_wait3A_394] : memref<1600x16xf32, #tpu.memory_space<vmem>> -> memref<100x16xf32, #tpu.memory_space<vmem>>
        %dma_wait3A_396 = arith.constant 0 : i32
        %dma_wait3A_397 = tpu.memref_slice %arg5[%add3A_392, %dma_wait3A_396] : memref<256x100xi32, #tpu.memory_space<vmem>> -> memref<1x100xi32, #tpu.memory_space<vmem>>
        %dma_wait3A_398 = tpu.memref_squeeze %dma_wait3A_397 : memref<1x100xi32, #tpu.memory_space<vmem>> -> memref<100xi32, #tpu.memory_space<vmem>>
        %dma_wait3A_399 = arith.constant 0 : i32
        %dma_wait3A_400 = arith.constant 0 : i32
        %dma_wait3A_401 = tpu.memref_slice %arg2[%dma_wait3A_399, %dma_wait3A_400] : memref<100000x16xf32, #tpu.memory_space<hbm>> -> memref<100000x16xf32, #tpu.memory_space<hbm>>
        tpu.wait_indirect_dma semaphore(%arg8 : memref<!tpu.dma_semaphore, #tpu.memory_space<semaphore_mem>>) src(%dma_wait3A_401 : memref<100000x16xf32, #tpu.memory_space<hbm>>) dst(%dma_wait3A_395 : memref<100x16xf32, #tpu.memory_space<vmem>>)
        %mul3A_402 = arith.constant 16 : i32
        %mul3A_403 = arith.muli %scan3A_167, %mul3A_402 : i32
        %add3A_404 = arith.constant 15 : i32
        %add3A_405 = arith.addi %mul3A_403, %add3A_404 : i32
        %dma_wait3A_406 = arith.constant 1500 : i32
        %dma_wait3A_407 = arith.constant 0 : i32
        %dma_wait3A_408 = tpu.memref_slice %arg6[%dma_wait3A_406, %dma_wait3A_407] : memref<1600x16xf32, #tpu.memory_space<vmem>> -> memref<100x16xf32, #tpu.memory_space<vmem>>
        %dma_wait3A_409 = arith.constant 0 : i32
        %dma_wait3A_410 = tpu.memref_slice %arg5[%add3A_405, %dma_wait3A_409] : memref<256x100xi32, #tpu.memory_space<vmem>> -> memref<1x100xi32, #tpu.memory_space<vmem>>
        %dma_wait3A_411 = tpu.memref_squeeze %dma_wait3A_410 : memref<1x100xi32, #tpu.memory_space<vmem>> -> memref<100xi32, #tpu.memory_space<vmem>>
        %dma_wait3A_412 = arith.constant 0 : i32
        %dma_wait3A_413 = arith.constant 0 : i32
        %dma_wait3A_414 = tpu.memref_slice %arg2[%dma_wait3A_412, %dma_wait3A_413] : memref<100000x16xf32, #tpu.memory_space<hbm>> -> memref<100000x16xf32, #tpu.memory_space<hbm>>
        tpu.wait_indirect_dma semaphore(%arg8 : memref<!tpu.dma_semaphore, #tpu.memory_space<semaphore_mem>>) src(%dma_wait3A_414 : memref<100000x16xf32, #tpu.memory_space<hbm>>) dst(%dma_wait3A_408 : memref<100x16xf32, #tpu.memory_space<vmem>>)
        %mul3A_415 = arith.constant 16 : i32
        %mul3A_416 = arith.muli %scan3A_167, %mul3A_415 : i32
        %add3A_417 = arith.addi %mul3A_2, %mul3A_416 : i32
        %mul3A_418 = arith.constant 100 : i32
        %mul3A_419 = arith.muli %add3A_417, %mul3A_418 : i32
        "tpu.region"() ({
          %run_scoped3A = tpu.sem_alloc : memref<!tpu.dma_semaphore, #tpu.memory_space<semaphore_mem>>
          %dma_start3A_420 = arith.constant 0 : i32
          %dma_start3A_421 = tpu.memref_slice %arg4[%mul3A_419, %dma_start3A_420] : memref<819200x16xf32, #tpu.memory_space<hbm>> -> memref<1600x16xf32, #tpu.memory_space<hbm>>
          %dma_start3A_422 = arith.constant 0 : i32
          %dma_start3A_423 = tpu.memref_slice %arg4[%mul3A_419, %dma_start3A_422] : memref<819200x16xf32, #tpu.memory_space<hbm>> -> memref<1600x16xf32, #tpu.memory_space<hbm>>
          tpu.enqueue_dma source(%arg6 : memref<1600x16xf32, #tpu.memory_space<vmem>>) target(%dma_start3A_423 : memref<1600x16xf32, #tpu.memory_space<hbm>>) target_semaphore(%run_scoped3A : memref<!tpu.dma_semaphore, #tpu.memory_space<semaphore_mem>>)
          %dma_wait3A_424 = arith.constant 0 : i32
          %dma_wait3A_425 = tpu.memref_slice %arg4[%mul3A_419, %dma_wait3A_424] : memref<819200x16xf32, #tpu.memory_space<hbm>> -> memref<1600x16xf32, #tpu.memory_space<hbm>>
          %dma_wait3A_426 = arith.constant 0 : i32
          %dma_wait3A_427 = tpu.memref_slice %arg4[%mul3A_419, %dma_wait3A_426] : memref<819200x16xf32, #tpu.memory_space<hbm>> -> memref<1600x16xf32, #tpu.memory_space<hbm>>
          tpu.wait_dma2 semaphore(%run_scoped3A : memref<!tpu.dma_semaphore, #tpu.memory_space<semaphore_mem>>) src(%arg6 : memref<1600x16xf32, #tpu.memory_space<vmem>>) dst(%dma_wait3A_427 : memref<1600x16xf32, #tpu.memory_space<hbm>>)
          tpu.yield
        }) : () -> ()
      } else {
      }
      %jit3A_180 = arith.constant 2 : i32
      %eq3A_181 = arith.constant 0 : i32
      %eq3A_182 = arith.cmpi eq, %jit3A_180, %eq3A_181 : i32
      %jit3A_183 = arith.constant 1 : i32
      %select_n3A_184 = arith.select %eq3A_182, %jit3A_183, %jit3A_180 : i32
      %rem3A_185 = arith.remsi %scan3A_167, %select_n3A_184 : i32
      %ne3A_186 = arith.constant 0 : i32
      %ne3A_187 = arith.cmpi ne, %rem3A_185, %ne3A_186 : i32
      %lt3A_188 = arith.constant 0 : i32
      %lt3A_189 = arith.cmpi slt, %rem3A_185, %lt3A_188 : i32
      %lt3A_190 = arith.constant 0 : i32
      %lt3A_191 = arith.cmpi slt, %select_n3A_184, %lt3A_190 : i32
      %ne3A_192 = arith.xori %lt3A_189, %lt3A_191 : i1
      %and3A_193 = arith.andi %ne3A_192, %ne3A_187 : i1
      %add3A_194 = arith.addi %rem3A_185, %select_n3A_184 : i32
      %select_n3A_195 = arith.select %and3A_193, %add3A_194, %rem3A_185 : i32
      %eq3A_196 = arith.constant 1 : i32
      %eq3A_197 = arith.cmpi eq, %select_n3A_195, %eq3A_196 : i32
      %convert_element_type3A_198 = arith.extui %eq3A_197 : i1 to i32
      %cond3A_199 = arith.constant 0 : i32
      %cond3A_200 = arith.cmpi ne, %convert_element_type3A_198, %cond3A_199 : i32
      scf.if %cond3A_200 {
        %add3A_201 = arith.constant 1 : i32
        %add3A_202 = arith.addi %scan3A_167, %add3A_201 : i32
        %lt3A_203 = arith.constant 16 : i32
        %lt3A_204 = arith.cmpi slt, %add3A_202, %lt3A_203 : i32
        %convert_element_type3A_205 = arith.extui %lt3A_204 : i1 to i32
        %cond3A_206 = arith.constant 0 : i32
        %cond3A_207 = arith.cmpi ne, %convert_element_type3A_205, %cond3A_206 : i32
        scf.if %cond3A_207 {
          %add3A_420 = arith.constant 1 : i32
          %add3A_421 = arith.addi %scan3A_167, %add3A_420 : i32
          %mul3A_422 = arith.constant 16 : i32
          %mul3A_423 = arith.muli %add3A_421, %mul3A_422 : i32
          %add3A_424 = arith.constant 0 : i32
          %add3A_425 = arith.addi %mul3A_423, %add3A_424 : i32
          %dma_start3A_426 = arith.constant 0 : i32
          %dma_start3A_427 = arith.constant 0 : i32
          %dma_start3A_428 = tpu.memref_slice %arg6[%dma_start3A_426, %dma_start3A_427] : memref<1600x16xf32, #tpu.memory_space<vmem>> -> memref<100x16xf32, #tpu.memory_space<vmem>>
          %dma_start3A_429 = arith.constant 0 : i32
          %dma_start3A_430 = tpu.memref_slice %arg5[%add3A_425, %dma_start3A_429] : memref<256x100xi32, #tpu.memory_space<vmem>> -> memref<1x100xi32, #tpu.memory_space<vmem>>
          %dma_start3A_431 = tpu.memref_squeeze %dma_start3A_430 : memref<1x100xi32, #tpu.memory_space<vmem>> -> memref<100xi32, #tpu.memory_space<vmem>>
          %dma_start3A_432 = arith.constant 0 : i32
          %dma_start3A_433 = arith.constant 0 : i32
          %dma_start3A_434 = tpu.memref_slice %arg2[%dma_start3A_432, %dma_start3A_433] : memref<100000x16xf32, #tpu.memory_space<hbm>> -> memref<100000x16xf32, #tpu.memory_space<hbm>>
          tpu.enqueue_indirect_dma source(%dma_start3A_434 : memref<100000x16xf32, #tpu.memory_space<hbm>>) target(%dma_start3A_428 : memref<100x16xf32, #tpu.memory_space<vmem>>) offsets(%dma_start3A_431 : memref<100xi32, #tpu.memory_space<vmem>>) semaphore(%arg8 : memref<!tpu.dma_semaphore, #tpu.memory_space<semaphore_mem>>)
          %mul3A_435 = arith.constant 16 : i32
          %mul3A_436 = arith.muli %add3A_421, %mul3A_435 : i32
          %add3A_437 = arith.constant 1 : i32
          %add3A_438 = arith.addi %mul3A_436, %add3A_437 : i32
          %dma_start3A_439 = arith.constant 100 : i32
          %dma_start3A_440 = arith.constant 0 : i32
          %dma_start3A_441 = tpu.memref_slice %arg6[%dma_start3A_439, %dma_start3A_440] : memref<1600x16xf32, #tpu.memory_space<vmem>> -> memref<100x16xf32, #tpu.memory_space<vmem>>
          %dma_start3A_442 = arith.constant 0 : i32
          %dma_start3A_443 = tpu.memref_slice %arg5[%add3A_438, %dma_start3A_442] : memref<256x100xi32, #tpu.memory_space<vmem>> -> memref<1x100xi32, #tpu.memory_space<vmem>>
          %dma_start3A_444 = tpu.memref_squeeze %dma_start3A_443 : memref<1x100xi32, #tpu.memory_space<vmem>> -> memref<100xi32, #tpu.memory_space<vmem>>
          %dma_start3A_445 = arith.constant 0 : i32
          %dma_start3A_446 = arith.constant 0 : i32
          %dma_start3A_447 = tpu.memref_slice %arg2[%dma_start3A_445, %dma_start3A_446] : memref<100000x16xf32, #tpu.memory_space<hbm>> -> memref<100000x16xf32, #tpu.memory_space<hbm>>
          tpu.enqueue_indirect_dma source(%dma_start3A_447 : memref<100000x16xf32, #tpu.memory_space<hbm>>) target(%dma_start3A_441 : memref<100x16xf32, #tpu.memory_space<vmem>>) offsets(%dma_start3A_444 : memref<100xi32, #tpu.memory_space<vmem>>) semaphore(%arg8 : memref<!tpu.dma_semaphore, #tpu.memory_space<semaphore_mem>>)
          %mul3A_448 = arith.constant 16 : i32
          %mul3A_449 = arith.muli %add3A_421, %mul3A_448 : i32
          %add3A_450 = arith.constant 2 : i32
          %add3A_451 = arith.addi %mul3A_449, %add3A_450 : i32
          %dma_start3A_452 = arith.constant 200 : i32
          %dma_start3A_453 = arith.constant 0 : i32
          %dma_start3A_454 = tpu.memref_slice %arg6[%dma_start3A_452, %dma_start3A_453] : memref<1600x16xf32, #tpu.memory_space<vmem>> -> memref<100x16xf32, #tpu.memory_space<vmem>>
          %dma_start3A_455 = arith.constant 0 : i32
          %dma_start3A_456 = tpu.memref_slice %arg5[%add3A_451, %dma_start3A_455] : memref<256x100xi32, #tpu.memory_space<vmem>> -> memref<1x100xi32, #tpu.memory_space<vmem>>
          %dma_start3A_457 = tpu.memref_squeeze %dma_start3A_456 : memref<1x100xi32, #tpu.memory_space<vmem>> -> memref<100xi32, #tpu.memory_space<vmem>>
          %dma_start3A_458 = arith.constant 0 : i32
          %dma_start3A_459 = arith.constant 0 : i32
          %dma_start3A_460 = tpu.memref_slice %arg2[%dma_start3A_458, %dma_start3A_459] : memref<100000x16xf32, #tpu.memory_space<hbm>> -> memref<100000x16xf32, #tpu.memory_space<hbm>>
          tpu.enqueue_indirect_dma source(%dma_start3A_460 : memref<100000x16xf32, #tpu.memory_space<hbm>>) target(%dma_start3A_454 : memref<100x16xf32, #tpu.memory_space<vmem>>) offsets(%dma_start3A_457 : memref<100xi32, #tpu.memory_space<vmem>>) semaphore(%arg8 : memref<!tpu.dma_semaphore, #tpu.memory_space<semaphore_mem>>)
          %mul3A_461 = arith.constant 16 : i32
          %mul3A_462 = arith.muli %add3A_421, %mul3A_461 : i32
          %add3A_463 = arith.constant 3 : i32
          %add3A_464 = arith.addi %mul3A_462, %add3A_463 : i32
          %dma_start3A_465 = arith.constant 300 : i32
          %dma_start3A_466 = arith.constant 0 : i32
          %dma_start3A_467 = tpu.memref_slice %arg6[%dma_start3A_465, %dma_start3A_466] : memref<1600x16xf32, #tpu.memory_space<vmem>> -> memref<100x16xf32, #tpu.memory_space<vmem>>
          %dma_start3A_468 = arith.constant 0 : i32
          %dma_start3A_469 = tpu.memref_slice %arg5[%add3A_464, %dma_start3A_468] : memref<256x100xi32, #tpu.memory_space<vmem>> -> memref<1x100xi32, #tpu.memory_space<vmem>>
          %dma_start3A_470 = tpu.memref_squeeze %dma_start3A_469 : memref<1x100xi32, #tpu.memory_space<vmem>> -> memref<100xi32, #tpu.memory_space<vmem>>
          %dma_start3A_471 = arith.constant 0 : i32
          %dma_start3A_472 = arith.constant 0 : i32
          %dma_start3A_473 = tpu.memref_slice %arg2[%dma_start3A_471, %dma_start3A_472] : memref<100000x16xf32, #tpu.memory_space<hbm>> -> memref<100000x16xf32, #tpu.memory_space<hbm>>
          tpu.enqueue_indirect_dma source(%dma_start3A_473 : memref<100000x16xf32, #tpu.memory_space<hbm>>) target(%dma_start3A_467 : memref<100x16xf32, #tpu.memory_space<vmem>>) offsets(%dma_start3A_470 : memref<100xi32, #tpu.memory_space<vmem>>) semaphore(%arg8 : memref<!tpu.dma_semaphore, #tpu.memory_space<semaphore_mem>>)
          %mul3A_474 = arith.constant 16 : i32
          %mul3A_475 = arith.muli %add3A_421, %mul3A_474 : i32
          %add3A_476 = arith.constant 4 : i32
          %add3A_477 = arith.addi %mul3A_475, %add3A_476 : i32
          %dma_start3A_478 = arith.constant 400 : i32
          %dma_start3A_479 = arith.constant 0 : i32
          %dma_start3A_480 = tpu.memref_slice %arg6[%dma_start3A_478, %dma_start3A_479] : memref<1600x16xf32, #tpu.memory_space<vmem>> -> memref<100x16xf32, #tpu.memory_space<vmem>>
          %dma_start3A_481 = arith.constant 0 : i32
          %dma_start3A_482 = tpu.memref_slice %arg5[%add3A_477, %dma_start3A_481] : memref<256x100xi32, #tpu.memory_space<vmem>> -> memref<1x100xi32, #tpu.memory_space<vmem>>
          %dma_start3A_483 = tpu.memref_squeeze %dma_start3A_482 : memref<1x100xi32, #tpu.memory_space<vmem>> -> memref<100xi32, #tpu.memory_space<vmem>>
          %dma_start3A_484 = arith.constant 0 : i32
          %dma_start3A_485 = arith.constant 0 : i32
          %dma_start3A_486 = tpu.memref_slice %arg2[%dma_start3A_484, %dma_start3A_485] : memref<100000x16xf32, #tpu.memory_space<hbm>> -> memref<100000x16xf32, #tpu.memory_space<hbm>>
          tpu.enqueue_indirect_dma source(%dma_start3A_486 : memref<100000x16xf32, #tpu.memory_space<hbm>>) target(%dma_start3A_480 : memref<100x16xf32, #tpu.memory_space<vmem>>) offsets(%dma_start3A_483 : memref<100xi32, #tpu.memory_space<vmem>>) semaphore(%arg8 : memref<!tpu.dma_semaphore, #tpu.memory_space<semaphore_mem>>)
          %mul3A_487 = arith.constant 16 : i32
          %mul3A_488 = arith.muli %add3A_421, %mul3A_487 : i32
          %add3A_489 = arith.constant 5 : i32
          %add3A_490 = arith.addi %mul3A_488, %add3A_489 : i32
          %dma_start3A_491 = arith.constant 500 : i32
          %dma_start3A_492 = arith.constant 0 : i32
          %dma_start3A_493 = tpu.memref_slice %arg6[%dma_start3A_491, %dma_start3A_492] : memref<1600x16xf32, #tpu.memory_space<vmem>> -> memref<100x16xf32, #tpu.memory_space<vmem>>
          %dma_start3A_494 = arith.constant 0 : i32
          %dma_start3A_495 = tpu.memref_slice %arg5[%add3A_490, %dma_start3A_494] : memref<256x100xi32, #tpu.memory_space<vmem>> -> memref<1x100xi32, #tpu.memory_space<vmem>>
          %dma_start3A_496 = tpu.memref_squeeze %dma_start3A_495 : memref<1x100xi32, #tpu.memory_space<vmem>> -> memref<100xi32, #tpu.memory_space<vmem>>
          %dma_start3A_497 = arith.constant 0 : i32
          %dma_start3A_498 = arith.constant 0 : i32
          %dma_start3A_499 = tpu.memref_slice %arg2[%dma_start3A_497, %dma_start3A_498] : memref<100000x16xf32, #tpu.memory_space<hbm>> -> memref<100000x16xf32, #tpu.memory_space<hbm>>
          tpu.enqueue_indirect_dma source(%dma_start3A_499 : memref<100000x16xf32, #tpu.memory_space<hbm>>) target(%dma_start3A_493 : memref<100x16xf32, #tpu.memory_space<vmem>>) offsets(%dma_start3A_496 : memref<100xi32, #tpu.memory_space<vmem>>) semaphore(%arg8 : memref<!tpu.dma_semaphore, #tpu.memory_space<semaphore_mem>>)
          %mul3A_500 = arith.constant 16 : i32
          %mul3A_501 = arith.muli %add3A_421, %mul3A_500 : i32
          %add3A_502 = arith.constant 6 : i32
          %add3A_503 = arith.addi %mul3A_501, %add3A_502 : i32
          %dma_start3A_504 = arith.constant 600 : i32
          %dma_start3A_505 = arith.constant 0 : i32
          %dma_start3A_506 = tpu.memref_slice %arg6[%dma_start3A_504, %dma_start3A_505] : memref<1600x16xf32, #tpu.memory_space<vmem>> -> memref<100x16xf32, #tpu.memory_space<vmem>>
          %dma_start3A_507 = arith.constant 0 : i32
          %dma_start3A_508 = tpu.memref_slice %arg5[%add3A_503, %dma_start3A_507] : memref<256x100xi32, #tpu.memory_space<vmem>> -> memref<1x100xi32, #tpu.memory_space<vmem>>
          %dma_start3A_509 = tpu.memref_squeeze %dma_start3A_508 : memref<1x100xi32, #tpu.memory_space<vmem>> -> memref<100xi32, #tpu.memory_space<vmem>>
          %dma_start3A_510 = arith.constant 0 : i32
          %dma_start3A_511 = arith.constant 0 : i32
          %dma_start3A_512 = tpu.memref_slice %arg2[%dma_start3A_510, %dma_start3A_511] : memref<100000x16xf32, #tpu.memory_space<hbm>> -> memref<100000x16xf32, #tpu.memory_space<hbm>>
          tpu.enqueue_indirect_dma source(%dma_start3A_512 : memref<100000x16xf32, #tpu.memory_space<hbm>>) target(%dma_start3A_506 : memref<100x16xf32, #tpu.memory_space<vmem>>) offsets(%dma_start3A_509 : memref<100xi32, #tpu.memory_space<vmem>>) semaphore(%arg8 : memref<!tpu.dma_semaphore, #tpu.memory_space<semaphore_mem>>)
          %mul3A_513 = arith.constant 16 : i32
          %mul3A_514 = arith.muli %add3A_421, %mul3A_513 : i32
          %add3A_515 = arith.constant 7 : i32
          %add3A_516 = arith.addi %mul3A_514, %add3A_515 : i32
          %dma_start3A_517 = arith.constant 700 : i32
          %dma_start3A_518 = arith.constant 0 : i32
          %dma_start3A_519 = tpu.memref_slice %arg6[%dma_start3A_517, %dma_start3A_518] : memref<1600x16xf32, #tpu.memory_space<vmem>> -> memref<100x16xf32, #tpu.memory_space<vmem>>
          %dma_start3A_520 = arith.constant 0 : i32
          %dma_start3A_521 = tpu.memref_slice %arg5[%add3A_516, %dma_start3A_520] : memref<256x100xi32, #tpu.memory_space<vmem>> -> memref<1x100xi32, #tpu.memory_space<vmem>>
          %dma_start3A_522 = tpu.memref_squeeze %dma_start3A_521 : memref<1x100xi32, #tpu.memory_space<vmem>> -> memref<100xi32, #tpu.memory_space<vmem>>
          %dma_start3A_523 = arith.constant 0 : i32
          %dma_start3A_524 = arith.constant 0 : i32
          %dma_start3A_525 = tpu.memref_slice %arg2[%dma_start3A_523, %dma_start3A_524] : memref<100000x16xf32, #tpu.memory_space<hbm>> -> memref<100000x16xf32, #tpu.memory_space<hbm>>
          tpu.enqueue_indirect_dma source(%dma_start3A_525 : memref<100000x16xf32, #tpu.memory_space<hbm>>) target(%dma_start3A_519 : memref<100x16xf32, #tpu.memory_space<vmem>>) offsets(%dma_start3A_522 : memref<100xi32, #tpu.memory_space<vmem>>) semaphore(%arg8 : memref<!tpu.dma_semaphore, #tpu.memory_space<semaphore_mem>>)
          %mul3A_526 = arith.constant 16 : i32
          %mul3A_527 = arith.muli %add3A_421, %mul3A_526 : i32
          %add3A_528 = arith.constant 8 : i32
          %add3A_529 = arith.addi %mul3A_527, %add3A_528 : i32
          %dma_start3A_530 = arith.constant 800 : i32
          %dma_start3A_531 = arith.constant 0 : i32
          %dma_start3A_532 = tpu.memref_slice %arg6[%dma_start3A_530, %dma_start3A_531] : memref<1600x16xf32, #tpu.memory_space<vmem>> -> memref<100x16xf32, #tpu.memory_space<vmem>>
          %dma_start3A_533 = arith.constant 0 : i32
          %dma_start3A_534 = tpu.memref_slice %arg5[%add3A_529, %dma_start3A_533] : memref<256x100xi32, #tpu.memory_space<vmem>> -> memref<1x100xi32, #tpu.memory_space<vmem>>
          %dma_start3A_535 = tpu.memref_squeeze %dma_start3A_534 : memref<1x100xi32, #tpu.memory_space<vmem>> -> memref<100xi32, #tpu.memory_space<vmem>>
          %dma_start3A_536 = arith.constant 0 : i32
          %dma_start3A_537 = arith.constant 0 : i32
          %dma_start3A_538 = tpu.memref_slice %arg2[%dma_start3A_536, %dma_start3A_537] : memref<100000x16xf32, #tpu.memory_space<hbm>> -> memref<100000x16xf32, #tpu.memory_space<hbm>>
          tpu.enqueue_indirect_dma source(%dma_start3A_538 : memref<100000x16xf32, #tpu.memory_space<hbm>>) target(%dma_start3A_532 : memref<100x16xf32, #tpu.memory_space<vmem>>) offsets(%dma_start3A_535 : memref<100xi32, #tpu.memory_space<vmem>>) semaphore(%arg8 : memref<!tpu.dma_semaphore, #tpu.memory_space<semaphore_mem>>)
          %mul3A_539 = arith.constant 16 : i32
          %mul3A_540 = arith.muli %add3A_421, %mul3A_539 : i32
          %add3A_541 = arith.constant 9 : i32
          %add3A_542 = arith.addi %mul3A_540, %add3A_541 : i32
          %dma_start3A_543 = arith.constant 900 : i32
          %dma_start3A_544 = arith.constant 0 : i32
          %dma_start3A_545 = tpu.memref_slice %arg6[%dma_start3A_543, %dma_start3A_544] : memref<1600x16xf32, #tpu.memory_space<vmem>> -> memref<100x16xf32, #tpu.memory_space<vmem>>
          %dma_start3A_546 = arith.constant 0 : i32
          %dma_start3A_547 = tpu.memref_slice %arg5[%add3A_542, %dma_start3A_546] : memref<256x100xi32, #tpu.memory_space<vmem>> -> memref<1x100xi32, #tpu.memory_space<vmem>>
          %dma_start3A_548 = tpu.memref_squeeze %dma_start3A_547 : memref<1x100xi32, #tpu.memory_space<vmem>> -> memref<100xi32, #tpu.memory_space<vmem>>
          %dma_start3A_549 = arith.constant 0 : i32
          %dma_start3A_550 = arith.constant 0 : i32
          %dma_start3A_551 = tpu.memref_slice %arg2[%dma_start3A_549, %dma_start3A_550] : memref<100000x16xf32, #tpu.memory_space<hbm>> -> memref<100000x16xf32, #tpu.memory_space<hbm>>
          tpu.enqueue_indirect_dma source(%dma_start3A_551 : memref<100000x16xf32, #tpu.memory_space<hbm>>) target(%dma_start3A_545 : memref<100x16xf32, #tpu.memory_space<vmem>>) offsets(%dma_start3A_548 : memref<100xi32, #tpu.memory_space<vmem>>) semaphore(%arg8 : memref<!tpu.dma_semaphore, #tpu.memory_space<semaphore_mem>>)
          %mul3A_552 = arith.constant 16 : i32
          %mul3A_553 = arith.muli %add3A_421, %mul3A_552 : i32
          %add3A_554 = arith.constant 10 : i32
          %add3A_555 = arith.addi %mul3A_553, %add3A_554 : i32
          %dma_start3A_556 = arith.constant 1000 : i32
          %dma_start3A_557 = arith.constant 0 : i32
          %dma_start3A_558 = tpu.memref_slice %arg6[%dma_start3A_556, %dma_start3A_557] : memref<1600x16xf32, #tpu.memory_space<vmem>> -> memref<100x16xf32, #tpu.memory_space<vmem>>
          %dma_start3A_559 = arith.constant 0 : i32
          %dma_start3A_560 = tpu.memref_slice %arg5[%add3A_555, %dma_start3A_559] : memref<256x100xi32, #tpu.memory_space<vmem>> -> memref<1x100xi32, #tpu.memory_space<vmem>>
          %dma_start3A_561 = tpu.memref_squeeze %dma_start3A_560 : memref<1x100xi32, #tpu.memory_space<vmem>> -> memref<100xi32, #tpu.memory_space<vmem>>
          %dma_start3A_562 = arith.constant 0 : i32
          %dma_start3A_563 = arith.constant 0 : i32
          %dma_start3A_564 = tpu.memref_slice %arg2[%dma_start3A_562, %dma_start3A_563] : memref<100000x16xf32, #tpu.memory_space<hbm>> -> memref<100000x16xf32, #tpu.memory_space<hbm>>
          tpu.enqueue_indirect_dma source(%dma_start3A_564 : memref<100000x16xf32, #tpu.memory_space<hbm>>) target(%dma_start3A_558 : memref<100x16xf32, #tpu.memory_space<vmem>>) offsets(%dma_start3A_561 : memref<100xi32, #tpu.memory_space<vmem>>) semaphore(%arg8 : memref<!tpu.dma_semaphore, #tpu.memory_space<semaphore_mem>>)
          %mul3A_565 = arith.constant 16 : i32
          %mul3A_566 = arith.muli %add3A_421, %mul3A_565 : i32
          %add3A_567 = arith.constant 11 : i32
          %add3A_568 = arith.addi %mul3A_566, %add3A_567 : i32
          %dma_start3A_569 = arith.constant 1100 : i32
          %dma_start3A_570 = arith.constant 0 : i32
          %dma_start3A_571 = tpu.memref_slice %arg6[%dma_start3A_569, %dma_start3A_570] : memref<1600x16xf32, #tpu.memory_space<vmem>> -> memref<100x16xf32, #tpu.memory_space<vmem>>
          %dma_start3A_572 = arith.constant 0 : i32
          %dma_start3A_573 = tpu.memref_slice %arg5[%add3A_568, %dma_start3A_572] : memref<256x100xi32, #tpu.memory_space<vmem>> -> memref<1x100xi32, #tpu.memory_space<vmem>>
          %dma_start3A_574 = tpu.memref_squeeze %dma_start3A_573 : memref<1x100xi32, #tpu.memory_space<vmem>> -> memref<100xi32, #tpu.memory_space<vmem>>
          %dma_start3A_575 = arith.constant 0 : i32
          %dma_start3A_576 = arith.constant 0 : i32
          %dma_start3A_577 = tpu.memref_slice %arg2[%dma_start3A_575, %dma_start3A_576] : memref<100000x16xf32, #tpu.memory_space<hbm>> -> memref<100000x16xf32, #tpu.memory_space<hbm>>
          tpu.enqueue_indirect_dma source(%dma_start3A_577 : memref<100000x16xf32, #tpu.memory_space<hbm>>) target(%dma_start3A_571 : memref<100x16xf32, #tpu.memory_space<vmem>>) offsets(%dma_start3A_574 : memref<100xi32, #tpu.memory_space<vmem>>) semaphore(%arg8 : memref<!tpu.dma_semaphore, #tpu.memory_space<semaphore_mem>>)
          %mul3A_578 = arith.constant 16 : i32
          %mul3A_579 = arith.muli %add3A_421, %mul3A_578 : i32
          %add3A_580 = arith.constant 12 : i32
          %add3A_581 = arith.addi %mul3A_579, %add3A_580 : i32
          %dma_start3A_582 = arith.constant 1200 : i32
          %dma_start3A_583 = arith.constant 0 : i32
          %dma_start3A_584 = tpu.memref_slice %arg6[%dma_start3A_582, %dma_start3A_583] : memref<1600x16xf32, #tpu.memory_space<vmem>> -> memref<100x16xf32, #tpu.memory_space<vmem>>
          %dma_start3A_585 = arith.constant 0 : i32
          %dma_start3A_586 = tpu.memref_slice %arg5[%add3A_581, %dma_start3A_585] : memref<256x100xi32, #tpu.memory_space<vmem>> -> memref<1x100xi32, #tpu.memory_space<vmem>>
          %dma_start3A_587 = tpu.memref_squeeze %dma_start3A_586 : memref<1x100xi32, #tpu.memory_space<vmem>> -> memref<100xi32, #tpu.memory_space<vmem>>
          %dma_start3A_588 = arith.constant 0 : i32
          %dma_start3A_589 = arith.constant 0 : i32
          %dma_start3A_590 = tpu.memref_slice %arg2[%dma_start3A_588, %dma_start3A_589] : memref<100000x16xf32, #tpu.memory_space<hbm>> -> memref<100000x16xf32, #tpu.memory_space<hbm>>
          tpu.enqueue_indirect_dma source(%dma_start3A_590 : memref<100000x16xf32, #tpu.memory_space<hbm>>) target(%dma_start3A_584 : memref<100x16xf32, #tpu.memory_space<vmem>>) offsets(%dma_start3A_587 : memref<100xi32, #tpu.memory_space<vmem>>) semaphore(%arg8 : memref<!tpu.dma_semaphore, #tpu.memory_space<semaphore_mem>>)
          %mul3A_591 = arith.constant 16 : i32
          %mul3A_592 = arith.muli %add3A_421, %mul3A_591 : i32
          %add3A_593 = arith.constant 13 : i32
          %add3A_594 = arith.addi %mul3A_592, %add3A_593 : i32
          %dma_start3A_595 = arith.constant 1300 : i32
          %dma_start3A_596 = arith.constant 0 : i32
          %dma_start3A_597 = tpu.memref_slice %arg6[%dma_start3A_595, %dma_start3A_596] : memref<1600x16xf32, #tpu.memory_space<vmem>> -> memref<100x16xf32, #tpu.memory_space<vmem>>
          %dma_start3A_598 = arith.constant 0 : i32
          %dma_start3A_599 = tpu.memref_slice %arg5[%add3A_594, %dma_start3A_598] : memref<256x100xi32, #tpu.memory_space<vmem>> -> memref<1x100xi32, #tpu.memory_space<vmem>>
          %dma_start3A_600 = tpu.memref_squeeze %dma_start3A_599 : memref<1x100xi32, #tpu.memory_space<vmem>> -> memref<100xi32, #tpu.memory_space<vmem>>
          %dma_start3A_601 = arith.constant 0 : i32
          %dma_start3A_602 = arith.constant 0 : i32
          %dma_start3A_603 = tpu.memref_slice %arg2[%dma_start3A_601, %dma_start3A_602] : memref<100000x16xf32, #tpu.memory_space<hbm>> -> memref<100000x16xf32, #tpu.memory_space<hbm>>
          tpu.enqueue_indirect_dma source(%dma_start3A_603 : memref<100000x16xf32, #tpu.memory_space<hbm>>) target(%dma_start3A_597 : memref<100x16xf32, #tpu.memory_space<vmem>>) offsets(%dma_start3A_600 : memref<100xi32, #tpu.memory_space<vmem>>) semaphore(%arg8 : memref<!tpu.dma_semaphore, #tpu.memory_space<semaphore_mem>>)
          %mul3A_604 = arith.constant 16 : i32
          %mul3A_605 = arith.muli %add3A_421, %mul3A_604 : i32
          %add3A_606 = arith.constant 14 : i32
          %add3A_607 = arith.addi %mul3A_605, %add3A_606 : i32
          %dma_start3A_608 = arith.constant 1400 : i32
          %dma_start3A_609 = arith.constant 0 : i32
          %dma_start3A_610 = tpu.memref_slice %arg6[%dma_start3A_608, %dma_start3A_609] : memref<1600x16xf32, #tpu.memory_space<vmem>> -> memref<100x16xf32, #tpu.memory_space<vmem>>
          %dma_start3A_611 = arith.constant 0 : i32
          %dma_start3A_612 = tpu.memref_slice %arg5[%add3A_607, %dma_start3A_611] : memref<256x100xi32, #tpu.memory_space<vmem>> -> memref<1x100xi32, #tpu.memory_space<vmem>>
          %dma_start3A_613 = tpu.memref_squeeze %dma_start3A_612 : memref<1x100xi32, #tpu.memory_space<vmem>> -> memref<100xi32, #tpu.memory_space<vmem>>
          %dma_start3A_614 = arith.constant 0 : i32
          %dma_start3A_615 = arith.constant 0 : i32
          %dma_start3A_616 = tpu.memref_slice %arg2[%dma_start3A_614, %dma_start3A_615] : memref<100000x16xf32, #tpu.memory_space<hbm>> -> memref<100000x16xf32, #tpu.memory_space<hbm>>
          tpu.enqueue_indirect_dma source(%dma_start3A_616 : memref<100000x16xf32, #tpu.memory_space<hbm>>) target(%dma_start3A_610 : memref<100x16xf32, #tpu.memory_space<vmem>>) offsets(%dma_start3A_613 : memref<100xi32, #tpu.memory_space<vmem>>) semaphore(%arg8 : memref<!tpu.dma_semaphore, #tpu.memory_space<semaphore_mem>>)
          %mul3A_617 = arith.constant 16 : i32
          %mul3A_618 = arith.muli %add3A_421, %mul3A_617 : i32
          %add3A_619 = arith.constant 15 : i32
          %add3A_620 = arith.addi %mul3A_618, %add3A_619 : i32
          %dma_start3A_621 = arith.constant 1500 : i32
          %dma_start3A_622 = arith.constant 0 : i32
          %dma_start3A_623 = tpu.memref_slice %arg6[%dma_start3A_621, %dma_start3A_622] : memref<1600x16xf32, #tpu.memory_space<vmem>> -> memref<100x16xf32, #tpu.memory_space<vmem>>
          %dma_start3A_624 = arith.constant 0 : i32
          %dma_start3A_625 = tpu.memref_slice %arg5[%add3A_620, %dma_start3A_624] : memref<256x100xi32, #tpu.memory_space<vmem>> -> memref<1x100xi32, #tpu.memory_space<vmem>>
          %dma_start3A_626 = tpu.memref_squeeze %dma_start3A_625 : memref<1x100xi32, #tpu.memory_space<vmem>> -> memref<100xi32, #tpu.memory_space<vmem>>
          %dma_start3A_627 = arith.constant 0 : i32
          %dma_start3A_628 = arith.constant 0 : i32
          %dma_start3A_629 = tpu.memref_slice %arg2[%dma_start3A_627, %dma_start3A_628] : memref<100000x16xf32, #tpu.memory_space<hbm>> -> memref<100000x16xf32, #tpu.memory_space<hbm>>
          tpu.enqueue_indirect_dma source(%dma_start3A_629 : memref<100000x16xf32, #tpu.memory_space<hbm>>) target(%dma_start3A_623 : memref<100x16xf32, #tpu.memory_space<vmem>>) offsets(%dma_start3A_626 : memref<100xi32, #tpu.memory_space<vmem>>) semaphore(%arg8 : memref<!tpu.dma_semaphore, #tpu.memory_space<semaphore_mem>>)
        } else {
        }
        %mul3A_208 = arith.constant 16 : i32
        %mul3A_209 = arith.muli %scan3A_167, %mul3A_208 : i32
        %add3A_210 = arith.constant 0 : i32
        %add3A_211 = arith.addi %mul3A_209, %add3A_210 : i32
        %dma_wait3A = arith.constant 0 : i32
        %dma_wait3A_212 = arith.constant 0 : i32
        %dma_wait3A_213 = tpu.memref_slice %arg7[%dma_wait3A, %dma_wait3A_212] : memref<1600x16xf32, #tpu.memory_space<vmem>> -> memref<100x16xf32, #tpu.memory_space<vmem>>
        %dma_wait3A_214 = arith.constant 0 : i32
        %dma_wait3A_215 = tpu.memref_slice %arg5[%add3A_211, %dma_wait3A_214] : memref<256x100xi32, #tpu.memory_space<vmem>> -> memref<1x100xi32, #tpu.memory_space<vmem>>
        %dma_wait3A_216 = tpu.memref_squeeze %dma_wait3A_215 : memref<1x100xi32, #tpu.memory_space<vmem>> -> memref<100xi32, #tpu.memory_space<vmem>>
        %dma_wait3A_217 = arith.constant 0 : i32
        %dma_wait3A_218 = arith.constant 0 : i32
        %dma_wait3A_219 = tpu.memref_slice %arg2[%dma_wait3A_217, %dma_wait3A_218] : memref<100000x16xf32, #tpu.memory_space<hbm>> -> memref<100000x16xf32, #tpu.memory_space<hbm>>
        tpu.wait_indirect_dma semaphore(%arg9 : memref<!tpu.dma_semaphore, #tpu.memory_space<semaphore_mem>>) src(%dma_wait3A_219 : memref<100000x16xf32, #tpu.memory_space<hbm>>) dst(%dma_wait3A_213 : memref<100x16xf32, #tpu.memory_space<vmem>>)
        %mul3A_220 = arith.constant 16 : i32
        %mul3A_221 = arith.muli %scan3A_167, %mul3A_220 : i32
        %add3A_222 = arith.constant 1 : i32
        %add3A_223 = arith.addi %mul3A_221, %add3A_222 : i32
        %dma_wait3A_224 = arith.constant 100 : i32
        %dma_wait3A_225 = arith.constant 0 : i32
        %dma_wait3A_226 = tpu.memref_slice %arg7[%dma_wait3A_224, %dma_wait3A_225] : memref<1600x16xf32, #tpu.memory_space<vmem>> -> memref<100x16xf32, #tpu.memory_space<vmem>>
        %dma_wait3A_227 = arith.constant 0 : i32
        %dma_wait3A_228 = tpu.memref_slice %arg5[%add3A_223, %dma_wait3A_227] : memref<256x100xi32, #tpu.memory_space<vmem>> -> memref<1x100xi32, #tpu.memory_space<vmem>>
        %dma_wait3A_229 = tpu.memref_squeeze %dma_wait3A_228 : memref<1x100xi32, #tpu.memory_space<vmem>> -> memref<100xi32, #tpu.memory_space<vmem>>
        %dma_wait3A_230 = arith.constant 0 : i32
        %dma_wait3A_231 = arith.constant 0 : i32
        %dma_wait3A_232 = tpu.memref_slice %arg2[%dma_wait3A_230, %dma_wait3A_231] : memref<100000x16xf32, #tpu.memory_space<hbm>> -> memref<100000x16xf32, #tpu.memory_space<hbm>>
        tpu.wait_indirect_dma semaphore(%arg9 : memref<!tpu.dma_semaphore, #tpu.memory_space<semaphore_mem>>) src(%dma_wait3A_232 : memref<100000x16xf32, #tpu.memory_space<hbm>>) dst(%dma_wait3A_226 : memref<100x16xf32, #tpu.memory_space<vmem>>)
        %mul3A_233 = arith.constant 16 : i32
        %mul3A_234 = arith.muli %scan3A_167, %mul3A_233 : i32
        %add3A_235 = arith.constant 2 : i32
        %add3A_236 = arith.addi %mul3A_234, %add3A_235 : i32
        %dma_wait3A_237 = arith.constant 200 : i32
        %dma_wait3A_238 = arith.constant 0 : i32
        %dma_wait3A_239 = tpu.memref_slice %arg7[%dma_wait3A_237, %dma_wait3A_238] : memref<1600x16xf32, #tpu.memory_space<vmem>> -> memref<100x16xf32, #tpu.memory_space<vmem>>
        %dma_wait3A_240 = arith.constant 0 : i32
        %dma_wait3A_241 = tpu.memref_slice %arg5[%add3A_236, %dma_wait3A_240] : memref<256x100xi32, #tpu.memory_space<vmem>> -> memref<1x100xi32, #tpu.memory_space<vmem>>
        %dma_wait3A_242 = tpu.memref_squeeze %dma_wait3A_241 : memref<1x100xi32, #tpu.memory_space<vmem>> -> memref<100xi32, #tpu.memory_space<vmem>>
        %dma_wait3A_243 = arith.constant 0 : i32
        %dma_wait3A_244 = arith.constant 0 : i32
        %dma_wait3A_245 = tpu.memref_slice %arg2[%dma_wait3A_243, %dma_wait3A_244] : memref<100000x16xf32, #tpu.memory_space<hbm>> -> memref<100000x16xf32, #tpu.memory_space<hbm>>
        tpu.wait_indirect_dma semaphore(%arg9 : memref<!tpu.dma_semaphore, #tpu.memory_space<semaphore_mem>>) src(%dma_wait3A_245 : memref<100000x16xf32, #tpu.memory_space<hbm>>) dst(%dma_wait3A_239 : memref<100x16xf32, #tpu.memory_space<vmem>>)
        %mul3A_246 = arith.constant 16 : i32
        %mul3A_247 = arith.muli %scan3A_167, %mul3A_246 : i32
        %add3A_248 = arith.constant 3 : i32
        %add3A_249 = arith.addi %mul3A_247, %add3A_248 : i32
        %dma_wait3A_250 = arith.constant 300 : i32
        %dma_wait3A_251 = arith.constant 0 : i32
        %dma_wait3A_252 = tpu.memref_slice %arg7[%dma_wait3A_250, %dma_wait3A_251] : memref<1600x16xf32, #tpu.memory_space<vmem>> -> memref<100x16xf32, #tpu.memory_space<vmem>>
        %dma_wait3A_253 = arith.constant 0 : i32
        %dma_wait3A_254 = tpu.memref_slice %arg5[%add3A_249, %dma_wait3A_253] : memref<256x100xi32, #tpu.memory_space<vmem>> -> memref<1x100xi32, #tpu.memory_space<vmem>>
        %dma_wait3A_255 = tpu.memref_squeeze %dma_wait3A_254 : memref<1x100xi32, #tpu.memory_space<vmem>> -> memref<100xi32, #tpu.memory_space<vmem>>
        %dma_wait3A_256 = arith.constant 0 : i32
        %dma_wait3A_257 = arith.constant 0 : i32
        %dma_wait3A_258 = tpu.memref_slice %arg2[%dma_wait3A_256, %dma_wait3A_257] : memref<100000x16xf32, #tpu.memory_space<hbm>> -> memref<100000x16xf32, #tpu.memory_space<hbm>>
        tpu.wait_indirect_dma semaphore(%arg9 : memref<!tpu.dma_semaphore, #tpu.memory_space<semaphore_mem>>) src(%dma_wait3A_258 : memref<100000x16xf32, #tpu.memory_space<hbm>>) dst(%dma_wait3A_252 : memref<100x16xf32, #tpu.memory_space<vmem>>)
        %mul3A_259 = arith.constant 16 : i32
        %mul3A_260 = arith.muli %scan3A_167, %mul3A_259 : i32
        %add3A_261 = arith.constant 4 : i32
        %add3A_262 = arith.addi %mul3A_260, %add3A_261 : i32
        %dma_wait3A_263 = arith.constant 400 : i32
        %dma_wait3A_264 = arith.constant 0 : i32
        %dma_wait3A_265 = tpu.memref_slice %arg7[%dma_wait3A_263, %dma_wait3A_264] : memref<1600x16xf32, #tpu.memory_space<vmem>> -> memref<100x16xf32, #tpu.memory_space<vmem>>
        %dma_wait3A_266 = arith.constant 0 : i32
        %dma_wait3A_267 = tpu.memref_slice %arg5[%add3A_262, %dma_wait3A_266] : memref<256x100xi32, #tpu.memory_space<vmem>> -> memref<1x100xi32, #tpu.memory_space<vmem>>
        %dma_wait3A_268 = tpu.memref_squeeze %dma_wait3A_267 : memref<1x100xi32, #tpu.memory_space<vmem>> -> memref<100xi32, #tpu.memory_space<vmem>>
        %dma_wait3A_269 = arith.constant 0 : i32
        %dma_wait3A_270 = arith.constant 0 : i32
        %dma_wait3A_271 = tpu.memref_slice %arg2[%dma_wait3A_269, %dma_wait3A_270] : memref<100000x16xf32, #tpu.memory_space<hbm>> -> memref<100000x16xf32, #tpu.memory_space<hbm>>
        tpu.wait_indirect_dma semaphore(%arg9 : memref<!tpu.dma_semaphore, #tpu.memory_space<semaphore_mem>>) src(%dma_wait3A_271 : memref<100000x16xf32, #tpu.memory_space<hbm>>) dst(%dma_wait3A_265 : memref<100x16xf32, #tpu.memory_space<vmem>>)
        %mul3A_272 = arith.constant 16 : i32
        %mul3A_273 = arith.muli %scan3A_167, %mul3A_272 : i32
        %add3A_274 = arith.constant 5 : i32
        %add3A_275 = arith.addi %mul3A_273, %add3A_274 : i32
        %dma_wait3A_276 = arith.constant 500 : i32
        %dma_wait3A_277 = arith.constant 0 : i32
        %dma_wait3A_278 = tpu.memref_slice %arg7[%dma_wait3A_276, %dma_wait3A_277] : memref<1600x16xf32, #tpu.memory_space<vmem>> -> memref<100x16xf32, #tpu.memory_space<vmem>>
        %dma_wait3A_279 = arith.constant 0 : i32
        %dma_wait3A_280 = tpu.memref_slice %arg5[%add3A_275, %dma_wait3A_279] : memref<256x100xi32, #tpu.memory_space<vmem>> -> memref<1x100xi32, #tpu.memory_space<vmem>>
        %dma_wait3A_281 = tpu.memref_squeeze %dma_wait3A_280 : memref<1x100xi32, #tpu.memory_space<vmem>> -> memref<100xi32, #tpu.memory_space<vmem>>
        %dma_wait3A_282 = arith.constant 0 : i32
        %dma_wait3A_283 = arith.constant 0 : i32
        %dma_wait3A_284 = tpu.memref_slice %arg2[%dma_wait3A_282, %dma_wait3A_283] : memref<100000x16xf32, #tpu.memory_space<hbm>> -> memref<100000x16xf32, #tpu.memory_space<hbm>>
        tpu.wait_indirect_dma semaphore(%arg9 : memref<!tpu.dma_semaphore, #tpu.memory_space<semaphore_mem>>) src(%dma_wait3A_284 : memref<100000x16xf32, #tpu.memory_space<hbm>>) dst(%dma_wait3A_278 : memref<100x16xf32, #tpu.memory_space<vmem>>)
        %mul3A_285 = arith.constant 16 : i32
        %mul3A_286 = arith.muli %scan3A_167, %mul3A_285 : i32
        %add3A_287 = arith.constant 6 : i32
        %add3A_288 = arith.addi %mul3A_286, %add3A_287 : i32
        %dma_wait3A_289 = arith.constant 600 : i32
        %dma_wait3A_290 = arith.constant 0 : i32
        %dma_wait3A_291 = tpu.memref_slice %arg7[%dma_wait3A_289, %dma_wait3A_290] : memref<1600x16xf32, #tpu.memory_space<vmem>> -> memref<100x16xf32, #tpu.memory_space<vmem>>
        %dma_wait3A_292 = arith.constant 0 : i32
        %dma_wait3A_293 = tpu.memref_slice %arg5[%add3A_288, %dma_wait3A_292] : memref<256x100xi32, #tpu.memory_space<vmem>> -> memref<1x100xi32, #tpu.memory_space<vmem>>
        %dma_wait3A_294 = tpu.memref_squeeze %dma_wait3A_293 : memref<1x100xi32, #tpu.memory_space<vmem>> -> memref<100xi32, #tpu.memory_space<vmem>>
        %dma_wait3A_295 = arith.constant 0 : i32
        %dma_wait3A_296 = arith.constant 0 : i32
        %dma_wait3A_297 = tpu.memref_slice %arg2[%dma_wait3A_295, %dma_wait3A_296] : memref<100000x16xf32, #tpu.memory_space<hbm>> -> memref<100000x16xf32, #tpu.memory_space<hbm>>
        tpu.wait_indirect_dma semaphore(%arg9 : memref<!tpu.dma_semaphore, #tpu.memory_space<semaphore_mem>>) src(%dma_wait3A_297 : memref<100000x16xf32, #tpu.memory_space<hbm>>) dst(%dma_wait3A_291 : memref<100x16xf32, #tpu.memory_space<vmem>>)
        %mul3A_298 = arith.constant 16 : i32
        %mul3A_299 = arith.muli %scan3A_167, %mul3A_298 : i32
        %add3A_300 = arith.constant 7 : i32
        %add3A_301 = arith.addi %mul3A_299, %add3A_300 : i32
        %dma_wait3A_302 = arith.constant 700 : i32
        %dma_wait3A_303 = arith.constant 0 : i32
        %dma_wait3A_304 = tpu.memref_slice %arg7[%dma_wait3A_302, %dma_wait3A_303] : memref<1600x16xf32, #tpu.memory_space<vmem>> -> memref<100x16xf32, #tpu.memory_space<vmem>>
        %dma_wait3A_305 = arith.constant 0 : i32
        %dma_wait3A_306 = tpu.memref_slice %arg5[%add3A_301, %dma_wait3A_305] : memref<256x100xi32, #tpu.memory_space<vmem>> -> memref<1x100xi32, #tpu.memory_space<vmem>>
        %dma_wait3A_307 = tpu.memref_squeeze %dma_wait3A_306 : memref<1x100xi32, #tpu.memory_space<vmem>> -> memref<100xi32, #tpu.memory_space<vmem>>
        %dma_wait3A_308 = arith.constant 0 : i32
        %dma_wait3A_309 = arith.constant 0 : i32
        %dma_wait3A_310 = tpu.memref_slice %arg2[%dma_wait3A_308, %dma_wait3A_309] : memref<100000x16xf32, #tpu.memory_space<hbm>> -> memref<100000x16xf32, #tpu.memory_space<hbm>>
        tpu.wait_indirect_dma semaphore(%arg9 : memref<!tpu.dma_semaphore, #tpu.memory_space<semaphore_mem>>) src(%dma_wait3A_310 : memref<100000x16xf32, #tpu.memory_space<hbm>>) dst(%dma_wait3A_304 : memref<100x16xf32, #tpu.memory_space<vmem>>)
        %mul3A_311 = arith.constant 16 : i32
        %mul3A_312 = arith.muli %scan3A_167, %mul3A_311 : i32
        %add3A_313 = arith.constant 8 : i32
        %add3A_314 = arith.addi %mul3A_312, %add3A_313 : i32
        %dma_wait3A_315 = arith.constant 800 : i32
        %dma_wait3A_316 = arith.constant 0 : i32
        %dma_wait3A_317 = tpu.memref_slice %arg7[%dma_wait3A_315, %dma_wait3A_316] : memref<1600x16xf32, #tpu.memory_space<vmem>> -> memref<100x16xf32, #tpu.memory_space<vmem>>
        %dma_wait3A_318 = arith.constant 0 : i32
        %dma_wait3A_319 = tpu.memref_slice %arg5[%add3A_314, %dma_wait3A_318] : memref<256x100xi32, #tpu.memory_space<vmem>> -> memref<1x100xi32, #tpu.memory_space<vmem>>
        %dma_wait3A_320 = tpu.memref_squeeze %dma_wait3A_319 : memref<1x100xi32, #tpu.memory_space<vmem>> -> memref<100xi32, #tpu.memory_space<vmem>>
        %dma_wait3A_321 = arith.constant 0 : i32
        %dma_wait3A_322 = arith.constant 0 : i32
        %dma_wait3A_323 = tpu.memref_slice %arg2[%dma_wait3A_321, %dma_wait3A_322] : memref<100000x16xf32, #tpu.memory_space<hbm>> -> memref<100000x16xf32, #tpu.memory_space<hbm>>
        tpu.wait_indirect_dma semaphore(%arg9 : memref<!tpu.dma_semaphore, #tpu.memory_space<semaphore_mem>>) src(%dma_wait3A_323 : memref<100000x16xf32, #tpu.memory_space<hbm>>) dst(%dma_wait3A_317 : memref<100x16xf32, #tpu.memory_space<vmem>>)
        %mul3A_324 = arith.constant 16 : i32
        %mul3A_325 = arith.muli %scan3A_167, %mul3A_324 : i32
        %add3A_326 = arith.constant 9 : i32
        %add3A_327 = arith.addi %mul3A_325, %add3A_326 : i32
        %dma_wait3A_328 = arith.constant 900 : i32
        %dma_wait3A_329 = arith.constant 0 : i32
        %dma_wait3A_330 = tpu.memref_slice %arg7[%dma_wait3A_328, %dma_wait3A_329] : memref<1600x16xf32, #tpu.memory_space<vmem>> -> memref<100x16xf32, #tpu.memory_space<vmem>>
        %dma_wait3A_331 = arith.constant 0 : i32
        %dma_wait3A_332 = tpu.memref_slice %arg5[%add3A_327, %dma_wait3A_331] : memref<256x100xi32, #tpu.memory_space<vmem>> -> memref<1x100xi32, #tpu.memory_space<vmem>>
        %dma_wait3A_333 = tpu.memref_squeeze %dma_wait3A_332 : memref<1x100xi32, #tpu.memory_space<vmem>> -> memref<100xi32, #tpu.memory_space<vmem>>
        %dma_wait3A_334 = arith.constant 0 : i32
        %dma_wait3A_335 = arith.constant 0 : i32
        %dma_wait3A_336 = tpu.memref_slice %arg2[%dma_wait3A_334, %dma_wait3A_335] : memref<100000x16xf32, #tpu.memory_space<hbm>> -> memref<100000x16xf32, #tpu.memory_space<hbm>>
        tpu.wait_indirect_dma semaphore(%arg9 : memref<!tpu.dma_semaphore, #tpu.memory_space<semaphore_mem>>) src(%dma_wait3A_336 : memref<100000x16xf32, #tpu.memory_space<hbm>>) dst(%dma_wait3A_330 : memref<100x16xf32, #tpu.memory_space<vmem>>)
        %mul3A_337 = arith.constant 16 : i32
        %mul3A_338 = arith.muli %scan3A_167, %mul3A_337 : i32
        %add3A_339 = arith.constant 10 : i32
        %add3A_340 = arith.addi %mul3A_338, %add3A_339 : i32
        %dma_wait3A_341 = arith.constant 1000 : i32
        %dma_wait3A_342 = arith.constant 0 : i32
        %dma_wait3A_343 = tpu.memref_slice %arg7[%dma_wait3A_341, %dma_wait3A_342] : memref<1600x16xf32, #tpu.memory_space<vmem>> -> memref<100x16xf32, #tpu.memory_space<vmem>>
        %dma_wait3A_344 = arith.constant 0 : i32
        %dma_wait3A_345 = tpu.memref_slice %arg5[%add3A_340, %dma_wait3A_344] : memref<256x100xi32, #tpu.memory_space<vmem>> -> memref<1x100xi32, #tpu.memory_space<vmem>>
        %dma_wait3A_346 = tpu.memref_squeeze %dma_wait3A_345 : memref<1x100xi32, #tpu.memory_space<vmem>> -> memref<100xi32, #tpu.memory_space<vmem>>
        %dma_wait3A_347 = arith.constant 0 : i32
        %dma_wait3A_348 = arith.constant 0 : i32
        %dma_wait3A_349 = tpu.memref_slice %arg2[%dma_wait3A_347, %dma_wait3A_348] : memref<100000x16xf32, #tpu.memory_space<hbm>> -> memref<100000x16xf32, #tpu.memory_space<hbm>>
        tpu.wait_indirect_dma semaphore(%arg9 : memref<!tpu.dma_semaphore, #tpu.memory_space<semaphore_mem>>) src(%dma_wait3A_349 : memref<100000x16xf32, #tpu.memory_space<hbm>>) dst(%dma_wait3A_343 : memref<100x16xf32, #tpu.memory_space<vmem>>)
        %mul3A_350 = arith.constant 16 : i32
        %mul3A_351 = arith.muli %scan3A_167, %mul3A_350 : i32
        %add3A_352 = arith.constant 11 : i32
        %add3A_353 = arith.addi %mul3A_351, %add3A_352 : i32
        %dma_wait3A_354 = arith.constant 1100 : i32
        %dma_wait3A_355 = arith.constant 0 : i32
        %dma_wait3A_356 = tpu.memref_slice %arg7[%dma_wait3A_354, %dma_wait3A_355] : memref<1600x16xf32, #tpu.memory_space<vmem>> -> memref<100x16xf32, #tpu.memory_space<vmem>>
        %dma_wait3A_357 = arith.constant 0 : i32
        %dma_wait3A_358 = tpu.memref_slice %arg5[%add3A_353, %dma_wait3A_357] : memref<256x100xi32, #tpu.memory_space<vmem>> -> memref<1x100xi32, #tpu.memory_space<vmem>>
        %dma_wait3A_359 = tpu.memref_squeeze %dma_wait3A_358 : memref<1x100xi32, #tpu.memory_space<vmem>> -> memref<100xi32, #tpu.memory_space<vmem>>
        %dma_wait3A_360 = arith.constant 0 : i32
        %dma_wait3A_361 = arith.constant 0 : i32
        %dma_wait3A_362 = tpu.memref_slice %arg2[%dma_wait3A_360, %dma_wait3A_361] : memref<100000x16xf32, #tpu.memory_space<hbm>> -> memref<100000x16xf32, #tpu.memory_space<hbm>>
        tpu.wait_indirect_dma semaphore(%arg9 : memref<!tpu.dma_semaphore, #tpu.memory_space<semaphore_mem>>) src(%dma_wait3A_362 : memref<100000x16xf32, #tpu.memory_space<hbm>>) dst(%dma_wait3A_356 : memref<100x16xf32, #tpu.memory_space<vmem>>)
        %mul3A_363 = arith.constant 16 : i32
        %mul3A_364 = arith.muli %scan3A_167, %mul3A_363 : i32
        %add3A_365 = arith.constant 12 : i32
        %add3A_366 = arith.addi %mul3A_364, %add3A_365 : i32
        %dma_wait3A_367 = arith.constant 1200 : i32
        %dma_wait3A_368 = arith.constant 0 : i32
        %dma_wait3A_369 = tpu.memref_slice %arg7[%dma_wait3A_367, %dma_wait3A_368] : memref<1600x16xf32, #tpu.memory_space<vmem>> -> memref<100x16xf32, #tpu.memory_space<vmem>>
        %dma_wait3A_370 = arith.constant 0 : i32
        %dma_wait3A_371 = tpu.memref_slice %arg5[%add3A_366, %dma_wait3A_370] : memref<256x100xi32, #tpu.memory_space<vmem>> -> memref<1x100xi32, #tpu.memory_space<vmem>>
        %dma_wait3A_372 = tpu.memref_squeeze %dma_wait3A_371 : memref<1x100xi32, #tpu.memory_space<vmem>> -> memref<100xi32, #tpu.memory_space<vmem>>
        %dma_wait3A_373 = arith.constant 0 : i32
        %dma_wait3A_374 = arith.constant 0 : i32
        %dma_wait3A_375 = tpu.memref_slice %arg2[%dma_wait3A_373, %dma_wait3A_374] : memref<100000x16xf32, #tpu.memory_space<hbm>> -> memref<100000x16xf32, #tpu.memory_space<hbm>>
        tpu.wait_indirect_dma semaphore(%arg9 : memref<!tpu.dma_semaphore, #tpu.memory_space<semaphore_mem>>) src(%dma_wait3A_375 : memref<100000x16xf32, #tpu.memory_space<hbm>>) dst(%dma_wait3A_369 : memref<100x16xf32, #tpu.memory_space<vmem>>)
        %mul3A_376 = arith.constant 16 : i32
        %mul3A_377 = arith.muli %scan3A_167, %mul3A_376 : i32
        %add3A_378 = arith.constant 13 : i32
        %add3A_379 = arith.addi %mul3A_377, %add3A_378 : i32
        %dma_wait3A_380 = arith.constant 1300 : i32
        %dma_wait3A_381 = arith.constant 0 : i32
        %dma_wait3A_382 = tpu.memref_slice %arg7[%dma_wait3A_380, %dma_wait3A_381] : memref<1600x16xf32, #tpu.memory_space<vmem>> -> memref<100x16xf32, #tpu.memory_space<vmem>>
        %dma_wait3A_383 = arith.constant 0 : i32
        %dma_wait3A_384 = tpu.memref_slice %arg5[%add3A_379, %dma_wait3A_383] : memref<256x100xi32, #tpu.memory_space<vmem>> -> memref<1x100xi32, #tpu.memory_space<vmem>>
        %dma_wait3A_385 = tpu.memref_squeeze %dma_wait3A_384 : memref<1x100xi32, #tpu.memory_space<vmem>> -> memref<100xi32, #tpu.memory_space<vmem>>
        %dma_wait3A_386 = arith.constant 0 : i32
        %dma_wait3A_387 = arith.constant 0 : i32
        %dma_wait3A_388 = tpu.memref_slice %arg2[%dma_wait3A_386, %dma_wait3A_387] : memref<100000x16xf32, #tpu.memory_space<hbm>> -> memref<100000x16xf32, #tpu.memory_space<hbm>>
        tpu.wait_indirect_dma semaphore(%arg9 : memref<!tpu.dma_semaphore, #tpu.memory_space<semaphore_mem>>) src(%dma_wait3A_388 : memref<100000x16xf32, #tpu.memory_space<hbm>>) dst(%dma_wait3A_382 : memref<100x16xf32, #tpu.memory_space<vmem>>)
        %mul3A_389 = arith.constant 16 : i32
        %mul3A_390 = arith.muli %scan3A_167, %mul3A_389 : i32
        %add3A_391 = arith.constant 14 : i32
        %add3A_392 = arith.addi %mul3A_390, %add3A_391 : i32
        %dma_wait3A_393 = arith.constant 1400 : i32
        %dma_wait3A_394 = arith.constant 0 : i32
        %dma_wait3A_395 = tpu.memref_slice %arg7[%dma_wait3A_393, %dma_wait3A_394] : memref<1600x16xf32, #tpu.memory_space<vmem>> -> memref<100x16xf32, #tpu.memory_space<vmem>>
        %dma_wait3A_396 = arith.constant 0 : i32
        %dma_wait3A_397 = tpu.memref_slice %arg5[%add3A_392, %dma_wait3A_396] : memref<256x100xi32, #tpu.memory_space<vmem>> -> memref<1x100xi32, #tpu.memory_space<vmem>>
        %dma_wait3A_398 = tpu.memref_squeeze %dma_wait3A_397 : memref<1x100xi32, #tpu.memory_space<vmem>> -> memref<100xi32, #tpu.memory_space<vmem>>
        %dma_wait3A_399 = arith.constant 0 : i32
        %dma_wait3A_400 = arith.constant 0 : i32
        %dma_wait3A_401 = tpu.memref_slice %arg2[%dma_wait3A_399, %dma_wait3A_400] : memref<100000x16xf32, #tpu.memory_space<hbm>> -> memref<100000x16xf32, #tpu.memory_space<hbm>>
        tpu.wait_indirect_dma semaphore(%arg9 : memref<!tpu.dma_semaphore, #tpu.memory_space<semaphore_mem>>) src(%dma_wait3A_401 : memref<100000x16xf32, #tpu.memory_space<hbm>>) dst(%dma_wait3A_395 : memref<100x16xf32, #tpu.memory_space<vmem>>)
        %mul3A_402 = arith.constant 16 : i32
        %mul3A_403 = arith.muli %scan3A_167, %mul3A_402 : i32
        %add3A_404 = arith.constant 15 : i32
        %add3A_405 = arith.addi %mul3A_403, %add3A_404 : i32
        %dma_wait3A_406 = arith.constant 1500 : i32
        %dma_wait3A_407 = arith.constant 0 : i32
        %dma_wait3A_408 = tpu.memref_slice %arg7[%dma_wait3A_406, %dma_wait3A_407] : memref<1600x16xf32, #tpu.memory_space<vmem>> -> memref<100x16xf32, #tpu.memory_space<vmem>>
        %dma_wait3A_409 = arith.constant 0 : i32
        %dma_wait3A_410 = tpu.memref_slice %arg5[%add3A_405, %dma_wait3A_409] : memref<256x100xi32, #tpu.memory_space<vmem>> -> memref<1x100xi32, #tpu.memory_space<vmem>>
        %dma_wait3A_411 = tpu.memref_squeeze %dma_wait3A_410 : memref<1x100xi32, #tpu.memory_space<vmem>> -> memref<100xi32, #tpu.memory_space<vmem>>
        %dma_wait3A_412 = arith.constant 0 : i32
        %dma_wait3A_413 = arith.constant 0 : i32
        %dma_wait3A_414 = tpu.memref_slice %arg2[%dma_wait3A_412, %dma_wait3A_413] : memref<100000x16xf32, #tpu.memory_space<hbm>> -> memref<100000x16xf32, #tpu.memory_space<hbm>>
        tpu.wait_indirect_dma semaphore(%arg9 : memref<!tpu.dma_semaphore, #tpu.memory_space<semaphore_mem>>) src(%dma_wait3A_414 : memref<100000x16xf32, #tpu.memory_space<hbm>>) dst(%dma_wait3A_408 : memref<100x16xf32, #tpu.memory_space<vmem>>)
        %mul3A_415 = arith.constant 16 : i32
        %mul3A_416 = arith.muli %scan3A_167, %mul3A_415 : i32
        %add3A_417 = arith.addi %mul3A_2, %mul3A_416 : i32
        %mul3A_418 = arith.constant 100 : i32
        %mul3A_419 = arith.muli %add3A_417, %mul3A_418 : i32
        "tpu.region"() ({
          %run_scoped3A = tpu.sem_alloc : memref<!tpu.dma_semaphore, #tpu.memory_space<semaphore_mem>>
          %dma_start3A_420 = arith.constant 0 : i32
          %dma_start3A_421 = tpu.memref_slice %arg4[%mul3A_419, %dma_start3A_420] : memref<819200x16xf32, #tpu.memory_space<hbm>> -> memref<1600x16xf32, #tpu.memory_space<hbm>>
          %dma_start3A_422 = arith.constant 0 : i32
          %dma_start3A_423 = tpu.memref_slice %arg4[%mul3A_419, %dma_start3A_422] : memref<819200x16xf32, #tpu.memory_space<hbm>> -> memref<1600x16xf32, #tpu.memory_space<hbm>>
          tpu.enqueue_dma source(%arg7 : memref<1600x16xf32, #tpu.memory_space<vmem>>) target(%dma_start3A_423 : memref<1600x16xf32, #tpu.memory_space<hbm>>) target_semaphore(%run_scoped3A : memref<!tpu.dma_semaphore, #tpu.memory_space<semaphore_mem>>)
          %dma_wait3A_424 = arith.constant 0 : i32
          %dma_wait3A_425 = tpu.memref_slice %arg4[%mul3A_419, %dma_wait3A_424] : memref<819200x16xf32, #tpu.memory_space<hbm>> -> memref<1600x16xf32, #tpu.memory_space<hbm>>
          %dma_wait3A_426 = arith.constant 0 : i32
          %dma_wait3A_427 = tpu.memref_slice %arg4[%mul3A_419, %dma_wait3A_426] : memref<819200x16xf32, #tpu.memory_space<hbm>> -> memref<1600x16xf32, #tpu.memory_space<hbm>>
          tpu.wait_dma2 semaphore(%run_scoped3A : memref<!tpu.dma_semaphore, #tpu.memory_space<semaphore_mem>>) src(%arg7 : memref<1600x16xf32, #tpu.memory_space<vmem>>) dst(%dma_wait3A_427 : memref<1600x16xf32, #tpu.memory_space<hbm>>)
          tpu.yield
        }) : () -> ()
      } else {
      }
    }
    %scan3A_166 = arith.constant 16 : i32
    return
  }
}

module attributes {stable_mosaic.version = 14 : i64} {
  func.func @_mm_body(%arg0: i32, %arg1: memref<512x1600xf32, #tpu.memory_space<vmem>>, %arg2: memref<1600x128xbf16, #tpu.memory_space<vmem>>, %arg3: memref<1x128xf32, #tpu.memory_space<vmem>>, %arg4: memref<512x128xf32, #tpu.memory_space<vmem>>) attributes {dimension_semantics = [#tpu.dimension_semantics<arbitrary>], iteration_bounds = array<i64: 16>, scalar_prefetch = 0 : i64, scratch_operands = 0 : i64, tpu.core_type = #tpu.core_type<tc>, window_params = [{transform_indices = @transform_0, window_bounds = array<i64: 512, 1600>}, {pipeline_mode = #tpu.pipeline_mode<synchronous>, transform_indices = @transform_1, window_bounds = array<i64: 1600, 128>}, {pipeline_mode = #tpu.pipeline_mode<synchronous>, transform_indices = @transform_2, window_bounds = array<i64: 1, 128>}, {transform_indices = @transform_3, window_bounds = array<i64: 512, 128>}]} {
    %get3A = arith.constant 0 : index
    %get3A_0 = arith.constant 0 : index
    %get3A_1 = vector.load %arg1[%get3A, %get3A_0] : memref<512x1600xf32, #tpu.memory_space<vmem>>, vector<512x1600xf32>
    %convert_element_type3A = arith.truncf %get3A_1 : vector<512x1600xf32> to vector<512x1600xbf16>
    %get3A_2 = arith.constant 0 : index
    %get3A_3 = arith.constant 0 : index
    %get3A_4 = vector.load %arg2[%get3A_2, %get3A_3] : memref<1600x128xbf16, #tpu.memory_space<vmem>>, vector<1600x128xbf16>
    %dot_general3A = arith.constant dense<0.000000e+00> : vector<512x128xf32>
    %dot_general3A_5 = tpu.matmul %convert_element_type3A, %get3A_4, %dot_general3A {dimension_numbers = #tpu.dot_dimension_numbers<[1], [0], [0], [1], [0, 0, 1, 1], [], []>, transpose_lhs_hint = false} : vector<512x1600xbf16>, vector<1600x128xbf16>, vector<512x128xf32> -> vector<512x128xf32>
    %get3A_6 = arith.constant 0 : index
    %get3A_7 = arith.constant 0 : index
    %get3A_8 = vector.load %arg3[%get3A_6, %get3A_7] : memref<1x128xf32, #tpu.memory_space<vmem>>, vector<1x128xf32>
    %add3A = vector.broadcast %get3A_8 : vector<1x128xf32> to vector<512x128xf32>
    %add3A_9 = arith.addf %dot_general3A_5, %add3A : vector<512x128xf32>
    %swap3A = arith.constant 0 : index
    %swap3A_10 = arith.constant 0 : index
    %swap3A_11 = vector.load %arg4[%swap3A, %swap3A_10] : memref<512x128xf32, #tpu.memory_space<vmem>>, vector<512x128xf32>
    tpu.vector_store %arg4[%swap3A, %swap3A_10], %add3A_9 {strides = array<i32>} : memref<512x128xf32, #tpu.memory_space<vmem>>, vector<512x128xf32>,
    return
  }
  func.func @transform_0(%arg0: i32) -> (i32, i32) {
    %c0_i32 = arith.constant 0 : i32
    %c0_i32_0 = arith.constant 0 : i32
    return %arg0, %c0_i32 : i32, i32
  }
  func.func @transform_1(%arg0: i32) -> (i32, i32) {
    %c0_i32 = arith.constant 0 : i32
    %c0_i32_0 = arith.constant 0 : i32
    %c0_i32_1 = arith.constant 0 : i32
    return %c0_i32, %c0_i32_0 : i32, i32
  }
  func.func @transform_2(%arg0: i32) -> (i32, i32) {
    %c0_i32 = arith.constant 0 : i32
    %c0_i32_0 = arith.constant 0 : i32
    %c0_i32_1 = arith.constant 0 : i32
    return %c0_i32, %c0_i32_0 : i32, i32
  }
  func.func @transform_3(%arg0: i32) -> (i32, i32) {
    %c0_i32 = arith.constant 0 : i32
    %c0_i32_0 = arith.constant 0 : i32
    return %arg0, %c0_i32 : i32, i32
  }
}

</mosaic_0001>

<sc_bundles>
// kernel: kernel.6.cloned.1.call-start
scs
__scs_entry_jumppad:
0x0: {  	(pc) =	sbr.rel $0x88, $3  }
0x1: {  	(tag) =	ssettag $0x0;
	lr =	simm.s32 $0x1  }
0x2: {  	[smem:$0x3F9D] =	sst lr;
	_ =	strace $0xD0000000  }
0x3: {  	_ = 	snop  }
0x4: {  	_ = 	snop  }
0x5: {  	_ = 	snop  }
0x6: {  	_ = 	snop  }
0x7: {  	_ = 	snop  }
__scs_overlays_trampoline_lowered:
0x8: {  	[smem:$0x3FAC] =	sst s0  }
0x9: {  	[smem:$0x3FAD] =	sst s1  }
0xa: {  	[smem:$0x3FAE] =	sst s2  }
0xb: {  	[smem:$0x3FAF] =	sst s3  }
0xc: {  	[smem:$0x3FB0] =	sst s4  }
0xd: {  	[smem:$0x3FB1] =	sst s5  }
0xe: {  	[smem:$0x3FB2] =	sst s6  }
0xf: {  	[smem:$0x3FB3] =	sst s7  }
0x10: {  	[smem:$0x3FB4] =	sst s8  }
0x11: {  	[smem:$0x3FB5] =	sst s9;
	s0 =	simm.s32 @!p0 $0x0  }
0x12: {  	s1 =	sld [smem:$0x3F9B];
	s0 =	simm.s32 @p0 $0x1  }
0x13: {  	[smem:$0x3FB6] =	sst s0;
	s0 =	simm.s32 @!p1 $0x0  }
0x14: {  	s2 =	sld [smem:$0x3F9A];
	s0 =	simm.s32 @p1 $0x1  }
0x15: {  	[smem:$0x3FB7] =	sst s0;
	s0 =	simm.s32 @!p2 $0x0  }
0x16: {  	s3 =	sld [smem:$0x3FDB];
	s0 =	simm.s32 @p2 $0x1  }
0x17: {  	s4 =	simm.s32 $0x1BF5;
	[smem:$0x3FB9] =	sst s0  }
0x18: {  	s0 =	sld [smem:$0x3F9C];
	_ =	swait.ge [sflag:s4], $0x0  }
0x19: {  	s7 =	sld [smem:$0x3F9D]  }
0x1a: {  	s8 =	sadd.s32 $0xFFFFE003, lr  }
0x1b: {  	s9 =	sadd.s32 $0xFFFFFEF7, lr;
	s5 =	simm.s32 $0xFFFFFFFF;
	p2 =	slt.u32 s8, $0xFFFFF086  }
0x1c: {  	p1 =	slt.u32 s9, $0xF7A;
	s5 =	simm.s32 @!p2 $0x0  }
0x1d: {  	s5 =	simm.s32 @p1 $0x1;
	p0 =	seq.s32 s7, s2  }
0x1e: {  	s7 =	smul.u32 @!p0 $0xF7A, s2;
	p2 =	seq.s32 @!p0 s5, $0x0  }
0x1f: {  	s9 =	smul.u32 $0xF7A, s1;
	s8 =	simm.s32 @!p0 $0x1BF5;
	p2 =	por !p2, p0  }
0x20: {  	[sflag:s8] =	ssyncset.s32 @!p0 $0xFFFFF086;
	s6 =	sadd.s32 @!p0 s3, s7;
	s7 =	simm.s32 @!p0 $0x108  }
0x21: {  	s3 =	sadd.s32 s3, s9;
	s6 =	sadd.s32 @!p0 $0x88, s6;
	s7 =	simm.s32 @p2 $0x1082  }
0x22: {  	[simem:s7], [sflag:s8] =	dma.local @!p0 [hbm:s6], $0xF7A  }
0x23: {  	s9 =	sor.u32 $0xD0000000, s2;
	s6 =	simm.s32 $0x108;
	_ =	swait.ge @!p0 [sflag:s8], $0x0  }
0x24: {  	s3 =	sadd.s32 $0x88, s3;
	s6 =	simm.s32 @!p1 $0x1082;
	[sflag:s4] =	ssyncset.s32 $0xFFFFF086  }
0x25: {  	[simem:s6], [sflag:s4] =	dma.local [hbm:s3], $0xF7A  }
0x26: {  	[smem:$0x3F9D] =	sst s1;
	(tag) =	ssettag s2;
	_ =	strace s9  }
0x27: {  	s1 =	sld [smem:$0x3FAD]  }
0x28: {  	s2 =	sld [smem:$0x3FAE]  }
0x29: {  	s4 =	sld [smem:$0x3FB0]  }
0x2a: {  	p0 =	seq.s32 s5, $0x0;
	s5 =	sld [smem:$0x3FB1]  }
0x2b: {  	s6 =	sld [smem:$0x3FB2]  }
0x2c: {  	s7 =	sld [smem:$0x3FB3]  }
0x2d: {  	s3 =	simm.s32 $0x108;
	s8 =	sld [smem:$0x3FB4]  }
0x2e: {  	s3 =	simm.s32 @!p0 $0x1082;
	s9 =	sld [smem:$0x3FB5]  }
0x2f: {  	lr =	sadd.s32 s0, s3;
	s0 =	sld [smem:$0x3FAC]  }
0x30: {  	s3 =	sld [smem:$0x3FAF]  }
0x31: {  	[smem:$0x3FB8] =	sst s10  }
0x32: {  	s10 =	sld [smem:$0x3FB6];
	_ =	sdelay $0x3  }
0x33: {  	p0 =	seq.s32 s10, $0x1;
	s10 =	sld [smem:$0x3FB8];
	_ =	sdelay $0x3  }
0x34: {  	[smem:$0x3FB8] =	sst s10  }
0x35: {  	s10 =	sld [smem:$0x3FB7];
	_ =	sdelay $0x3  }
0x36: {  	p1 =	seq.s32 s10, $0x1;
	s10 =	sld [smem:$0x3FB8];
	_ =	sdelay $0x3  }
0x37: {  	[smem:$0x3FB8] =	sst s10  }
0x38: {  	s10 =	sld [smem:$0x3FB9]  }
0x39: {  	_ = 	snop;
	(pc) =	sbr.ind lr, $3  }
0x3a: {  	_ = 	snop  }
0x3b: {  	_ = 	snop  }
0x3c: {  	p2 =	seq.s32 s10, $0x1;
	s10 =	sld [smem:$0x3FB8]  }
0x3d: {  	_ =	shalt  }
0x3e: {  	_ =	shalt  }
0x3f: {  	_ =	shalt  }
0x40: {  	_ =	shalt  }
0x41: {  	_ =	shalt  }
0x42: {  	_ =	shalt  }
0x43: {  	_ =	shalt  }
0x44: {  	_ =	shalt  }
0x45: {  	_ =	shalt  }
0x46: {  	_ =	shalt  }
0x47: {  	_ =	shalt  }
0x48: {  	_ =	shalt  }
0x49: {  	_ =	shalt  }
0x4a: {  	_ =	shalt  }
0x4b: {  	_ =	shalt  }
0x4c: {  	_ =	shalt  }
0x4d: {  	_ =	shalt  }
0x4e: {  	_ =	shalt  }
0x4f: {  	_ =	shalt  }
0x50: {  	_ =	shalt  }
0x51: {  	_ =	shalt  }
0x52: {  	_ =	shalt  }
0x53: {  	_ =	shalt  }
0x54: {  	_ =	shalt  }
0x55: {  	_ =	shalt  }
0x56: {  	_ =	shalt  }
0x57: {  	_ =	shalt  }
0x58: {  	_ =	shalt  }
0x59: {  	_ =	shalt  }
0x5a: {  	_ =	shalt  }
0x5b: {  	_ =	shalt  }
0x5c: {  	_ =	shalt  }
0x5d: {  	_ =	shalt  }
0x5e: {  	_ =	shalt  }
0x5f: {  	_ =	shalt  }
0x60: {  	_ =	shalt  }
0x61: {  	_ =	shalt  }
0x62: {  	_ =	shalt  }
0x63: {  	_ =	shalt  }
0x64: {  	_ =	shalt  }
0x65: {  	_ =	shalt  }
0x66: {  	_ =	shalt  }
0x67: {  	_ =	shalt  }
0x68: {  	_ =	shalt  }
0x69: {  	_ =	shalt  }
0x6a: {  	_ =	shalt  }
0x6b: {  	_ =	shalt  }
0x6c: {  	_ =	shalt  }
0x6d: {  	_ =	shalt  }
0x6e: {  	_ =	shalt  }
0x6f: {  	_ =	shalt  }
0x70: {  	_ =	shalt  }
0x71: {  	_ =	shalt  }
0x72: {  	_ =	shalt  }
0x73: {  	_ =	shalt  }
0x74: {  	_ =	shalt  }
0x75: {  	_ =	shalt  }
0x76: {  	_ =	shalt  }
0x77: {  	_ =	shalt  }
0x78: {  	_ =	shalt  }
0x79: {  	_ =	shalt  }
0x7a: {  	_ =	shalt  }
0x7b: {  	_ =	shalt  }
0x7c: {  	_ =	shalt  }
0x7d: {  	_ =	shalt  }
0x7e: {  	_ =	shalt  }
0x7f: {  	_ =	shalt  }
0x80: {  	_ =	shalt  }
0x81: {  	_ =	shalt  }
0x82: {  	_ =	shalt  }
0x83: {  	_ =	shalt  }
0x84: {  	_ =	shalt  }
0x85: {  	_ =	shalt  }
0x86: {  	_ =	shalt  }
0x87: {  	_ =	shalt  }
.Lfunc_end0:
.L_simem_size_0:
called_computation_lowered:
.L_overlay_start_0:
0x88: {  	s2 =	sld [smem:$0x3FD9]  }
0x89: {  	s3 =	sld [smem:$0x3FFE];
	_ =	sdelay $0x1  }
0x8a: {  	s1 =	srdreg.scid  }
0x8b: {  	s0 =	sand.u32 $0x1, s1  }
0x8c: {  	s17 =	sshll.u32 s0, $0xA;
	s2 =	sadd.s32 s3, s2  }
0x8d: {  	s2 =	sadd.s32 s2, s17  }
0x8e: {  	[smem:$0x3FC4] =	sst s2  }
0x8f: {  	_ = 	snop  }
0x90: {  	s18 =	sld [smem:$0x3FD0];
	(tm) =	ssettm $0x1  }
0x91: {  	s19 =	sld [smem:$0x3FFB];
	_ =	sdelay $0x3  }
0x92: {  	_ =	strace s19  }
0x93: {  	s2 =	sld [smem:$0x3FFC];
	_ =	sdelay $0x3  }
0x94: {  	_ =	strace s2  }
0x95: {  	s2 =	sld [smem:$0x3FFD];
	_ =	sdelay $0x3  }
0x96: {  	_ =	strace s2  }
0x97: {  	_ =	strace $0x8FFFFFFF  }
0x98: {  	s20 =	sld [smem:$0x3FDB];
	_ =	sdelay $0x1  }
0x99: {  	s4 =	simm.s32 $_scs_section_size  }
0x9a: {  	s5 =	simm.s32 $_size__tile_overlayer_lowered;
	s6 =	simm.s32 $_tile_overlayer_lowered  }
0x9b: {  	s7 =	simm.s32 $0x1BFF;
	s21 =	sshll.u32 s6, $0x1;
	s4 =	sadd.s32 s4, s20  }
0x9c: {  	s22 =	simm.s32 $0x0;
	s5 =	sshll.u32 s5, $0x1;
	s6 =	sadd.s32 s21, s4  }
0x9d: {  	[timem:s22], [sflag:s7] =	dma.local [hbm:s6], s5  }
0x9e: {  	_ =	swait.ge [sflag:s7], s5  }
0x9f: {  	s5 =	ssub.s32 $0x0, s5;
	[sflag:s7] =	ssyncset.done $0x0  }
0xa0: {  	[sflag:s7] =	ssyncadd.s32 s5;
	_ =	sdelay $0x1  }
0xa1: {  	s23 =	simm.s32 $0x1B8B  }
0xa2: {  	_ =	swait.ge [sflag:s23], $0x1  }
0xa3: {  	[sflag:s23] =	ssyncset.done $0x0  }
0xa4: {  	[sflag:s23] =	ssyncadd.s32 $0xFFFFFFFF  }
0xa5: {  	s5 =	sld [smem:$0x0]  }
0xa6: {  	s6 =	sand.u32 $0xFFFFFFFE, s1  }
0xa7: {  	p0 =	sne.s32 s1, s6  }
0xa8: {  	s6 =	sshll.u32 @p0 s6, $0xE  }
0xa9: {  	s6 =	sadd.s32 @p0 $0x11B8D, s6;
	s7 =	sshll.u32 @p0 s5, $0x11  }
0xaa: {  	s6 =	sor.u32 @p0 s7, s6  }
0xab: {  	[sflag:s6] =	ssyncadd.remote.s32 @p0 $0x1;
	_ =	sdelay $0x1  }
0xac: {  	s6 =	simm.s32 @p0 $0x1B8D  }
0xad: {  	_ =	swait.eq @p0 [sflag:s6], $0x1  }
0xae: {  	[sflag:s6] =	ssyncadd.s32 @p0 $0xFFFFFFFF  }
0xaf: {  	s7 =	sshll.u32 @!p0 s1, $0xE  }
0xb0: {  	s7 =	sor.u32 @!p0 $0x4000, s7;
	s6 =	simm.s32 @!p0 $0x1B8D  }
0xb1: {  	s5 =	sshll.u32 @!p0 s5, $0x11;
	s7 =	sadd.s32 @!p0 $0x11B8D, s7;
	_ =	swait.eq @!p0 [sflag:s6], $0x1  }
0xb2: {  	s5 =	sor.u32 @!p0 s5, s7;
	[sflag:s6] =	ssyncadd.s32 @!p0 $0xFFFFFFFF  }
0xb3: {  	s25 =	simm.s32 $0x1B8E;
	s24 =	sld [smem:$0x3FFE];
	[sflag:s5] =	ssyncadd.remote.s32 @!p0 $0x1  }
0xb4: {  	s26 =	simm.s32 $execute0_lowered;
	[smem:$0x3FD2] =	sst s25  }
0xb5: {  	s6 =	sshll.u32 s26, $0x1;
	_ =	strace $0x80000049;
	[dreg:$0x1] =	wrdreg $0xFFFFFFFF  }
0xb6: {  	s28 =	simm.s32 $_size_execute0_lowered;
	s4 =	sadd.s32 s4, s6;
	[dreg:$0x0] =	wrdreg $0x0  }
0xb7: {  	s6 =	sshll.u32 s28, $0x1;
	[dreg:$0x2] =	wrdreg s4  }
0xb8: {  	[dreg:$0x3] =	wrdreg s6  }
0xb9: {  	[dreg:$0x4] =	wrdreg $0xC0  }
0xba: {  	_ =	task [dreg:s22], $0x5FFFF  }
0xbb: {  	[dreg:$0x1] =	wrdreg $0xFFFFFFFF  }
0xbc: {  	[dreg:$0x0] =	wrdreg $0x60  }
0xbd: {  	[dreg:$0x2] =	wrdreg s18  }
0xbe: {  	[dreg:$0x3] =	wrdreg s24  }
0xbf: {  	[dreg:$0x4] =	wrdreg $0x9  }
0xc0: {  	_ =	task.clear_ibuf [dreg:s22], $0x5FFFF;
	_ =	strace $0x90000049  }
0xc1: {  	s29 =	simm.s32 $0x9;
	_ =	strace $0x8000004B  }
0xc2: {  	_ =	swait.ge [sflag:s29], $0x1  }
0xc3: {  	[sflag:s29] =	ssyncadd.s32 $0xFFFFFFFF  }
0xc4: {  	_ =	strace $0x9000004B  }
0xc5: {  	_ =	sfence  }
0xc6: {  	s30 =	sld [smem:$0x0];
	_ =	sdelay $0x2  }
0xc7: {  	s31 =	sshll.u32 s1, $0xD;
	s1 =	sshrl.u32 s1, $0x2  }
0xc8: {  	s4 =	sand.u32 $0x4000, s31;
	s1 =	sadd.s32 s1, s30  }
0xc9: {  	s0 =	sor.u32 s4, s0;
	s1 =	sshll.u32 s1, $0x11  }
0xca: {  	s0 =	sor.u32 s1, s0  }
0xcb: {  	s0 =	sadd.s32 $0x8F2B, s0  }
0xcc: {  	[sflag:s0] =	ssyncadd.remote.s32 $0x1  }
0xcd: {  	_ =	sfence.sel $0xFFFF  }
0xce: {  	[dreg:$0x0] =	wrdreg $0xFFFFFFFF;
	(pc) =	sbr.abs _section_cstart, $3  }
0xcf: {  	[dreg:$0x1] =	wrdreg $0xFFFFFFFF  }
0xd0: {  	_ =	task.clear_ibuf [dreg:s22], $0x2FFFF;
	_ =	strace $0x9FFFFFFF  }
0xd1: {  	(tm) =	ssettm $0x7FFFFFFF  }
tec
execute0_lowered:
.L_overlay_start_1:
0x0: {  	(tag) =	ssettag $0x1  }
0x1: {  	s0 =	srdreg.scid;
	s2 =	rddreg [dreg:$0x0]  }
0x2: {  	s5 =	stileid.u32;
	s4 =	rddreg [dreg:$0x1]  }
0x3: {  	s7 =	simm.s32 $0x3;
	s8 =	simm.s32 $0x64;
	s9 =	simm.s32 $0x6800  }
0x4: {  	s17 =	simm.s32 $0xCC00;
	s18 =	simm.s32 $0xD240;
	s19 =	simm.s32 $0xD880  }
0x5: {  	s20 =	simm.s32 $0xDEC0;
	s21 =	simm.s32 $0xE500;
	s22 =	simm.s32 $0xEB40  }
0x6: {  	s23 =	simm.s32 $0xF180;
	s24 =	simm.s32 $0xF7C0;
	s28 =	simm.s32 $0x10A80  }
0x7: {  	s29 =	simm.s32 $0x110C0;
	s30 =	simm.s32 $0x11700;
	s31 =	simm.s32 $0x11D40  }
0x8: {  	s10 =	simm.s32 $0x1;
	s11 =	simm.s32 $0x2;
	s12 =	simm.s32 $0x0  }
0x9: {  	s0 =	sand.u32 $0x1, s0;
	s1 =	sshll.u32 s5, $0x9;
	s5 =	smul.u32 $0x19000, s5  }
0xa: {  	s3 =	sshll.u32 s0, $0x8;
	s6 =	ssub.s32 $0x2, s0;
	s0 =	smul.u32 $0xC800, s0  }
0xb: {  	s1 =	sor.u32 s3, s1;
	s3 =	simm.s32 $0x0;
	s5 =	sadd.s32 s5, s4  }
0xc: {  	s25 =	sshrl.u32 s6, $0x1;
	s1 =	smul.u32 $0xD, s1;
	[smem:$0x7FF] =	sst s3  }
.Ltmp0:
0xd: {  	s6 =	ssub.s32 s6, s25;
	s0 =	sadd.s32 s0, s5;
	(pc) =	sbr.rel .LBB2_1-.Ltmp0, $4  }
0xe: {  	s25 =	simm.s32 $0xFE00;
	_ =	strace $0x8000004A;
	s26 =	smax.u32 s6, $0x1  }
0xf: {  	s0 =	sadd.s32 $0x1C5600, s0;
	s1 =	sadd.s32 s1, s4;
	[dreg:$0x4] =	wrdreg s26  }
0x10: {  	[dreg:$0x5] =	wrdreg s0;
	s26 =	simm.s32 $0x10440;
	s1 =	sadd.s32 $0x1AB600, s1  }
0x11: {  	s0 =	simm.s32 $0x129C0;
	[dreg:$0x3] =	wrdreg s1;
	s1 =	simm.s32 $0x12380  }
.LBB2_6:
0x12: {  	s12 =	sadd.s32 $0x1, s12;
	s4 =	rddreg [dreg:$0x4]  }
0x13: {  	p0 =	sne.s32 s12, s4  }
.Ltmp1:
0x14: {  	_ = 	snop;
	(pc) =	sbr.rel @!p0 .LBB2_7-.Ltmp1, $1  }
0x15: {  	_ =	sdelay $0x3  }
.LBB2_1:
0x16: {  	s4 =	rddreg [dreg:$0x3]  }
0x17: {  	[tilespmem:s3], [sflag:$0x3] =	stream.linear.gather [hbm4b:s4+s3], $0x6800, $0x38;
	[tilespmem:$0x13000] =	vst v63  }
0x18: {  	_ =	swait.ge [sflag:s7], $0x6800  }
0x19: {  	[sflag:s7] =	ssyncset.done $0x0  }
0x1a: {  	[sflag:s7] =	ssyncadd.s32 $0xFFFF9800  }
0x1b: {  	[tilespmem:s9], [sflag:$0x1] =	stream.indirect.gather [hbm4b:s2+s8], $0x10, s3, s8, $0xb8;
	[tilespmem:$0x13000] =	vst v63  }
0x1c: {  	s6 =	simm.s32 $0x68;
	s5 =	simm.s32 $0x6E40  }
0x1d: {  	[tilespmem:s5], [sflag:$0x1] =	stream.indirect.gather [hbm4b:s2+s8], $0x10, s6, s8, $0xb8;
	[tilespmem:$0x13000] =	vst v63  }
0x1e: {  	s13 =	simm.s32 $0xD0;
	s14 =	simm.s32 $0x7480  }
0x1f: {  	[tilespmem:s14], [sflag:$0x1] =	stream.indirect.gather [hbm4b:s2+s8], $0x10, s13, s8, $0xb8;
	[tilespmem:$0x13000] =	vst v63  }
0x20: {  	s15 =	simm.s32 $0x138;
	s16 =	simm.s32 $0x7AC0  }
0x21: {  	[tilespmem:s16], [sflag:$0x1] =	stream.indirect.gather [hbm4b:s2+s8], $0x10, s15, s8, $0xb8;
	[tilespmem:$0x13000] =	vst v63  }
0x22: {  	s5 =	simm.s32 $0x1A0;
	s6 =	simm.s32 $0x8100  }
0x23: {  	[tilespmem:s6], [sflag:$0x1] =	stream.indirect.gather [hbm4b:s2+s8], $0x10, s5, s8, $0xb8;
	[tilespmem:$0x13000] =	vst v63  }
0x24: {  	s13 =	simm.s32 $0x208;
	s14 =	simm.s32 $0x8740  }
0x25: {  	[tilespmem:s14], [sflag:$0x1] =	stream.indirect.gather [hbm4b:s2+s8], $0x10, s13, s8, $0xb8;
	[tilespmem:$0x13000] =	vst v63  }
0x26: {  	s15 =	simm.s32 $0x270;
	s16 =	simm.s32 $0x8D80  }
0x27: {  	[tilespmem:s16], [sflag:$0x1] =	stream.indirect.gather [hbm4b:s2+s8], $0x10, s15, s8, $0xb8;
	[tilespmem:$0x13000] =	vst v63  }
0x28: {  	s5 =	simm.s32 $0x2D8;
	s6 =	simm.s32 $0x93C0  }
0x29: {  	[tilespmem:s6], [sflag:$0x1] =	stream.indirect.gather [hbm4b:s2+s8], $0x10, s5, s8, $0xb8;
	[tilespmem:$0x13000] =	vst v63  }
0x2a: {  	s13 =	simm.s32 $0x340;
	s14 =	simm.s32 $0x9A00  }
0x2b: {  	[tilespmem:s14], [sflag:$0x1] =	stream.indirect.gather [hbm4b:s2+s8], $0x10, s13, s8, $0xb8;
	[tilespmem:$0x13000] =	vst v63  }
0x2c: {  	s15 =	simm.s32 $0x3A8;
	s16 =	simm.s32 $0xA040  }
0x2d: {  	[tilespmem:s16], [sflag:$0x1] =	stream.indirect.gather [hbm4b:s2+s8], $0x10, s15, s8, $0xb8;
	[tilespmem:$0x13000] =	vst v63  }
0x2e: {  	s5 =	simm.s32 $0x410;
	s6 =	simm.s32 $0xA680  }
0x2f: {  	[tilespmem:s6], [sflag:$0x1] =	stream.indirect.gather [hbm4b:s2+s8], $0x10, s5, s8, $0xb8;
	[tilespmem:$0x13000] =	vst v63  }
0x30: {  	s13 =	simm.s32 $0x478;
	s14 =	simm.s32 $0xACC0  }
0x31: {  	[tilespmem:s14], [sflag:$0x1] =	stream.indirect.gather [hbm4b:s2+s8], $0x10, s13, s8, $0xb8;
	[tilespmem:$0x13000] =	vst v63  }
0x32: {  	s15 =	simm.s32 $0x4E0;
	s16 =	simm.s32 $0xB300  }
0x33: {  	[tilespmem:s16], [sflag:$0x1] =	stream.indirect.gather [hbm4b:s2+s8], $0x10, s15, s8, $0xb8;
	[tilespmem:$0x13000] =	vst v63  }
0x34: {  	s5 =	simm.s32 $0x548;
	s6 =	simm.s32 $0xB940  }
0x35: {  	[tilespmem:s6], [sflag:$0x1] =	stream.indirect.gather [hbm4b:s2+s8], $0x10, s5, s8, $0xb8;
	[tilespmem:$0x13000] =	vst v63  }
.Ltmp2:
0x36: {  	s13 =	simm.s32 $0x5B0;
	s14 =	simm.s32 $0xBF80;
	(pc) =	sbr.rel .LBB2_2-.Ltmp2, $4  }
0x37: {  	[tilespmem:s14], [sflag:$0x1] =	stream.indirect.gather [hbm4b:s2+s8], $0x10, s13, s8, $0xb8;
	[tilespmem:$0x13000] =	vst v63  }
0x38: {  	s15 =	simm.s32 $0x618;
	s16 =	simm.s32 $0xC5C0  }
0x39: {  	[tilespmem:s16], [sflag:$0x1] =	stream.indirect.gather [hbm4b:s2+s8], $0x10, s15, s8, $0xb8;
	[tilespmem:$0x13000] =	vst v63  }
0x3a: {  	s6 =	rddreg [dreg:$0x5];
	s14 =	simm.s32 $0x0;
	s15 =	simm.s32 $0x0  }
.LBB2_4:
0x3b: {  	p0 =	seq.s32 s14, $0x18600  }
0x3c: {  	s4 =	sshra.s32 @!p0 s14, $0x2  }
0x3d: {  	s5 =	simm.s32 @!p0 $0x64;
	s13 =	simm.s32 @!p0 $0x6800;
	s16 =	sadd.s32 @!p0 $0x680, s4  }
0x3e: {  	[tilespmem:s13], [sflag:$0x1] =	stream.indirect.gather @!p0 [hbm4b:s2+s5], $0x10, s16, s5, $0xb8;
	[tilespmem:$0x13000] =	vst v63  }
0x3f: {  	s13 =	sadd.s32 @!p0 $0x6E8, s4;
	s16 =	simm.s32 @!p0 $0x6E40  }
0x40: {  	[tilespmem:s16], [sflag:$0x1] =	stream.indirect.gather @!p0 [hbm4b:s2+s5], $0x10, s13, s5, $0xb8;
	[tilespmem:$0x13000] =	vst v63  }
0x41: {  	s13 =	sadd.s32 @!p0 $0x750, s4;
	s16 =	simm.s32 @!p0 $0x7480  }
0x42: {  	[tilespmem:s16], [sflag:$0x1] =	stream.indirect.gather @!p0 [hbm4b:s2+s5], $0x10, s13, s5, $0xb8;
	[tilespmem:$0x13000] =	vst v63  }
0x43: {  	s13 =	sadd.s32 @!p0 $0x7B8, s4;
	s16 =	simm.s32 @!p0 $0x7AC0  }
0x44: {  	[tilespmem:s16], [sflag:$0x1] =	stream.indirect.gather @!p0 [hbm4b:s2+s5], $0x10, s13, s5, $0xb8;
	[tilespmem:$0x13000] =	vst v63  }
0x45: {  	s13 =	sadd.s32 @!p0 $0x820, s4;
	s16 =	simm.s32 @!p0 $0x8100  }
0x46: {  	[tilespmem:s16], [sflag:$0x1] =	stream.indirect.gather @!p0 [hbm4b:s2+s5], $0x10, s13, s5, $0xb8;
	[tilespmem:$0x13000] =	vst v63  }
0x47: {  	s13 =	sadd.s32 @!p0 $0x888, s4;
	s16 =	simm.s32 @!p0 $0x8740  }
0x48: {  	[tilespmem:s16], [sflag:$0x1] =	stream.indirect.gather @!p0 [hbm4b:s2+s5], $0x10, s13, s5, $0xb8;
	[tilespmem:$0x13000] =	vst v63  }
0x49: {  	s13 =	sadd.s32 @!p0 $0x8F0, s4;
	s16 =	simm.s32 @!p0 $0x8D80  }
0x4a: {  	[tilespmem:s16], [sflag:$0x1] =	stream.indirect.gather @!p0 [hbm4b:s2+s5], $0x10, s13, s5, $0xb8;
	[tilespmem:$0x13000] =	vst v63  }
0x4b: {  	s13 =	sadd.s32 @!p0 $0x958, s4;
	s16 =	simm.s32 @!p0 $0x93C0  }
0x4c: {  	[tilespmem:s16], [sflag:$0x1] =	stream.indirect.gather @!p0 [hbm4b:s2+s5], $0x10, s13, s5, $0xb8;
	[tilespmem:$0x13000] =	vst v63  }
0x4d: {  	s13 =	sadd.s32 @!p0 $0x9C0, s4;
	s16 =	simm.s32 @!p0 $0x9A00  }
0x4e: {  	[tilespmem:s16], [sflag:$0x1] =	stream.indirect.gather @!p0 [hbm4b:s2+s5], $0x10, s13, s5, $0xb8;
	[tilespmem:$0x13000] =	vst v63  }
0x4f: {  	s13 =	sadd.s32 @!p0 $0xA28, s4;
	s16 =	simm.s32 @!p0 $0xA040  }
0x50: {  	[tilespmem:s16], [sflag:$0x1] =	stream.indirect.gather @!p0 [hbm4b:s2+s5], $0x10, s13, s5, $0xb8;
	[tilespmem:$0x13000] =	vst v63  }
0x51: {  	s13 =	sadd.s32 @!p0 $0xA90, s4;
	s16 =	simm.s32 @!p0 $0xA680  }
0x52: {  	[tilespmem:s16], [sflag:$0x1] =	stream.indirect.gather @!p0 [hbm4b:s2+s5], $0x10, s13, s5, $0xb8;
	[tilespmem:$0x13000] =	vst v63  }
0x53: {  	s13 =	sadd.s32 @!p0 $0xAF8, s4;
	s16 =	simm.s32 @!p0 $0xACC0  }
0x54: {  	[tilespmem:s16], [sflag:$0x1] =	stream.indirect.gather @!p0 [hbm4b:s2+s5], $0x10, s13, s5, $0xb8;
	[tilespmem:$0x13000] =	vst v63  }
0x55: {  	s13 =	sadd.s32 @!p0 $0xB60, s4;
	s16 =	simm.s32 @!p0 $0xB300  }
0x56: {  	[tilespmem:s16], [sflag:$0x1] =	stream.indirect.gather @!p0 [hbm4b:s2+s5], $0x10, s13, s5, $0xb8;
	[tilespmem:$0x13000] =	vst v63  }
0x57: {  	s13 =	sadd.s32 @!p0 $0xBC8, s4;
	s16 =	simm.s32 @!p0 $0xB940  }
0x58: {  	[tilespmem:s16], [sflag:$0x1] =	stream.indirect.gather @!p0 [hbm4b:s2+s5], $0x10, s13, s5, $0xb8;
	[tilespmem:$0x13000] =	vst v63  }
0x59: {  	s13 =	sadd.s32 @!p0 $0xC30, s4;
	s16 =	simm.s32 @!p0 $0xBF80  }
0x5a: {  	[tilespmem:s16], [sflag:$0x1] =	stream.indirect.gather @!p0 [hbm4b:s2+s5], $0x10, s13, s5, $0xb8;
	[tilespmem:$0x13000] =	vst v63  }
0x5b: {  	s4 =	sadd.s32 @!p0 $0xC98, s4;
	s13 =	simm.s32 @!p0 $0xC5C0  }
0x5c: {  	[tilespmem:s13], [sflag:$0x1] =	stream.indirect.gather @!p0 [hbm4b:s2+s5], $0x10, s4, s5, $0xb8;
	[tilespmem:$0x13000] =	vst v63  }
0x5d: {  	_ =	swait.ge [sflag:s11], $0x640  }
0x5e: {  	[sflag:s11] =	ssyncset.done $0x0  }
0x5f: {  	[sflag:s11] =	ssyncadd.s32 $0xFFFFF9C0  }
0x60: {  	_ =	swait.ge [sflag:s11], $0x640  }
0x61: {  	[sflag:s11] =	ssyncset.done $0x0  }
0x62: {  	[sflag:s11] =	ssyncadd.s32 $0xFFFFF9C0  }
0x63: {  	_ =	swait.ge [sflag:s11], $0x640  }
0x64: {  	[sflag:s11] =	ssyncset.done $0x0  }
0x65: {  	[sflag:s11] =	ssyncadd.s32 $0xFFFFF9C0  }
0x66: {  	_ =	swait.ge [sflag:s11], $0x640  }
0x67: {  	[sflag:s11] =	ssyncset.done $0x0  }
0x68: {  	[sflag:s11] =	ssyncadd.s32 $0xFFFFF9C0  }
0x69: {  	_ =	swait.ge [sflag:s11], $0x640  }
0x6a: {  	[sflag:s11] =	ssyncset.done $0x0  }
0x6b: {  	[sflag:s11] =	ssyncadd.s32 $0xFFFFF9C0  }
0x6c: {  	_ =	swait.ge [sflag:s11], $0x640  }
0x6d: {  	[sflag:s11] =	ssyncset.done $0x0  }
0x6e: {  	[sflag:s11] =	ssyncadd.s32 $0xFFFFF9C0  }
0x6f: {  	_ =	swait.ge [sflag:s11], $0x640  }
0x70: {  	[sflag:s11] =	ssyncset.done $0x0  }
0x71: {  	[sflag:s11] =	ssyncadd.s32 $0xFFFFF9C0  }
0x72: {  	_ =	swait.ge [sflag:s11], $0x640  }
0x73: {  	[sflag:s11] =	ssyncset.done $0x0  }
0x74: {  	[sflag:s11] =	ssyncadd.s32 $0xFFFFF9C0  }
0x75: {  	_ =	swait.ge [sflag:s11], $0x640  }
0x76: {  	[sflag:s11] =	ssyncset.done $0x0  }
0x77: {  	[sflag:s11] =	ssyncadd.s32 $0xFFFFF9C0  }
0x78: {  	_ =	swait.ge [sflag:s11], $0x640  }
0x79: {  	[sflag:s11] =	ssyncset.done $0x0  }
0x7a: {  	[sflag:s11] =	ssyncadd.s32 $0xFFFFF9C0  }
0x7b: {  	_ =	swait.ge [sflag:s11], $0x640  }
0x7c: {  	[sflag:s11] =	ssyncset.done $0x0  }
0x7d: {  	[sflag:s11] =	ssyncadd.s32 $0xFFFFF9C0  }
0x7e: {  	_ =	swait.ge [sflag:s11], $0x640  }
0x7f: {  	[sflag:s11] =	ssyncset.done $0x0  }
0x80: {  	[sflag:s11] =	ssyncadd.s32 $0xFFFFF9C0  }
0x81: {  	_ =	swait.ge [sflag:s11], $0x640  }
0x82: {  	[sflag:s11] =	ssyncset.done $0x0  }
0x83: {  	[sflag:s11] =	ssyncadd.s32 $0xFFFFF9C0  }
0x84: {  	_ =	swait.ge [sflag:s11], $0x640  }
0x85: {  	[sflag:s11] =	ssyncset.done $0x0  }
0x86: {  	[sflag:s11] =	ssyncadd.s32 $0xFFFFF9C0  }
0x87: {  	_ =	swait.ge [sflag:s11], $0x640  }
0x88: {  	[sflag:s11] =	ssyncset.done $0x0  }
0x89: {  	[sflag:s11] =	ssyncadd.s32 $0xFFFFF9C0  }
0x8a: {  	_ =	swait.ge [sflag:s11], $0x640  }
0x8b: {  	[sflag:s11] =	ssyncset.done $0x0  }
0x8c: {  	s16 =	simm.s32 $0x3;
	[sflag:s11] =	ssyncadd.s32 $0xFFFFF9C0  }
0x8d: {  	[hbm4b:s6+s3] =	stream.linear.scatter [tilespmem:s17], [sflag:$0x3], $0x6400, $0x38;
	[tilespmem:$0x13000] =	vst v63  }
.LBB2_5:
0x8e: {  	s14 =	sadd.s32 $0x1A00, s14  }
0x8f: {  	p0 =	sne.s32 s14, $0x1A000  }
.Ltmp3:
0x90: {  	_ = 	snop;
	(pc) =	sbr.rel @!p0 .LBB2_6-.Ltmp3, $4  }
0x91: {  	_ = 	snop  }
0x92: {  	_ =	swait.ge [sflag:s16], $0x6400  }
0x93: {  	[sflag:s16] =	ssyncset.done $0x0  }
0x94: {  	s15 =	sadd.s32 $0x1, s15;
	s6 =	sadd.s32 $0xC80, s6;
	[sflag:s16] =	ssyncadd.s32 $0xFFFF9C00  }
.LBB2_2:
0x95: {  	s16 =	sand.u32 $0x1, s15  }
0x96: {  	p0 =	seq.s32 s16, $0x1  }
.Ltmp4:
0x97: {  	_ = 	snop;
	(pc) =	sbr.rel @p0 .LBB2_4-.Ltmp4, $1  }
0x98: {  	_ =	sdelay $0x3  }
0x99: {  	s16 =	sshra.s32 s14, $0x2  }
0x9a: {  	s4 =	sadd.s32 $0x680, s16  }
0x9b: {  	[tilespmem:s17], [sflag:$0x2] =	stream.indirect.gather [hbm4b:s2+s8], $0x10, s4, s8, $0xb8;
	[tilespmem:$0x13000] =	vst v63  }
0x9c: {  	s5 =	sadd.s32 $0x6E8, s16  }
0x9d: {  	[tilespmem:s18], [sflag:$0x2] =	stream.indirect.gather [hbm4b:s2+s8], $0x10, s5, s8, $0xb8;
	[tilespmem:$0x13000] =	vst v63  }
0x9e: {  	s13 =	sadd.s32 $0x750, s16  }
0x9f: {  	[tilespmem:s19], [sflag:$0x2] =	stream.indirect.gather [hbm4b:s2+s8], $0x10, s13, s8, $0xb8;
	[tilespmem:$0x13000] =	vst v63  }
0xa0: {  	s5 =	sadd.s32 $0x7B8, s16  }
0xa1: {  	[tilespmem:s20], [sflag:$0x2] =	stream.indirect.gather [hbm4b:s2+s8], $0x10, s5, s8, $0xb8;
	[tilespmem:$0x13000] =	vst v63  }
0xa2: {  	s13 =	sadd.s32 $0x820, s16  }
0xa3: {  	[tilespmem:s21], [sflag:$0x2] =	stream.indirect.gather [hbm4b:s2+s8], $0x10, s13, s8, $0xb8;
	[tilespmem:$0x13000] =	vst v63  }
0xa4: {  	s5 =	sadd.s32 $0x888, s16  }
0xa5: {  	[tilespmem:s22], [sflag:$0x2] =	stream.indirect.gather [hbm4b:s2+s8], $0x10, s5, s8, $0xb8;
	[tilespmem:$0x13000] =	vst v63  }
0xa6: {  	s13 =	sadd.s32 $0x8F0, s16  }
0xa7: {  	[tilespmem:s23], [sflag:$0x2] =	stream.indirect.gather [hbm4b:s2+s8], $0x10, s13, s8, $0xb8;
	[tilespmem:$0x13000] =	vst v63  }
0xa8: {  	s5 =	sadd.s32 $0x958, s16  }
0xa9: {  	[tilespmem:s24], [sflag:$0x2] =	stream.indirect.gather [hbm4b:s2+s8], $0x10, s5, s8, $0xb8;
	[tilespmem:$0x13000] =	vst v63  }
0xaa: {  	s13 =	sadd.s32 $0x9C0, s16  }
0xab: {  	[tilespmem:s25], [sflag:$0x2] =	stream.indirect.gather [hbm4b:s2+s8], $0x10, s13, s8, $0xb8;
	[tilespmem:$0x13000] =	vst v63  }
0xac: {  	s5 =	sadd.s32 $0xA28, s16  }
0xad: {  	[tilespmem:s26], [sflag:$0x2] =	stream.indirect.gather [hbm4b:s2+s8], $0x10, s5, s8, $0xb8;
	[tilespmem:$0x13000] =	vst v63  }
0xae: {  	s13 =	sadd.s32 $0xA90, s16  }
0xaf: {  	[tilespmem:s28], [sflag:$0x2] =	stream.indirect.gather [hbm4b:s2+s8], $0x10, s13, s8, $0xb8;
	[tilespmem:$0x13000] =	vst v63  }
0xb0: {  	s5 =	sadd.s32 $0xAF8, s16  }
0xb1: {  	[tilespmem:s29], [sflag:$0x2] =	stream.indirect.gather [hbm4b:s2+s8], $0x10, s5, s8, $0xb8;
	[tilespmem:$0x13000] =	vst v63  }
0xb2: {  	s13 =	sadd.s32 $0xB60, s16  }
0xb3: {  	[tilespmem:s30], [sflag:$0x2] =	stream.indirect.gather [hbm4b:s2+s8], $0x10, s13, s8, $0xb8;
	[tilespmem:$0x13000] =	vst v63  }
0xb4: {  	s5 =	sadd.s32 $0xBC8, s16  }
0xb5: {  	[tilespmem:s31], [sflag:$0x2] =	stream.indirect.gather [hbm4b:s2+s8], $0x10, s5, s8, $0xb8;
	[tilespmem:$0x13000] =	vst v63  }
0xb6: {  	s13 =	sadd.s32 $0xC30, s16  }
0xb7: {  	[tilespmem:s1], [sflag:$0x2] =	stream.indirect.gather [hbm4b:s2+s8], $0x10, s13, s8, $0xb8;
	[tilespmem:$0x13000] =	vst v63  }
0xb8: {  	s16 =	sadd.s32 $0xC98, s16  }
0xb9: {  	[tilespmem:s0], [sflag:$0x2] =	stream.indirect.gather [hbm4b:s2+s8], $0x10, s16, s8, $0xb8;
	[tilespmem:$0x13000] =	vst v63  }
0xba: {  	_ =	swait.ge [sflag:s10], $0x640  }
0xbb: {  	[sflag:s10] =	ssyncset.done $0x0  }
0xbc: {  	[sflag:s10] =	ssyncadd.s32 $0xFFFFF9C0  }
0xbd: {  	_ =	swait.ge [sflag:s10], $0x640  }
0xbe: {  	[sflag:s10] =	ssyncset.done $0x0  }
0xbf: {  	[sflag:s10] =	ssyncadd.s32 $0xFFFFF9C0  }
0xc0: {  	_ =	swait.ge [sflag:s10], $0x640  }
0xc1: {  	[sflag:s10] =	ssyncset.done $0x0  }
0xc2: {  	[sflag:s10] =	ssyncadd.s32 $0xFFFFF9C0  }
0xc3: {  	_ =	swait.ge [sflag:s10], $0x640  }
0xc4: {  	[sflag:s10] =	ssyncset.done $0x0  }
0xc5: {  	[sflag:s10] =	ssyncadd.s32 $0xFFFFF9C0  }
0xc6: {  	_ =	swait.ge [sflag:s10], $0x640  }
0xc7: {  	[sflag:s10] =	ssyncset.done $0x0  }
0xc8: {  	[sflag:s10] =	ssyncadd.s32 $0xFFFFF9C0  }
0xc9: {  	_ =	swait.ge [sflag:s10], $0x640  }
0xca: {  	[sflag:s10] =	ssyncset.done $0x0  }
0xcb: {  	[sflag:s10] =	ssyncadd.s32 $0xFFFFF9C0  }
0xcc: {  	_ =	swait.ge [sflag:s10], $0x640  }
0xcd: {  	[sflag:s10] =	ssyncset.done $0x0  }
0xce: {  	[sflag:s10] =	ssyncadd.s32 $0xFFFFF9C0  }
0xcf: {  	_ =	swait.ge [sflag:s10], $0x640  }
0xd0: {  	[sflag:s10] =	ssyncset.done $0x0  }
0xd1: {  	[sflag:s10] =	ssyncadd.s32 $0xFFFFF9C0  }
0xd2: {  	_ =	swait.ge [sflag:s10], $0x640  }
0xd3: {  	[sflag:s10] =	ssyncset.done $0x0  }
0xd4: {  	[sflag:s10] =	ssyncadd.s32 $0xFFFFF9C0  }
0xd5: {  	_ =	swait.ge [sflag:s10], $0x640  }
0xd6: {  	[sflag:s10] =	ssyncset.done $0x0  }
0xd7: {  	[sflag:s10] =	ssyncadd.s32 $0xFFFFF9C0  }
0xd8: {  	_ =	swait.ge [sflag:s10], $0x640  }
0xd9: {  	[sflag:s10] =	ssyncset.done $0x0  }
0xda: {  	[sflag:s10] =	ssyncadd.s32 $0xFFFFF9C0  }
0xdb: {  	_ =	swait.ge [sflag:s10], $0x640  }
0xdc: {  	[sflag:s10] =	ssyncset.done $0x0  }
0xdd: {  	[sflag:s10] =	ssyncadd.s32 $0xFFFFF9C0  }
0xde: {  	_ =	swait.ge [sflag:s10], $0x640  }
0xdf: {  	[sflag:s10] =	ssyncset.done $0x0  }
0xe0: {  	[sflag:s10] =	ssyncadd.s32 $0xFFFFF9C0  }
0xe1: {  	_ =	swait.ge [sflag:s10], $0x640  }
0xe2: {  	[sflag:s10] =	ssyncset.done $0x0  }
0xe3: {  	[sflag:s10] =	ssyncadd.s32 $0xFFFFF9C0  }
0xe4: {  	_ =	swait.ge [sflag:s10], $0x640  }
0xe5: {  	[sflag:s10] =	ssyncset.done $0x0  }
.Ltmp5:
0xe6: {  	[sflag:s10] =	ssyncadd.s32 $0xFFFFF9C0;
	(pc) =	sbr.rel .LBB2_5-.Ltmp5, $4  }
0xe7: {  	_ =	swait.ge [sflag:s10], $0x640  }
0xe8: {  	[sflag:s10] =	ssyncset.done $0x0  }
0xe9: {  	s16 =	simm.s32 $0x4;
	[sflag:s10] =	ssyncadd.s32 $0xFFFFF9C0  }
0xea: {  	[hbm4b:s6+s3] =	stream.linear.scatter [tilespmem:s9], [sflag:$0x4], $0x6400, $0x38;
	[tilespmem:$0x13000] =	vst v63  }
.LBB2_7:
0xeb: {  	_ =	sfence.sel $0x180000  }
0xec: {  	[bflag:$0x0] =	sbarrier.arrive $0xFFFF  }
0xed: {  	_ =	strace $0x9000004A  }
0xee: {  	s0 =	stileid.u32;
	[bflag:$0x2] =	sbarrier.arrive $0xFFFF  }
0xef: {  	p0 =	sne.s32 s0, $0x0;
	s0 =	rddreg [dreg:$0x2]  }
0xf0: {  	s0 =	sadd.s32 @!p0 $0x100000, s0  }
0xf1: {  	[sflag:s0] =	ssyncadd.tile.s32 @!p0 $0x1;
	_ =	shalt  }
.Lfunc_end2:
_tile_overlayer_lowered:
.L_overlay_start_2:
0xf2: {  	(tag) =	ssettag $0x2  }
0xf3: {  	s0 =	rddreg [dreg:$0x0];
	s2 =	stileid.u32  }
0xf4: {  	s1 =	rddreg [dreg:$0x1];
	p0 =	sne.s32 s2, $0x0  }
0xf5: {  	s3 =	rddreg [dreg:$0x2];
	[bflag:$0x3] =	sbarrier.arrive $0xFFFF;
	s2 =	simm.s32 @!p0 $0x1C03  }
0xf6: {  	[timem:s3], [sflag:s2] =	dma.local @!p0 [hbm:s0], s1  }
0xf7: {  	s0 =	simm.s32 @!p0 $0x3  }
0xf8: {  	_ =	swait.ge @!p0 [sflag:s0], s1  }
0xf9: {  	s1 =	ssub.s32 @!p0 $0x0, s1;
	[sflag:s0] =	ssyncset.done @!p0 $0x0  }
0xfa: {  	[sflag:s0] =	ssyncadd.s32 @!p0 s1  }
0xfb: {  	[bflag:$0x3] =	sbarrier.arrive $0xFFFF  }
0xfc: {  	_ =	shalt  }

// kernel: kernel.9.cloned.1.call-start
scs
__scs_entry_jumppad:
0x0: {  	(pc) =	sbr.rel $0x88, $3  }
0x1: {  	(tag) =	ssettag $0x0;
	lr =	simm.s32 $0x1  }
0x2: {  	[smem:$0x3F9D] =	sst lr;
	_ =	strace $0xD0000000  }
0x3: {  	_ = 	snop  }
0x4: {  	_ = 	snop  }
0x5: {  	_ = 	snop  }
0x6: {  	_ = 	snop  }
0x7: {  	_ = 	snop  }
__scs_overlays_trampoline_lowered:
0x8: {  	[smem:$0x3FAC] =	sst s0  }
0x9: {  	[smem:$0x3FAD] =	sst s1  }
0xa: {  	[smem:$0x3FAE] =	sst s2  }
0xb: {  	[smem:$0x3FAF] =	sst s3  }
0xc: {  	[smem:$0x3FB0] =	sst s4  }
0xd: {  	[smem:$0x3FB1] =	sst s5  }
0xe: {  	[smem:$0x3FB2] =	sst s6  }
0xf: {  	[smem:$0x3FB3] =	sst s7  }
0x10: {  	[smem:$0x3FB4] =	sst s8  }
0x11: {  	[smem:$0x3FB5] =	sst s9;
	s0 =	simm.s32 @!p0 $0x0  }
0x12: {  	s1 =	sld [smem:$0x3F9B];
	s0 =	simm.s32 @p0 $0x1  }
0x13: {  	[smem:$0x3FB6] =	sst s0;
	s0 =	simm.s32 @!p1 $0x0  }
0x14: {  	s2 =	sld [smem:$0x3F9A];
	s0 =	simm.s32 @p1 $0x1  }
0x15: {  	[smem:$0x3FB7] =	sst s0;
	s0 =	simm.s32 @!p2 $0x0  }
0x16: {  	s3 =	sld [smem:$0x3FDB];
	s0 =	simm.s32 @p2 $0x1  }
0x17: {  	s4 =	simm.s32 $0x1BF5;
	[smem:$0x3FB9] =	sst s0  }
0x18: {  	s0 =	sld [smem:$0x3F9C];
	_ =	swait.ge [sflag:s4], $0x0  }
0x19: {  	s7 =	sld [smem:$0x3F9D]  }
0x1a: {  	s8 =	sadd.s32 $0xFFFFE003, lr  }
0x1b: {  	s9 =	sadd.s32 $0xFFFFFEF7, lr;
	s5 =	simm.s32 $0xFFFFFFFF;
	p2 =	slt.u32 s8, $0xFFFFF086  }
0x1c: {  	p1 =	slt.u32 s9, $0xF7A;
	s5 =	simm.s32 @!p2 $0x0  }
0x1d: {  	s5 =	simm.s32 @p1 $0x1;
	p0 =	seq.s32 s7, s2  }
0x1e: {  	s7 =	smul.u32 @!p0 $0xF7A, s2;
	p2 =	seq.s32 @!p0 s5, $0x0  }
0x1f: {  	s9 =	smul.u32 $0xF7A, s1;
	s8 =	simm.s32 @!p0 $0x1BF5;
	p2 =	por !p2, p0  }
0x20: {  	[sflag:s8] =	ssyncset.s32 @!p0 $0xFFFFF086;
	s6 =	sadd.s32 @!p0 s3, s7;
	s7 =	simm.s32 @!p0 $0x108  }
0x21: {  	s3 =	sadd.s32 s3, s9;
	s6 =	sadd.s32 @!p0 $0x88, s6;
	s7 =	simm.s32 @p2 $0x1082  }
0x22: {  	[simem:s7], [sflag:s8] =	dma.local @!p0 [hbm:s6], $0xF7A  }
0x23: {  	s9 =	sor.u32 $0xD0000000, s2;
	s6 =	simm.s32 $0x108;
	_ =	swait.ge @!p0 [sflag:s8], $0x0  }
0x24: {  	s3 =	sadd.s32 $0x88, s3;
	s6 =	simm.s32 @!p1 $0x1082;
	[sflag:s4] =	ssyncset.s32 $0xFFFFF086  }
0x25: {  	[simem:s6], [sflag:s4] =	dma.local [hbm:s3], $0xF7A  }
0x26: {  	[smem:$0x3F9D] =	sst s1;
	(tag) =	ssettag s2;
	_ =	strace s9  }
0x27: {  	s1 =	sld [smem:$0x3FAD]  }
0x28: {  	s2 =	sld [smem:$0x3FAE]  }
0x29: {  	s4 =	sld [smem:$0x3FB0]  }
0x2a: {  	p0 =	seq.s32 s5, $0x0;
	s5 =	sld [smem:$0x3FB1]  }
0x2b: {  	s6 =	sld [smem:$0x3FB2]  }
0x2c: {  	s7 =	sld [smem:$0x3FB3]  }
0x2d: {  	s3 =	simm.s32 $0x108;
	s8 =	sld [smem:$0x3FB4]  }
0x2e: {  	s3 =	simm.s32 @!p0 $0x1082;
	s9 =	sld [smem:$0x3FB5]  }
0x2f: {  	lr =	sadd.s32 s0, s3;
	s0 =	sld [smem:$0x3FAC]  }
0x30: {  	s3 =	sld [smem:$0x3FAF]  }
0x31: {  	[smem:$0x3FB8] =	sst s10  }
0x32: {  	s10 =	sld [smem:$0x3FB6];
	_ =	sdelay $0x3  }
0x33: {  	p0 =	seq.s32 s10, $0x1;
	s10 =	sld [smem:$0x3FB8];
	_ =	sdelay $0x3  }
0x34: {  	[smem:$0x3FB8] =	sst s10  }
0x35: {  	s10 =	sld [smem:$0x3FB7];
	_ =	sdelay $0x3  }
0x36: {  	p1 =	seq.s32 s10, $0x1;
	s10 =	sld [smem:$0x3FB8];
	_ =	sdelay $0x3  }
0x37: {  	[smem:$0x3FB8] =	sst s10  }
0x38: {  	s10 =	sld [smem:$0x3FB9]  }
0x39: {  	_ = 	snop;
	(pc) =	sbr.ind lr, $3  }
0x3a: {  	_ = 	snop  }
0x3b: {  	_ = 	snop  }
0x3c: {  	p2 =	seq.s32 s10, $0x1;
	s10 =	sld [smem:$0x3FB8]  }
0x3d: {  	_ =	shalt  }
0x3e: {  	_ =	shalt  }
0x3f: {  	_ =	shalt  }
0x40: {  	_ =	shalt  }
0x41: {  	_ =	shalt  }
0x42: {  	_ =	shalt  }
0x43: {  	_ =	shalt  }
0x44: {  	_ =	shalt  }
0x45: {  	_ =	shalt  }
0x46: {  	_ =	shalt  }
0x47: {  	_ =	shalt  }
0x48: {  	_ =	shalt  }
0x49: {  	_ =	shalt  }
0x4a: {  	_ =	shalt  }
0x4b: {  	_ =	shalt  }
0x4c: {  	_ =	shalt  }
0x4d: {  	_ =	shalt  }
0x4e: {  	_ =	shalt  }
0x4f: {  	_ =	shalt  }
0x50: {  	_ =	shalt  }
0x51: {  	_ =	shalt  }
0x52: {  	_ =	shalt  }
0x53: {  	_ =	shalt  }
0x54: {  	_ =	shalt  }
0x55: {  	_ =	shalt  }
0x56: {  	_ =	shalt  }
0x57: {  	_ =	shalt  }
0x58: {  	_ =	shalt  }
0x59: {  	_ =	shalt  }
0x5a: {  	_ =	shalt  }
0x5b: {  	_ =	shalt  }
0x5c: {  	_ =	shalt  }
0x5d: {  	_ =	shalt  }
0x5e: {  	_ =	shalt  }
0x5f: {  	_ =	shalt  }
0x60: {  	_ =	shalt  }
0x61: {  	_ =	shalt  }
0x62: {  	_ =	shalt  }
0x63: {  	_ =	shalt  }
0x64: {  	_ =	shalt  }
0x65: {  	_ =	shalt  }
0x66: {  	_ =	shalt  }
0x67: {  	_ =	shalt  }
0x68: {  	_ =	shalt  }
0x69: {  	_ =	shalt  }
0x6a: {  	_ =	shalt  }
0x6b: {  	_ =	shalt  }
0x6c: {  	_ =	shalt  }
0x6d: {  	_ =	shalt  }
0x6e: {  	_ =	shalt  }
0x6f: {  	_ =	shalt  }
0x70: {  	_ =	shalt  }
0x71: {  	_ =	shalt  }
0x72: {  	_ =	shalt  }
0x73: {  	_ =	shalt  }
0x74: {  	_ =	shalt  }
0x75: {  	_ =	shalt  }
0x76: {  	_ =	shalt  }
0x77: {  	_ =	shalt  }
0x78: {  	_ =	shalt  }
0x79: {  	_ =	shalt  }
0x7a: {  	_ =	shalt  }
0x7b: {  	_ =	shalt  }
0x7c: {  	_ =	shalt  }
0x7d: {  	_ =	shalt  }
0x7e: {  	_ =	shalt  }
0x7f: {  	_ =	shalt  }
0x80: {  	_ =	shalt  }
0x81: {  	_ =	shalt  }
0x82: {  	_ =	shalt  }
0x83: {  	_ =	shalt  }
0x84: {  	_ =	shalt  }
0x85: {  	_ =	shalt  }
0x86: {  	_ =	shalt  }
0x87: {  	_ =	shalt  }
.Lfunc_end0:
.L_simem_size_0:
called_computation.1_lowered:
.L_overlay_start_0:
0x88: {  	s2 =	sld [smem:$0x3FD9]  }
0x89: {  	s3 =	sld [smem:$0x3FFE];
	_ =	sdelay $0x1  }
0x8a: {  	s1 =	srdreg.scid  }
0x8b: {  	s0 =	sand.u32 $0x1, s1  }
0x8c: {  	s17 =	sshll.u32 s0, $0xA;
	s2 =	sadd.s32 s3, s2  }
0x8d: {  	s2 =	sadd.s32 s2, s17  }
0x8e: {  	[smem:$0x3FC4] =	sst s2  }
0x8f: {  	_ = 	snop  }
0x90: {  	s2 =	sld [smem:$0x3FD0];
	(tm) =	ssettm $0x1  }
0x91: {  	s18 =	sld [smem:$0x3FFB];
	_ =	sdelay $0x3  }
0x92: {  	_ =	strace s18  }
0x93: {  	s3 =	sld [smem:$0x3FFC];
	_ =	sdelay $0x3  }
0x94: {  	_ =	strace s3  }
0x95: {  	s3 =	sld [smem:$0x3FFD];
	_ =	sdelay $0x3  }
0x96: {  	_ =	strace s3  }
0x97: {  	_ =	strace $0x8FFFFFFF  }
0x98: {  	s19 =	sld [smem:$0x3FDB];
	_ =	sdelay $0x1  }
0x99: {  	s4 =	simm.s32 $_scs_section_size  }
0x9a: {  	s5 =	simm.s32 $_size__tile_overlayer_lowered;
	s6 =	simm.s32 $_tile_overlayer_lowered  }
0x9b: {  	s22 =	simm.s32 $0x1BFF;
	s21 =	sshll.u32 s6, $0x1;
	s3 =	sadd.s32 s4, s19  }
0x9c: {  	s7 =	simm.s32 $0x0;
	s20 =	sshll.u32 s5, $0x1;
	s5 =	sadd.s32 s21, s3  }
0x9d: {  	[timem:s7], [sflag:s22] =	dma.local [hbm:s5], s20  }
0x9e: {  	_ =	swait.ge [sflag:s22], s20  }
0x9f: {  	s4 =	ssub.s32 $0x0, s20;
	[sflag:s22] =	ssyncset.done $0x0  }
0xa0: {  	[sflag:s22] =	ssyncadd.s32 s4;
	_ =	sdelay $0x1  }
0xa1: {  	s23 =	simm.s32 $0x1B8B  }
0xa2: {  	_ =	swait.ge [sflag:s23], $0x1  }
0xa3: {  	[sflag:s23] =	ssyncset.done $0x0  }
0xa4: {  	s25 =	simm.s32 $0x1B8E;
	s24 =	sld [smem:$0x3FFE];
	[sflag:s23] =	ssyncadd.s32 $0xFFFFFFFF  }
0xa5: {  	s26 =	simm.s32 $execute0_lowered;
	[smem:$0x3FD2] =	sst s25  }
0xa6: {  	s5 =	sshll.u32 s26, $0x1;
	_ =	strace $0x80000046;
	[dreg:$0x1] =	wrdreg $0xFFFFFFFF  }
0xa7: {  	s28 =	simm.s32 $_size_execute0_lowered;
	s3 =	sadd.s32 s3, s5;
	[dreg:$0x0] =	wrdreg $0x0  }
0xa8: {  	s5 =	sshll.u32 s28, $0x1;
	[dreg:$0x2] =	wrdreg s3  }
0xa9: {  	[dreg:$0x3] =	wrdreg s5  }
0xaa: {  	[dreg:$0x4] =	wrdreg $0xC0  }
0xab: {  	_ =	task [dreg:s7], $0x5FFFF  }
0xac: {  	[dreg:$0x1] =	wrdreg $0xFFFFFFFF  }
0xad: {  	[dreg:$0x0] =	wrdreg $0x60  }
0xae: {  	[dreg:$0x2] =	wrdreg s2  }
0xaf: {  	[dreg:$0x3] =	wrdreg s24  }
0xb0: {  	[dreg:$0x4] =	wrdreg $0xA  }
0xb1: {  	_ =	task.clear_ibuf [dreg:s7], $0x5FFFF;
	_ =	strace $0x90000046  }
0xb2: {  	s29 =	simm.s32 $0xA;
	_ =	strace $0x80000048  }
0xb3: {  	_ =	swait.ge [sflag:s29], $0x1  }
0xb4: {  	[sflag:s29] =	ssyncadd.s32 $0xFFFFFFFF  }
0xb5: {  	_ =	strace $0x90000048  }
0xb6: {  	_ =	sfence  }
0xb7: {  	s30 =	sld [smem:$0x0];
	_ =	sdelay $0x2  }
0xb8: {  	s31 =	sshll.u32 s1, $0xD;
	s1 =	sshrl.u32 s1, $0x2  }
0xb9: {  	s3 =	sand.u32 $0x4000, s31;
	s1 =	sadd.s32 s1, s30  }
0xba: {  	s0 =	sor.u32 s3, s0;
	s1 =	sshll.u32 s1, $0x11  }
0xbb: {  	s0 =	sor.u32 s1, s0  }
0xbc: {  	s0 =	sadd.s32 $0x8F2B, s0  }
0xbd: {  	[sflag:s0] =	ssyncadd.remote.s32 $0x1  }
0xbe: {  	_ =	sfence.sel $0xFFFF  }
0xbf: {  	[dreg:$0x0] =	wrdreg $0xFFFFFFFF;
	(pc) =	sbr.abs _section_cstart, $3  }
0xc0: {  	[dreg:$0x1] =	wrdreg $0xFFFFFFFF  }
0xc1: {  	_ =	task.clear_ibuf [dreg:s7], $0x2FFFF;
	_ =	strace $0x9FFFFFFF  }
0xc2: {  	(tm) =	ssettm $0x7FFFFFFF  }
0xc3: {  	_ =	shalt  }
tec
execute0_lowered:
.L_overlay_start_1:
0x0: {  	(tag) =	ssettag $0x1  }
0x1: {  	s0 =	srdreg.scid;
	s2 =	rddreg [dreg:$0x0]  }
0x2: {  	s5 =	stileid.u32;
	s4 =	rddreg [dreg:$0x1]  }
0x3: {  	s7 =	simm.s32 $0x3;
	s8 =	simm.s32 $0x64;
	s9 =	simm.s32 $0x6800  }
0x4: {  	s17 =	simm.s32 $0xCC00;
	s18 =	simm.s32 $0xD240;
	s19 =	simm.s32 $0xD880  }
0x5: {  	s20 =	simm.s32 $0xDEC0;
	s21 =	simm.s32 $0xE500;
	s22 =	simm.s32 $0xEB40  }
0x6: {  	s23 =	simm.s32 $0xF180;
	s24 =	simm.s32 $0xF7C0;
	s28 =	simm.s32 $0x10A80  }
0x7: {  	s29 =	simm.s32 $0x110C0;
	s30 =	simm.s32 $0x11700;
	s31 =	simm.s32 $0x11D40  }
0x8: {  	s10 =	simm.s32 $0x1;
	s11 =	simm.s32 $0x2;
	s12 =	simm.s32 $0x0  }
0x9: {  	s0 =	sand.u32 $0x1, s0;
	s1 =	sshll.u32 s5, $0x9;
	s5 =	smul.u32 $0x19000, s5  }
0xa: {  	s3 =	sshll.u32 s0, $0x8;
	s6 =	ssub.s32 $0x2, s0;
	s0 =	smul.u32 $0xC800, s0  }
0xb: {  	s1 =	sor.u32 s3, s1;
	s3 =	simm.s32 $0x0;
	s5 =	sadd.s32 s5, s4  }
0xc: {  	s25 =	sshrl.u32 s6, $0x1;
	s1 =	smul.u32 $0xD, s1;
	[smem:$0x7FF] =	sst s3  }
.Ltmp0:
0xd: {  	s6 =	ssub.s32 s6, s25;
	s0 =	sadd.s32 s0, s5;
	(pc) =	sbr.rel .LBB2_1-.Ltmp0, $4  }
0xe: {  	s25 =	simm.s32 $0xFE00;
	_ =	strace $0x80000047;
	s26 =	smax.u32 s6, $0x1  }
0xf: {  	s0 =	sadd.s32 $0x1B600, s0;
	s1 =	sadd.s32 s1, s4;
	[dreg:$0x4] =	wrdreg s26  }
0x10: {  	[dreg:$0x5] =	wrdreg s0;
	s26 =	simm.s32 $0x10440;
	s1 =	sadd.s32 $0x1600, s1  }
0x11: {  	s0 =	simm.s32 $0x129C0;
	[dreg:$0x3] =	wrdreg s1;
	s1 =	simm.s32 $0x12380  }
.LBB2_6:
0x12: {  	s12 =	sadd.s32 $0x1, s12;
	s4 =	rddreg [dreg:$0x4]  }
0x13: {  	p0 =	sne.s32 s12, s4  }
.Ltmp1:
0x14: {  	_ = 	snop;
	(pc) =	sbr.rel @!p0 .LBB2_7-.Ltmp1, $1  }
0x15: {  	_ =	sdelay $0x3  }
.LBB2_1:
0x16: {  	s4 =	rddreg [dreg:$0x3]  }
0x17: {  	[tilespmem:s3], [sflag:$0x3] =	stream.linear.gather [hbm4b:s4+s3], $0x6800, $0x38;
	[tilespmem:$0x13000] =	vst v63  }
0x18: {  	_ =	swait.ge [sflag:s7], $0x6800  }
0x19: {  	[sflag:s7] =	ssyncset.done $0x0  }
0x1a: {  	[sflag:s7] =	ssyncadd.s32 $0xFFFF9800  }
0x1b: {  	[tilespmem:s9], [sflag:$0x1] =	stream.indirect.gather [hbm4b:s2+s8], $0x10, s3, s8, $0xb8;
	[tilespmem:$0x13000] =	vst v63  }
0x1c: {  	s6 =	simm.s32 $0x68;
	s5 =	simm.s32 $0x6E40  }
0x1d: {  	[tilespmem:s5], [sflag:$0x1] =	stream.indirect.gather [hbm4b:s2+s8], $0x10, s6, s8, $0xb8;
	[tilespmem:$0x13000] =	vst v63  }
0x1e: {  	s13 =	simm.s32 $0xD0;
	s14 =	simm.s32 $0x7480  }
0x1f: {  	[tilespmem:s14], [sflag:$0x1] =	stream.indirect.gather [hbm4b:s2+s8], $0x10, s13, s8, $0xb8;
	[tilespmem:$0x13000] =	vst v63  }
0x20: {  	s15 =	simm.s32 $0x138;
	s16 =	simm.s32 $0x7AC0  }
0x21: {  	[tilespmem:s16], [sflag:$0x1] =	stream.indirect.gather [hbm4b:s2+s8], $0x10, s15, s8, $0xb8;
	[tilespmem:$0x13000] =	vst v63  }
0x22: {  	s5 =	simm.s32 $0x1A0;
	s6 =	simm.s32 $0x8100  }
0x23: {  	[tilespmem:s6], [sflag:$0x1] =	stream.indirect.gather [hbm4b:s2+s8], $0x10, s5, s8, $0xb8;
	[tilespmem:$0x13000] =	vst v63  }
0x24: {  	s13 =	simm.s32 $0x208;
	s14 =	simm.s32 $0x8740  }
0x25: {  	[tilespmem:s14], [sflag:$0x1] =	stream.indirect.gather [hbm4b:s2+s8], $0x10, s13, s8, $0xb8;
	[tilespmem:$0x13000] =	vst v63  }
0x26: {  	s15 =	simm.s32 $0x270;
	s16 =	simm.s32 $0x8D80  }
0x27: {  	[tilespmem:s16], [sflag:$0x1] =	stream.indirect.gather [hbm4b:s2+s8], $0x10, s15, s8, $0xb8;
	[tilespmem:$0x13000] =	vst v63  }
0x28: {  	s5 =	simm.s32 $0x2D8;
	s6 =	simm.s32 $0x93C0  }
0x29: {  	[tilespmem:s6], [sflag:$0x1] =	stream.indirect.gather [hbm4b:s2+s8], $0x10, s5, s8, $0xb8;
	[tilespmem:$0x13000] =	vst v63  }
0x2a: {  	s13 =	simm.s32 $0x340;
	s14 =	simm.s32 $0x9A00  }
0x2b: {  	[tilespmem:s14], [sflag:$0x1] =	stream.indirect.gather [hbm4b:s2+s8], $0x10, s13, s8, $0xb8;
	[tilespmem:$0x13000] =	vst v63  }
0x2c: {  	s15 =	simm.s32 $0x3A8;
	s16 =	simm.s32 $0xA040  }
0x2d: {  	[tilespmem:s16], [sflag:$0x1] =	stream.indirect.gather [hbm4b:s2+s8], $0x10, s15, s8, $0xb8;
	[tilespmem:$0x13000] =	vst v63  }
0x2e: {  	s5 =	simm.s32 $0x410;
	s6 =	simm.s32 $0xA680  }
0x2f: {  	[tilespmem:s6], [sflag:$0x1] =	stream.indirect.gather [hbm4b:s2+s8], $0x10, s5, s8, $0xb8;
	[tilespmem:$0x13000] =	vst v63  }
0x30: {  	s13 =	simm.s32 $0x478;
	s14 =	simm.s32 $0xACC0  }
0x31: {  	[tilespmem:s14], [sflag:$0x1] =	stream.indirect.gather [hbm4b:s2+s8], $0x10, s13, s8, $0xb8;
	[tilespmem:$0x13000] =	vst v63  }
0x32: {  	s15 =	simm.s32 $0x4E0;
	s16 =	simm.s32 $0xB300  }
0x33: {  	[tilespmem:s16], [sflag:$0x1] =	stream.indirect.gather [hbm4b:s2+s8], $0x10, s15, s8, $0xb8;
	[tilespmem:$0x13000] =	vst v63  }
0x34: {  	s5 =	simm.s32 $0x548;
	s6 =	simm.s32 $0xB940  }
0x35: {  	[tilespmem:s6], [sflag:$0x1] =	stream.indirect.gather [hbm4b:s2+s8], $0x10, s5, s8, $0xb8;
	[tilespmem:$0x13000] =	vst v63  }
.Ltmp2:
0x36: {  	s13 =	simm.s32 $0x5B0;
	s14 =	simm.s32 $0xBF80;
	(pc) =	sbr.rel .LBB2_2-.Ltmp2, $4  }
0x37: {  	[tilespmem:s14], [sflag:$0x1] =	stream.indirect.gather [hbm4b:s2+s8], $0x10, s13, s8, $0xb8;
	[tilespmem:$0x13000] =	vst v63  }
0x38: {  	s15 =	simm.s32 $0x618;
	s16 =	simm.s32 $0xC5C0  }
0x39: {  	[tilespmem:s16], [sflag:$0x1] =	stream.indirect.gather [hbm4b:s2+s8], $0x10, s15, s8, $0xb8;
	[tilespmem:$0x13000] =	vst v63  }
0x3a: {  	s6 =	rddreg [dreg:$0x5];
	s14 =	simm.s32 $0x0;
	s15 =	simm.s32 $0x0  }
.LBB2_4:
0x3b: {  	p0 =	seq.s32 s14, $0x18600  }
0x3c: {  	s4 =	sshra.s32 @!p0 s14, $0x2  }
0x3d: {  	s5 =	simm.s32 @!p0 $0x64;
	s13 =	simm.s32 @!p0 $0x6800;
	s16 =	sadd.s32 @!p0 $0x680, s4  }
0x3e: {  	[tilespmem:s13], [sflag:$0x1] =	stream.indirect.gather @!p0 [hbm4b:s2+s5], $0x10, s16, s5, $0xb8;
	[tilespmem:$0x13000] =	vst v63  }
0x3f: {  	s13 =	sadd.s32 @!p0 $0x6E8, s4;
	s16 =	simm.s32 @!p0 $0x6E40  }
0x40: {  	[tilespmem:s16], [sflag:$0x1] =	stream.indirect.gather @!p0 [hbm4b:s2+s5], $0x10, s13, s5, $0xb8;
	[tilespmem:$0x13000] =	vst v63  }
0x41: {  	s13 =	sadd.s32 @!p0 $0x750, s4;
	s16 =	simm.s32 @!p0 $0x7480  }
0x42: {  	[tilespmem:s16], [sflag:$0x1] =	stream.indirect.gather @!p0 [hbm4b:s2+s5], $0x10, s13, s5, $0xb8;
	[tilespmem:$0x13000] =	vst v63  }
0x43: {  	s13 =	sadd.s32 @!p0 $0x7B8, s4;
	s16 =	simm.s32 @!p0 $0x7AC0  }
0x44: {  	[tilespmem:s16], [sflag:$0x1] =	stream.indirect.gather @!p0 [hbm4b:s2+s5], $0x10, s13, s5, $0xb8;
	[tilespmem:$0x13000] =	vst v63  }
0x45: {  	s13 =	sadd.s32 @!p0 $0x820, s4;
	s16 =	simm.s32 @!p0 $0x8100  }
0x46: {  	[tilespmem:s16], [sflag:$0x1] =	stream.indirect.gather @!p0 [hbm4b:s2+s5], $0x10, s13, s5, $0xb8;
	[tilespmem:$0x13000] =	vst v63  }
0x47: {  	s13 =	sadd.s32 @!p0 $0x888, s4;
	s16 =	simm.s32 @!p0 $0x8740  }
0x48: {  	[tilespmem:s16], [sflag:$0x1] =	stream.indirect.gather @!p0 [hbm4b:s2+s5], $0x10, s13, s5, $0xb8;
	[tilespmem:$0x13000] =	vst v63  }
0x49: {  	s13 =	sadd.s32 @!p0 $0x8F0, s4;
	s16 =	simm.s32 @!p0 $0x8D80  }
0x4a: {  	[tilespmem:s16], [sflag:$0x1] =	stream.indirect.gather @!p0 [hbm4b:s2+s5], $0x10, s13, s5, $0xb8;
	[tilespmem:$0x13000] =	vst v63  }
0x4b: {  	s13 =	sadd.s32 @!p0 $0x958, s4;
	s16 =	simm.s32 @!p0 $0x93C0  }
0x4c: {  	[tilespmem:s16], [sflag:$0x1] =	stream.indirect.gather @!p0 [hbm4b:s2+s5], $0x10, s13, s5, $0xb8;
	[tilespmem:$0x13000] =	vst v63  }
0x4d: {  	s13 =	sadd.s32 @!p0 $0x9C0, s4;
	s16 =	simm.s32 @!p0 $0x9A00  }
0x4e: {  	[tilespmem:s16], [sflag:$0x1] =	stream.indirect.gather @!p0 [hbm4b:s2+s5], $0x10, s13, s5, $0xb8;
	[tilespmem:$0x13000] =	vst v63  }
0x4f: {  	s13 =	sadd.s32 @!p0 $0xA28, s4;
	s16 =	simm.s32 @!p0 $0xA040  }
0x50: {  	[tilespmem:s16], [sflag:$0x1] =	stream.indirect.gather @!p0 [hbm4b:s2+s5], $0x10, s13, s5, $0xb8;
	[tilespmem:$0x13000] =	vst v63  }
0x51: {  	s13 =	sadd.s32 @!p0 $0xA90, s4;
	s16 =	simm.s32 @!p0 $0xA680  }
0x52: {  	[tilespmem:s16], [sflag:$0x1] =	stream.indirect.gather @!p0 [hbm4b:s2+s5], $0x10, s13, s5, $0xb8;
	[tilespmem:$0x13000] =	vst v63  }
0x53: {  	s13 =	sadd.s32 @!p0 $0xAF8, s4;
	s16 =	simm.s32 @!p0 $0xACC0  }
0x54: {  	[tilespmem:s16], [sflag:$0x1] =	stream.indirect.gather @!p0 [hbm4b:s2+s5], $0x10, s13, s5, $0xb8;
	[tilespmem:$0x13000] =	vst v63  }
0x55: {  	s13 =	sadd.s32 @!p0 $0xB60, s4;
	s16 =	simm.s32 @!p0 $0xB300  }
0x56: {  	[tilespmem:s16], [sflag:$0x1] =	stream.indirect.gather @!p0 [hbm4b:s2+s5], $0x10, s13, s5, $0xb8;
	[tilespmem:$0x13000] =	vst v63  }
0x57: {  	s13 =	sadd.s32 @!p0 $0xBC8, s4;
	s16 =	simm.s32 @!p0 $0xB940  }
0x58: {  	[tilespmem:s16], [sflag:$0x1] =	stream.indirect.gather @!p0 [hbm4b:s2+s5], $0x10, s13, s5, $0xb8;
	[tilespmem:$0x13000] =	vst v63  }
0x59: {  	s13 =	sadd.s32 @!p0 $0xC30, s4;
	s16 =	simm.s32 @!p0 $0xBF80  }
0x5a: {  	[tilespmem:s16], [sflag:$0x1] =	stream.indirect.gather @!p0 [hbm4b:s2+s5], $0x10, s13, s5, $0xb8;
	[tilespmem:$0x13000] =	vst v63  }
0x5b: {  	s4 =	sadd.s32 @!p0 $0xC98, s4;
	s13 =	simm.s32 @!p0 $0xC5C0  }
0x5c: {  	[tilespmem:s13], [sflag:$0x1] =	stream.indirect.gather @!p0 [hbm4b:s2+s5], $0x10, s4, s5, $0xb8;
	[tilespmem:$0x13000] =	vst v63  }
0x5d: {  	_ =	swait.ge [sflag:s11], $0x640  }
0x5e: {  	[sflag:s11] =	ssyncset.done $0x0  }
0x5f: {  	[sflag:s11] =	ssyncadd.s32 $0xFFFFF9C0  }
0x60: {  	_ =	swait.ge [sflag:s11], $0x640  }
0x61: {  	[sflag:s11] =	ssyncset.done $0x0  }
0x62: {  	[sflag:s11] =	ssyncadd.s32 $0xFFFFF9C0  }
0x63: {  	_ =	swait.ge [sflag:s11], $0x640  }
0x64: {  	[sflag:s11] =	ssyncset.done $0x0  }
0x65: {  	[sflag:s11] =	ssyncadd.s32 $0xFFFFF9C0  }
0x66: {  	_ =	swait.ge [sflag:s11], $0x640  }
0x67: {  	[sflag:s11] =	ssyncset.done $0x0  }
0x68: {  	[sflag:s11] =	ssyncadd.s32 $0xFFFFF9C0  }
0x69: {  	_ =	swait.ge [sflag:s11], $0x640  }
0x6a: {  	[sflag:s11] =	ssyncset.done $0x0  }
0x6b: {  	[sflag:s11] =	ssyncadd.s32 $0xFFFFF9C0  }
0x6c: {  	_ =	swait.ge [sflag:s11], $0x640  }
0x6d: {  	[sflag:s11] =	ssyncset.done $0x0  }
0x6e: {  	[sflag:s11] =	ssyncadd.s32 $0xFFFFF9C0  }
0x6f: {  	_ =	swait.ge [sflag:s11], $0x640  }
0x70: {  	[sflag:s11] =	ssyncset.done $0x0  }
0x71: {  	[sflag:s11] =	ssyncadd.s32 $0xFFFFF9C0  }
0x72: {  	_ =	swait.ge [sflag:s11], $0x640  }
0x73: {  	[sflag:s11] =	ssyncset.done $0x0  }
0x74: {  	[sflag:s11] =	ssyncadd.s32 $0xFFFFF9C0  }
0x75: {  	_ =	swait.ge [sflag:s11], $0x640  }
0x76: {  	[sflag:s11] =	ssyncset.done $0x0  }
0x77: {  	[sflag:s11] =	ssyncadd.s32 $0xFFFFF9C0  }
0x78: {  	_ =	swait.ge [sflag:s11], $0x640  }
0x79: {  	[sflag:s11] =	ssyncset.done $0x0  }
0x7a: {  	[sflag:s11] =	ssyncadd.s32 $0xFFFFF9C0  }
0x7b: {  	_ =	swait.ge [sflag:s11], $0x640  }
0x7c: {  	[sflag:s11] =	ssyncset.done $0x0  }
0x7d: {  	[sflag:s11] =	ssyncadd.s32 $0xFFFFF9C0  }
0x7e: {  	_ =	swait.ge [sflag:s11], $0x640  }
0x7f: {  	[sflag:s11] =	ssyncset.done $0x0  }
0x80: {  	[sflag:s11] =	ssyncadd.s32 $0xFFFFF9C0  }
0x81: {  	_ =	swait.ge [sflag:s11], $0x640  }
0x82: {  	[sflag:s11] =	ssyncset.done $0x0  }
0x83: {  	[sflag:s11] =	ssyncadd.s32 $0xFFFFF9C0  }
0x84: {  	_ =	swait.ge [sflag:s11], $0x640  }
0x85: {  	[sflag:s11] =	ssyncset.done $0x0  }
0x86: {  	[sflag:s11] =	ssyncadd.s32 $0xFFFFF9C0  }
0x87: {  	_ =	swait.ge [sflag:s11], $0x640  }
0x88: {  	[sflag:s11] =	ssyncset.done $0x0  }
0x89: {  	[sflag:s11] =	ssyncadd.s32 $0xFFFFF9C0  }
0x8a: {  	_ =	swait.ge [sflag:s11], $0x640  }
0x8b: {  	[sflag:s11] =	ssyncset.done $0x0  }
0x8c: {  	s16 =	simm.s32 $0x3;
	[sflag:s11] =	ssyncadd.s32 $0xFFFFF9C0  }
0x8d: {  	[hbm4b:s6+s3] =	stream.linear.scatter [tilespmem:s17], [sflag:$0x3], $0x6400, $0x38;
	[tilespmem:$0x13000] =	vst v63  }
.LBB2_5:
0x8e: {  	s14 =	sadd.s32 $0x1A00, s14  }
0x8f: {  	p0 =	sne.s32 s14, $0x1A000  }
.Ltmp3:
0x90: {  	_ = 	snop;
	(pc) =	sbr.rel @!p0 .LBB2_6-.Ltmp3, $4  }
0x91: {  	_ = 	snop  }
0x92: {  	_ =	swait.ge [sflag:s16], $0x6400  }
0x93: {  	[sflag:s16] =	ssyncset.done $0x0  }
0x94: {  	s15 =	sadd.s32 $0x1, s15;
	s6 =	sadd.s32 $0xC80, s6;
	[sflag:s16] =	ssyncadd.s32 $0xFFFF9C00  }
.LBB2_2:
0x95: {  	s16 =	sand.u32 $0x1, s15  }
0x96: {  	p0 =	seq.s32 s16, $0x1  }
.Ltmp4:
0x97: {  	_ = 	snop;
	(pc) =	sbr.rel @p0 .LBB2_4-.Ltmp4, $1  }
0x98: {  	_ =	sdelay $0x3  }
0x99: {  	s16 =	sshra.s32 s14, $0x2  }
0x9a: {  	s4 =	sadd.s32 $0x680, s16  }
0x9b: {  	[tilespmem:s17], [sflag:$0x2] =	stream.indirect.gather [hbm4b:s2+s8], $0x10, s4, s8, $0xb8;
	[tilespmem:$0x13000] =	vst v63  }
0x9c: {  	s5 =	sadd.s32 $0x6E8, s16  }
0x9d: {  	[tilespmem:s18], [sflag:$0x2] =	stream.indirect.gather [hbm4b:s2+s8], $0x10, s5, s8, $0xb8;
	[tilespmem:$0x13000] =	vst v63  }
0x9e: {  	s13 =	sadd.s32 $0x750, s16  }
0x9f: {  	[tilespmem:s19], [sflag:$0x2] =	stream.indirect.gather [hbm4b:s2+s8], $0x10, s13, s8, $0xb8;
	[tilespmem:$0x13000] =	vst v63  }
0xa0: {  	s5 =	sadd.s32 $0x7B8, s16  }
0xa1: {  	[tilespmem:s20], [sflag:$0x2] =	stream.indirect.gather [hbm4b:s2+s8], $0x10, s5, s8, $0xb8;
	[tilespmem:$0x13000] =	vst v63  }
0xa2: {  	s13 =	sadd.s32 $0x820, s16  }
0xa3: {  	[tilespmem:s21], [sflag:$0x2] =	stream.indirect.gather [hbm4b:s2+s8], $0x10, s13, s8, $0xb8;
	[tilespmem:$0x13000] =	vst v63  }
0xa4: {  	s5 =	sadd.s32 $0x888, s16  }
0xa5: {  	[tilespmem:s22], [sflag:$0x2] =	stream.indirect.gather [hbm4b:s2+s8], $0x10, s5, s8, $0xb8;
	[tilespmem:$0x13000] =	vst v63  }
0xa6: {  	s13 =	sadd.s32 $0x8F0, s16  }
0xa7: {  	[tilespmem:s23], [sflag:$0x2] =	stream.indirect.gather [hbm4b:s2+s8], $0x10, s13, s8, $0xb8;
	[tilespmem:$0x13000] =	vst v63  }
0xa8: {  	s5 =	sadd.s32 $0x958, s16  }
0xa9: {  	[tilespmem:s24], [sflag:$0x2] =	stream.indirect.gather [hbm4b:s2+s8], $0x10, s5, s8, $0xb8;
	[tilespmem:$0x13000] =	vst v63  }
0xaa: {  	s13 =	sadd.s32 $0x9C0, s16  }
0xab: {  	[tilespmem:s25], [sflag:$0x2] =	stream.indirect.gather [hbm4b:s2+s8], $0x10, s13, s8, $0xb8;
	[tilespmem:$0x13000] =	vst v63  }
0xac: {  	s5 =	sadd.s32 $0xA28, s16  }
0xad: {  	[tilespmem:s26], [sflag:$0x2] =	stream.indirect.gather [hbm4b:s2+s8], $0x10, s5, s8, $0xb8;
	[tilespmem:$0x13000] =	vst v63  }
0xae: {  	s13 =	sadd.s32 $0xA90, s16  }
0xaf: {  	[tilespmem:s28], [sflag:$0x2] =	stream.indirect.gather [hbm4b:s2+s8], $0x10, s13, s8, $0xb8;
	[tilespmem:$0x13000] =	vst v63  }
0xb0: {  	s5 =	sadd.s32 $0xAF8, s16  }
0xb1: {  	[tilespmem:s29], [sflag:$0x2] =	stream.indirect.gather [hbm4b:s2+s8], $0x10, s5, s8, $0xb8;
	[tilespmem:$0x13000] =	vst v63  }
0xb2: {  	s13 =	sadd.s32 $0xB60, s16  }
0xb3: {  	[tilespmem:s30], [sflag:$0x2] =	stream.indirect.gather [hbm4b:s2+s8], $0x10, s13, s8, $0xb8;
	[tilespmem:$0x13000] =	vst v63  }
0xb4: {  	s5 =	sadd.s32 $0xBC8, s16  }
0xb5: {  	[tilespmem:s31], [sflag:$0x2] =	stream.indirect.gather [hbm4b:s2+s8], $0x10, s5, s8, $0xb8;
	[tilespmem:$0x13000] =	vst v63  }
0xb6: {  	s13 =	sadd.s32 $0xC30, s16  }
0xb7: {  	[tilespmem:s1], [sflag:$0x2] =	stream.indirect.gather [hbm4b:s2+s8], $0x10, s13, s8, $0xb8;
	[tilespmem:$0x13000] =	vst v63  }
0xb8: {  	s16 =	sadd.s32 $0xC98, s16  }
0xb9: {  	[tilespmem:s0], [sflag:$0x2] =	stream.indirect.gather [hbm4b:s2+s8], $0x10, s16, s8, $0xb8;
	[tilespmem:$0x13000] =	vst v63  }
0xba: {  	_ =	swait.ge [sflag:s10], $0x640  }
0xbb: {  	[sflag:s10] =	ssyncset.done $0x0  }
0xbc: {  	[sflag:s10] =	ssyncadd.s32 $0xFFFFF9C0  }
0xbd: {  	_ =	swait.ge [sflag:s10], $0x640  }
0xbe: {  	[sflag:s10] =	ssyncset.done $0x0  }
0xbf: {  	[sflag:s10] =	ssyncadd.s32 $0xFFFFF9C0  }
0xc0: {  	_ =	swait.ge [sflag:s10], $0x640  }
0xc1: {  	[sflag:s10] =	ssyncset.done $0x0  }
0xc2: {  	[sflag:s10] =	ssyncadd.s32 $0xFFFFF9C0  }
0xc3: {  	_ =	swait.ge [sflag:s10], $0x640  }
0xc4: {  	[sflag:s10] =	ssyncset.done $0x0  }
0xc5: {  	[sflag:s10] =	ssyncadd.s32 $0xFFFFF9C0  }
0xc6: {  	_ =	swait.ge [sflag:s10], $0x640  }
0xc7: {  	[sflag:s10] =	ssyncset.done $0x0  }
0xc8: {  	[sflag:s10] =	ssyncadd.s32 $0xFFFFF9C0  }
0xc9: {  	_ =	swait.ge [sflag:s10], $0x640  }
0xca: {  	[sflag:s10] =	ssyncset.done $0x0  }
0xcb: {  	[sflag:s10] =	ssyncadd.s32 $0xFFFFF9C0  }
0xcc: {  	_ =	swait.ge [sflag:s10], $0x640  }
0xcd: {  	[sflag:s10] =	ssyncset.done $0x0  }
0xce: {  	[sflag:s10] =	ssyncadd.s32 $0xFFFFF9C0  }
0xcf: {  	_ =	swait.ge [sflag:s10], $0x640  }
0xd0: {  	[sflag:s10] =	ssyncset.done $0x0  }
0xd1: {  	[sflag:s10] =	ssyncadd.s32 $0xFFFFF9C0  }
0xd2: {  	_ =	swait.ge [sflag:s10], $0x640  }
0xd3: {  	[sflag:s10] =	ssyncset.done $0x0  }
0xd4: {  	[sflag:s10] =	ssyncadd.s32 $0xFFFFF9C0  }
0xd5: {  	_ =	swait.ge [sflag:s10], $0x640  }
0xd6: {  	[sflag:s10] =	ssyncset.done $0x0  }
0xd7: {  	[sflag:s10] =	ssyncadd.s32 $0xFFFFF9C0  }
0xd8: {  	_ =	swait.ge [sflag:s10], $0x640  }
0xd9: {  	[sflag:s10] =	ssyncset.done $0x0  }
0xda: {  	[sflag:s10] =	ssyncadd.s32 $0xFFFFF9C0  }
0xdb: {  	_ =	swait.ge [sflag:s10], $0x640  }
0xdc: {  	[sflag:s10] =	ssyncset.done $0x0  }
0xdd: {  	[sflag:s10] =	ssyncadd.s32 $0xFFFFF9C0  }
0xde: {  	_ =	swait.ge [sflag:s10], $0x640  }
0xdf: {  	[sflag:s10] =	ssyncset.done $0x0  }
0xe0: {  	[sflag:s10] =	ssyncadd.s32 $0xFFFFF9C0  }
0xe1: {  	_ =	swait.ge [sflag:s10], $0x640  }
0xe2: {  	[sflag:s10] =	ssyncset.done $0x0  }
0xe3: {  	[sflag:s10] =	ssyncadd.s32 $0xFFFFF9C0  }
0xe4: {  	_ =	swait.ge [sflag:s10], $0x640  }
0xe5: {  	[sflag:s10] =	ssyncset.done $0x0  }
.Ltmp5:
0xe6: {  	[sflag:s10] =	ssyncadd.s32 $0xFFFFF9C0;
	(pc) =	sbr.rel .LBB2_5-.Ltmp5, $4  }
0xe7: {  	_ =	swait.ge [sflag:s10], $0x640  }
0xe8: {  	[sflag:s10] =	ssyncset.done $0x0  }
0xe9: {  	s16 =	simm.s32 $0x4;
	[sflag:s10] =	ssyncadd.s32 $0xFFFFF9C0  }
0xea: {  	[hbm4b:s6+s3] =	stream.linear.scatter [tilespmem:s9], [sflag:$0x4], $0x6400, $0x38;
	[tilespmem:$0x13000] =	vst v63  }
.LBB2_7:
0xeb: {  	_ =	sfence.sel $0x180000  }
0xec: {  	[bflag:$0x0] =	sbarrier.arrive $0xFFFF  }
0xed: {  	_ =	strace $0x90000047  }
0xee: {  	s0 =	stileid.u32;
	[bflag:$0x2] =	sbarrier.arrive $0xFFFF  }
0xef: {  	p0 =	sne.s32 s0, $0x0;
	s0 =	rddreg [dreg:$0x2]  }
0xf0: {  	s0 =	sadd.s32 @!p0 $0x100000, s0  }
0xf1: {  	[sflag:s0] =	ssyncadd.tile.s32 @!p0 $0x1;
	_ =	shalt  }
.Lfunc_end2:
_tile_overlayer_lowered:
.L_overlay_start_2:
0xf2: {  	(tag) =	ssettag $0x2  }
0xf3: {  	s0 =	rddreg [dreg:$0x0];
	s2 =	stileid.u32  }
0xf4: {  	s1 =	rddreg [dreg:$0x1];
	p0 =	sne.s32 s2, $0x0  }
0xf5: {  	s3 =	rddreg [dreg:$0x2];
	[bflag:$0x3] =	sbarrier.arrive $0xFFFF;
	s2 =	simm.s32 @!p0 $0x1C03  }
0xf6: {  	[timem:s3], [sflag:s2] =	dma.local @!p0 [hbm:s0], s1  }
0xf7: {  	s0 =	simm.s32 @!p0 $0x3  }
0xf8: {  	_ =	swait.ge @!p0 [sflag:s0], s1  }
0xf9: {  	s1 =	ssub.s32 @!p0 $0x0, s1;
	[sflag:s0] =	ssyncset.done @!p0 $0x0  }
0xfa: {  	[sflag:s0] =	ssyncadd.s32 @!p0 s1  }
0xfb: {  	[bflag:$0x3] =	sbarrier.arrive $0xFFFF  }
0xfc: {  	_ =	shalt  }

</sc_bundles>
